<compile_context>
chip_gen: v7x
topology: tpu7x:2x2x1
jax: 0.10.2.dev20260603
libtpu: 0.0.44.dev20260713+nightly
codegen_flags: <defaults>
</compile_context>

<pallas_src>
import functools

import jax
import jax.numpy as jnp
from jax import lax
from jax.experimental import pallas as pl
from jax.experimental.pallas import tpu as pltpu
from jax.experimental.pallas import tpu_sc as plsc

_NUM_BINS = 15
_MIN = -3.0
_MAX = 3.0
_D = 64
_B = 16384
_NC = 2
_NS = 16
_NW = _NC * _NS
_BPW = _B // _NW
_L = 16

_SCALE = (_NUM_BINS - 1) / (_MAX - _MIN)
_MAGIC = 2.0 ** 23


def _sc_embed_t(r, table):
    mesh = plsc.VectorSubcoreMesh(core_axis_name="c", subcore_axis_name="s")

    @functools.partial(
        pl.kernel,
        mesh=mesh,
        out_type=jax.ShapeDtypeStruct((_D, _B), jnp.float32),
        compiler_params=pltpu.CompilerParams(
            use_tc_tiling_on_sc=True, needs_layout_passes=False),
        scratch_types=[
            pltpu.VMEM((_BPW,), jnp.float32),
            pltpu.VMEM((_NUM_BINS, _D), jnp.float32),
            pltpu.VMEM((_NUM_BINS * (_D + 1) + 1,), jnp.float32),
            pltpu.VMEM((_D, _BPW), jnp.float32),
        ],
    )
    def k(r_hbm, table_hbm, out_hbm, r_v, table_v, t65_v, outt_v):
        wid = lax.axis_index("s") * _NC + lax.axis_index("c")
        base = wid * _BPW
        pltpu.sync_copy(table_hbm, table_v)
        pltpu.sync_copy(r_hbm.at[pl.ds(base, _BPW)], r_v)
        for b in range(_NUM_BINS):
            for c in range(_D // _L):
                t65_v[pl.ds(b * (_D + 1) + c * _L, _L)] = (
                    table_v[b, pl.ds(c * _L, _L)])
        @plsc.parallel_loop(0, _BPW // _L)
        def _group(i):
            rv = r_v[pl.ds(i * _L, _L)]
            t = jnp.minimum(jnp.maximum(rv, _MIN), _MAX)
            x = (t - _MIN) * jnp.float32(_SCALE)
            f = (x + _MAGIC) - _MAGIC
            idx = f.astype(jnp.int32)
            a65 = idx * (_D + 1)
            for d in range(_D):
                col = plsc.load_gather(t65_v, [a65 + d])
                outt_v[d, pl.ds(i * _L, _L)] = col
        pltpu.sync_copy(outt_v, out_hbm.at[:, pl.ds(base, _BPW)])

    return k(r, table)


def kernel(r, table):
    return _sc_embed_t(r, table).T

# --- scband reference (transcript-rebuilt; emitter-appended) ---
"""Pipeline reference for scband-reward-token-embedding-34351148433422 (READ-ONLY COPY).

The authoritative reference and input builder live on the scoring server;
editing this copy changes nothing except your own understanding.
"""

import jax, jax.numpy as jnp
import numpy as np

NUM_BINS = 15
MIN_VALUE = -3.0
MAX_VALUE = 3.0
EMBED_DIM = 64
BATCH = 16384


def setup_inputs(seed: int = 0) -> dict:
    key = jax.random.key(seed)
    k_r, k_tab = jax.random.split(key)
    r = jax.random.normal(k_r, (BATCH,), dtype=jnp.float32)
    table = jax.random.normal(k_tab, (NUM_BINS, EMBED_DIM), dtype=jnp.float32)
    return {"r": r, "table": table}


def reference(r, table):
    # torch's r.squeeze(-1) is a no-op for a 1-D (batch,) tensor
    r_clamped = jnp.clip(r, MIN_VALUE, MAX_VALUE)
    scale = (NUM_BINS - 1) / (MAX_VALUE - MIN_VALUE)
    idx = jnp.round((r_clamped - MIN_VALUE) * scale).astype(jnp.int32)
    return jnp.take(table, idx, axis=0)

if __name__ == "__main__":
    import jax
    _d = setup_inputs()
    print(jax.jit(kernel)(*tuple(_d.values())))

</pallas_src>

<mosaic_0001>
#map = affine_map<(d0, d1) -> (0)>
#map1 = affine_map<(d0, d1) -> (0, 0)>
module attributes {stable_mosaic.version = 14 : i64} {
  func.func @k(%arg0: i32, %arg1: i32, %arg2: memref<16384xf32, #tpu.memory_space<hbm>>, %arg3: memref<15x64xf32, #tpu.memory_space<hbm>>, %arg4: memref<64x16384xf32, #tpu.memory_space<hbm>>, %arg5: memref<512xf32, #tpu.memory_space<vmem>>, %arg6: memref<15x64xf32, #tpu.memory_space<vmem>>, %arg7: memref<976xf32, #tpu.memory_space<vmem>>, %arg8: memref<64x512xf32, #tpu.memory_space<vmem>>) attributes {dimension_semantics = [#tpu.dimension_semantics<core_parallel>, #tpu.dimension_semantics<subcore_parallel>], iteration_bounds = array<i64: 2, 16>, scalar_prefetch = 0 : i64, scratch_operands = 4 : i64, tpu.core_type = #tpu.core_type<sc_vector_subcore>, window_params = [{transform_indices = #map}, {transform_indices = #map1}, {transform_indices = #map1}]} {
    %mul3A = arith.constant 2 : i32
    %mul3A_0 = arith.muli %arg1, %mul3A : i32
    %add3A = arith.addi %mul3A_0, %arg0 : i32
    %mul3A_1 = arith.constant 512 : i32
    %mul3A_2 = arith.muli %add3A, %mul3A_1 : i32
    "tpu.region"() ({
      %run_scoped3A = tpu.sem_alloc : memref<!tpu.dma_semaphore, #tpu.memory_space<semaphore_mem>>
      tpu.enqueue_dma source(%arg3 : memref<15x64xf32, #tpu.memory_space<hbm>>) target(%arg6 : memref<15x64xf32, #tpu.memory_space<vmem>>) target_semaphore(%run_scoped3A : memref<!tpu.dma_semaphore, #tpu.memory_space<semaphore_mem>>)
      tpu.wait_dma2 semaphore(%run_scoped3A : memref<!tpu.dma_semaphore, #tpu.memory_space<semaphore_mem>>) src(%arg3 : memref<15x64xf32, #tpu.memory_space<hbm>>) dst(%arg6 : memref<15x64xf32, #tpu.memory_space<vmem>>)
      tpu.yield
    }) : () -> ()
    "tpu.region"() ({
      %run_scoped3A = tpu.sem_alloc : memref<!tpu.dma_semaphore, #tpu.memory_space<semaphore_mem>>
      %dma_start3A = tpu.memref_slice %arg2[%mul3A_2] : memref<16384xf32, #tpu.memory_space<hbm>> -> memref<512xf32, #tpu.memory_space<hbm>>
      %dma_start3A_363 = tpu.memref_slice %arg2[%mul3A_2] : memref<16384xf32, #tpu.memory_space<hbm>> -> memref<512xf32, #tpu.memory_space<hbm>>
      tpu.enqueue_dma source(%dma_start3A_363 : memref<512xf32, #tpu.memory_space<hbm>>) target(%arg5 : memref<512xf32, #tpu.memory_space<vmem>>) target_semaphore(%run_scoped3A : memref<!tpu.dma_semaphore, #tpu.memory_space<semaphore_mem>>)
      %dma_wait3A = tpu.memref_slice %arg2[%mul3A_2] : memref<16384xf32, #tpu.memory_space<hbm>> -> memref<512xf32, #tpu.memory_space<hbm>>
      %dma_wait3A_364 = tpu.memref_slice %arg2[%mul3A_2] : memref<16384xf32, #tpu.memory_space<hbm>> -> memref<512xf32, #tpu.memory_space<hbm>>
      tpu.wait_dma2 semaphore(%run_scoped3A : memref<!tpu.dma_semaphore, #tpu.memory_space<semaphore_mem>>) src(%dma_wait3A_364 : memref<512xf32, #tpu.memory_space<hbm>>) dst(%arg5 : memref<512xf32, #tpu.memory_space<vmem>>)
      tpu.yield
    }) : () -> ()
    %get3A = arith.constant 0 : i32
    %get3A_3 = arith.index_cast %get3A : i32 to index
    %get3A_4 = arith.constant 0 : index
    %get3A_5 = tpu.vector_load %arg6[%get3A_3, %get3A_4] {strides = array<i32>} : memref<15x64xf32, #tpu.memory_space<vmem>>, vector<16xf32>,
    %swap3A = arith.constant 0 : index
    %swap3A_6 = tpu.vector_load %arg7[%swap3A] {strides = array<i32>} : memref<976xf32, #tpu.memory_space<vmem>>, vector<16xf32>,
    tpu.vector_store %arg7[%swap3A], %get3A_5 {strides = array<i32>} : memref<976xf32, #tpu.memory_space<vmem>>, vector<16xf32>,
    %get3A_7 = arith.constant 0 : i32
    %get3A_8 = arith.index_cast %get3A_7 : i32 to index
    %get3A_9 = arith.constant 16 : index
    %get3A_10 = tpu.vector_load %arg6[%get3A_8, %get3A_9] {strides = array<i32>} : memref<15x64xf32, #tpu.memory_space<vmem>>, vector<16xf32>,
    %swap3A_11 = arith.constant 16 : index
    %swap3A_12 = tpu.vector_load %arg7[%swap3A_11] {strides = array<i32>} : memref<976xf32, #tpu.memory_space<vmem>>, vector<16xf32>,
    tpu.vector_store %arg7[%swap3A_11], %get3A_10 {strides = array<i32>} : memref<976xf32, #tpu.memory_space<vmem>>, vector<16xf32>,
    %get3A_13 = arith.constant 0 : i32
    %get3A_14 = arith.index_cast %get3A_13 : i32 to index
    %get3A_15 = arith.constant 32 : index
    %get3A_16 = tpu.vector_load %arg6[%get3A_14, %get3A_15] {strides = array<i32>} : memref<15x64xf32, #tpu.memory_space<vmem>>, vector<16xf32>,
    %swap3A_17 = arith.constant 32 : index
    %swap3A_18 = tpu.vector_load %arg7[%swap3A_17] {strides = array<i32>} : memref<976xf32, #tpu.memory_space<vmem>>, vector<16xf32>,
    tpu.vector_store %arg7[%swap3A_17], %get3A_16 {strides = array<i32>} : memref<976xf32, #tpu.memory_space<vmem>>, vector<16xf32>,
    %get3A_19 = arith.constant 0 : i32
    %get3A_20 = arith.index_cast %get3A_19 : i32 to index
    %get3A_21 = arith.constant 48 : index
    %get3A_22 = tpu.vector_load %arg6[%get3A_20, %get3A_21] {strides = array<i32>} : memref<15x64xf32, #tpu.memory_space<vmem>>, vector<16xf32>,
    %swap3A_23 = arith.constant 48 : index
    %swap3A_24 = tpu.vector_load %arg7[%swap3A_23] {strides = array<i32>} : memref<976xf32, #tpu.memory_space<vmem>>, vector<16xf32>,
    tpu.vector_store %arg7[%swap3A_23], %get3A_22 {strides = array<i32>} : memref<976xf32, #tpu.memory_space<vmem>>, vector<16xf32>,
    %get3A_25 = arith.constant 1 : i32
    %get3A_26 = arith.index_cast %get3A_25 : i32 to index
    %get3A_27 = arith.constant 0 : index
    %get3A_28 = tpu.vector_load %arg6[%get3A_26, %get3A_27] {strides = array<i32>} : memref<15x64xf32, #tpu.memory_space<vmem>>, vector<16xf32>,
    %swap3A_29 = arith.constant 65 : index
    %swap3A_30 = tpu.vector_load %arg7[%swap3A_29] {strides = array<i32>} : memref<976xf32, #tpu.memory_space<vmem>>, vector<16xf32>,
    tpu.vector_store %arg7[%swap3A_29], %get3A_28 {strides = array<i32>} : memref<976xf32, #tpu.memory_space<vmem>>, vector<16xf32>,
    %get3A_31 = arith.constant 1 : i32
    %get3A_32 = arith.index_cast %get3A_31 : i32 to index
    %get3A_33 = arith.constant 16 : index
    %get3A_34 = tpu.vector_load %arg6[%get3A_32, %get3A_33] {strides = array<i32>} : memref<15x64xf32, #tpu.memory_space<vmem>>, vector<16xf32>,
    %swap3A_35 = arith.constant 81 : index
    %swap3A_36 = tpu.vector_load %arg7[%swap3A_35] {strides = array<i32>} : memref<976xf32, #tpu.memory_space<vmem>>, vector<16xf32>,
    tpu.vector_store %arg7[%swap3A_35], %get3A_34 {strides = array<i32>} : memref<976xf32, #tpu.memory_space<vmem>>, vector<16xf32>,
    %get3A_37 = arith.constant 1 : i32
    %get3A_38 = arith.index_cast %get3A_37 : i32 to index
    %get3A_39 = arith.constant 32 : index
    %get3A_40 = tpu.vector_load %arg6[%get3A_38, %get3A_39] {strides = array<i32>} : memref<15x64xf32, #tpu.memory_space<vmem>>, vector<16xf32>,
    %swap3A_41 = arith.constant 97 : index
    %swap3A_42 = tpu.vector_load %arg7[%swap3A_41] {strides = array<i32>} : memref<976xf32, #tpu.memory_space<vmem>>, vector<16xf32>,
    tpu.vector_store %arg7[%swap3A_41], %get3A_40 {strides = array<i32>} : memref<976xf32, #tpu.memory_space<vmem>>, vector<16xf32>,
    %get3A_43 = arith.constant 1 : i32
    %get3A_44 = arith.index_cast %get3A_43 : i32 to index
    %get3A_45 = arith.constant 48 : index
    %get3A_46 = tpu.vector_load %arg6[%get3A_44, %get3A_45] {strides = array<i32>} : memref<15x64xf32, #tpu.memory_space<vmem>>, vector<16xf32>,
    %swap3A_47 = arith.constant 113 : index
    %swap3A_48 = tpu.vector_load %arg7[%swap3A_47] {strides = array<i32>} : memref<976xf32, #tpu.memory_space<vmem>>, vector<16xf32>,
    tpu.vector_store %arg7[%swap3A_47], %get3A_46 {strides = array<i32>} : memref<976xf32, #tpu.memory_space<vmem>>, vector<16xf32>,
    %get3A_49 = arith.constant 2 : i32
    %get3A_50 = arith.index_cast %get3A_49 : i32 to index
    %get3A_51 = arith.constant 0 : index
    %get3A_52 = tpu.vector_load %arg6[%get3A_50, %get3A_51] {strides = array<i32>} : memref<15x64xf32, #tpu.memory_space<vmem>>, vector<16xf32>,
    %swap3A_53 = arith.constant 130 : index
    %swap3A_54 = tpu.vector_load %arg7[%swap3A_53] {strides = array<i32>} : memref<976xf32, #tpu.memory_space<vmem>>, vector<16xf32>,
    tpu.vector_store %arg7[%swap3A_53], %get3A_52 {strides = array<i32>} : memref<976xf32, #tpu.memory_space<vmem>>, vector<16xf32>,
    %get3A_55 = arith.constant 2 : i32
    %get3A_56 = arith.index_cast %get3A_55 : i32 to index
    %get3A_57 = arith.constant 16 : index
    %get3A_58 = tpu.vector_load %arg6[%get3A_56, %get3A_57] {strides = array<i32>} : memref<15x64xf32, #tpu.memory_space<vmem>>, vector<16xf32>,
    %swap3A_59 = arith.constant 146 : index
    %swap3A_60 = tpu.vector_load %arg7[%swap3A_59] {strides = array<i32>} : memref<976xf32, #tpu.memory_space<vmem>>, vector<16xf32>,
    tpu.vector_store %arg7[%swap3A_59], %get3A_58 {strides = array<i32>} : memref<976xf32, #tpu.memory_space<vmem>>, vector<16xf32>,
    %get3A_61 = arith.constant 2 : i32
    %get3A_62 = arith.index_cast %get3A_61 : i32 to index
    %get3A_63 = arith.constant 32 : index
    %get3A_64 = tpu.vector_load %arg6[%get3A_62, %get3A_63] {strides = array<i32>} : memref<15x64xf32, #tpu.memory_space<vmem>>, vector<16xf32>,
    %swap3A_65 = arith.constant 162 : index
    %swap3A_66 = tpu.vector_load %arg7[%swap3A_65] {strides = array<i32>} : memref<976xf32, #tpu.memory_space<vmem>>, vector<16xf32>,
    tpu.vector_store %arg7[%swap3A_65], %get3A_64 {strides = array<i32>} : memref<976xf32, #tpu.memory_space<vmem>>, vector<16xf32>,
    %get3A_67 = arith.constant 2 : i32
    %get3A_68 = arith.index_cast %get3A_67 : i32 to index
    %get3A_69 = arith.constant 48 : index
    %get3A_70 = tpu.vector_load %arg6[%get3A_68, %get3A_69] {strides = array<i32>} : memref<15x64xf32, #tpu.memory_space<vmem>>, vector<16xf32>,
    %swap3A_71 = arith.constant 178 : index
    %swap3A_72 = tpu.vector_load %arg7[%swap3A_71] {strides = array<i32>} : memref<976xf32, #tpu.memory_space<vmem>>, vector<16xf32>,
    tpu.vector_store %arg7[%swap3A_71], %get3A_70 {strides = array<i32>} : memref<976xf32, #tpu.memory_space<vmem>>, vector<16xf32>,
    %get3A_73 = arith.constant 3 : i32
    %get3A_74 = arith.index_cast %get3A_73 : i32 to index
    %get3A_75 = arith.constant 0 : index
    %get3A_76 = tpu.vector_load %arg6[%get3A_74, %get3A_75] {strides = array<i32>} : memref<15x64xf32, #tpu.memory_space<vmem>>, vector<16xf32>,
    %swap3A_77 = arith.constant 195 : index
    %swap3A_78 = tpu.vector_load %arg7[%swap3A_77] {strides = array<i32>} : memref<976xf32, #tpu.memory_space<vmem>>, vector<16xf32>,
    tpu.vector_store %arg7[%swap3A_77], %get3A_76 {strides = array<i32>} : memref<976xf32, #tpu.memory_space<vmem>>, vector<16xf32>,
    %get3A_79 = arith.constant 3 : i32
    %get3A_80 = arith.index_cast %get3A_79 : i32 to index
    %get3A_81 = arith.constant 16 : index
    %get3A_82 = tpu.vector_load %arg6[%get3A_80, %get3A_81] {strides = array<i32>} : memref<15x64xf32, #tpu.memory_space<vmem>>, vector<16xf32>,
    %swap3A_83 = arith.constant 211 : index
    %swap3A_84 = tpu.vector_load %arg7[%swap3A_83] {strides = array<i32>} : memref<976xf32, #tpu.memory_space<vmem>>, vector<16xf32>,
    tpu.vector_store %arg7[%swap3A_83], %get3A_82 {strides = array<i32>} : memref<976xf32, #tpu.memory_space<vmem>>, vector<16xf32>,
    %get3A_85 = arith.constant 3 : i32
    %get3A_86 = arith.index_cast %get3A_85 : i32 to index
    %get3A_87 = arith.constant 32 : index
    %get3A_88 = tpu.vector_load %arg6[%get3A_86, %get3A_87] {strides = array<i32>} : memref<15x64xf32, #tpu.memory_space<vmem>>, vector<16xf32>,
    %swap3A_89 = arith.constant 227 : index
    %swap3A_90 = tpu.vector_load %arg7[%swap3A_89] {strides = array<i32>} : memref<976xf32, #tpu.memory_space<vmem>>, vector<16xf32>,
    tpu.vector_store %arg7[%swap3A_89], %get3A_88 {strides = array<i32>} : memref<976xf32, #tpu.memory_space<vmem>>, vector<16xf32>,
    %get3A_91 = arith.constant 3 : i32
    %get3A_92 = arith.index_cast %get3A_91 : i32 to index
    %get3A_93 = arith.constant 48 : index
    %get3A_94 = tpu.vector_load %arg6[%get3A_92, %get3A_93] {strides = array<i32>} : memref<15x64xf32, #tpu.memory_space<vmem>>, vector<16xf32>,
    %swap3A_95 = arith.constant 243 : index
    %swap3A_96 = tpu.vector_load %arg7[%swap3A_95] {strides = array<i32>} : memref<976xf32, #tpu.memory_space<vmem>>, vector<16xf32>,
    tpu.vector_store %arg7[%swap3A_95], %get3A_94 {strides = array<i32>} : memref<976xf32, #tpu.memory_space<vmem>>, vector<16xf32>,
    %get3A_97 = arith.constant 4 : i32
    %get3A_98 = arith.index_cast %get3A_97 : i32 to index
    %get3A_99 = arith.constant 0 : index
    %get3A_100 = tpu.vector_load %arg6[%get3A_98, %get3A_99] {strides = array<i32>} : memref<15x64xf32, #tpu.memory_space<vmem>>, vector<16xf32>,
    %swap3A_101 = arith.constant 260 : index
    %swap3A_102 = tpu.vector_load %arg7[%swap3A_101] {strides = array<i32>} : memref<976xf32, #tpu.memory_space<vmem>>, vector<16xf32>,
    tpu.vector_store %arg7[%swap3A_101], %get3A_100 {strides = array<i32>} : memref<976xf32, #tpu.memory_space<vmem>>, vector<16xf32>,
    %get3A_103 = arith.constant 4 : i32
    %get3A_104 = arith.index_cast %get3A_103 : i32 to index
    %get3A_105 = arith.constant 16 : index
    %get3A_106 = tpu.vector_load %arg6[%get3A_104, %get3A_105] {strides = array<i32>} : memref<15x64xf32, #tpu.memory_space<vmem>>, vector<16xf32>,
    %swap3A_107 = arith.constant 276 : index
    %swap3A_108 = tpu.vector_load %arg7[%swap3A_107] {strides = array<i32>} : memref<976xf32, #tpu.memory_space<vmem>>, vector<16xf32>,
    tpu.vector_store %arg7[%swap3A_107], %get3A_106 {strides = array<i32>} : memref<976xf32, #tpu.memory_space<vmem>>, vector<16xf32>,
    %get3A_109 = arith.constant 4 : i32
    %get3A_110 = arith.index_cast %get3A_109 : i32 to index
    %get3A_111 = arith.constant 32 : index
    %get3A_112 = tpu.vector_load %arg6[%get3A_110, %get3A_111] {strides = array<i32>} : memref<15x64xf32, #tpu.memory_space<vmem>>, vector<16xf32>,
    %swap3A_113 = arith.constant 292 : index
    %swap3A_114 = tpu.vector_load %arg7[%swap3A_113] {strides = array<i32>} : memref<976xf32, #tpu.memory_space<vmem>>, vector<16xf32>,
    tpu.vector_store %arg7[%swap3A_113], %get3A_112 {strides = array<i32>} : memref<976xf32, #tpu.memory_space<vmem>>, vector<16xf32>,
    %get3A_115 = arith.constant 4 : i32
    %get3A_116 = arith.index_cast %get3A_115 : i32 to index
    %get3A_117 = arith.constant 48 : index
    %get3A_118 = tpu.vector_load %arg6[%get3A_116, %get3A_117] {strides = array<i32>} : memref<15x64xf32, #tpu.memory_space<vmem>>, vector<16xf32>,
    %swap3A_119 = arith.constant 308 : index
    %swap3A_120 = tpu.vector_load %arg7[%swap3A_119] {strides = array<i32>} : memref<976xf32, #tpu.memory_space<vmem>>, vector<16xf32>,
    tpu.vector_store %arg7[%swap3A_119], %get3A_118 {strides = array<i32>} : memref<976xf32, #tpu.memory_space<vmem>>, vector<16xf32>,
    %get3A_121 = arith.constant 5 : i32
    %get3A_122 = arith.index_cast %get3A_121 : i32 to index
    %get3A_123 = arith.constant 0 : index
    %get3A_124 = tpu.vector_load %arg6[%get3A_122, %get3A_123] {strides = array<i32>} : memref<15x64xf32, #tpu.memory_space<vmem>>, vector<16xf32>,
    %swap3A_125 = arith.constant 325 : index
    %swap3A_126 = tpu.vector_load %arg7[%swap3A_125] {strides = array<i32>} : memref<976xf32, #tpu.memory_space<vmem>>, vector<16xf32>,
    tpu.vector_store %arg7[%swap3A_125], %get3A_124 {strides = array<i32>} : memref<976xf32, #tpu.memory_space<vmem>>, vector<16xf32>,
    %get3A_127 = arith.constant 5 : i32
    %get3A_128 = arith.index_cast %get3A_127 : i32 to index
    %get3A_129 = arith.constant 16 : index
    %get3A_130 = tpu.vector_load %arg6[%get3A_128, %get3A_129] {strides = array<i32>} : memref<15x64xf32, #tpu.memory_space<vmem>>, vector<16xf32>,
    %swap3A_131 = arith.constant 341 : index
    %swap3A_132 = tpu.vector_load %arg7[%swap3A_131] {strides = array<i32>} : memref<976xf32, #tpu.memory_space<vmem>>, vector<16xf32>,
    tpu.vector_store %arg7[%swap3A_131], %get3A_130 {strides = array<i32>} : memref<976xf32, #tpu.memory_space<vmem>>, vector<16xf32>,
    %get3A_133 = arith.constant 5 : i32
    %get3A_134 = arith.index_cast %get3A_133 : i32 to index
    %get3A_135 = arith.constant 32 : index
    %get3A_136 = tpu.vector_load %arg6[%get3A_134, %get3A_135] {strides = array<i32>} : memref<15x64xf32, #tpu.memory_space<vmem>>, vector<16xf32>,
    %swap3A_137 = arith.constant 357 : index
    %swap3A_138 = tpu.vector_load %arg7[%swap3A_137] {strides = array<i32>} : memref<976xf32, #tpu.memory_space<vmem>>, vector<16xf32>,
    tpu.vector_store %arg7[%swap3A_137], %get3A_136 {strides = array<i32>} : memref<976xf32, #tpu.memory_space<vmem>>, vector<16xf32>,
    %get3A_139 = arith.constant 5 : i32
    %get3A_140 = arith.index_cast %get3A_139 : i32 to index
    %get3A_141 = arith.constant 48 : index
    %get3A_142 = tpu.vector_load %arg6[%get3A_140, %get3A_141] {strides = array<i32>} : memref<15x64xf32, #tpu.memory_space<vmem>>, vector<16xf32>,
    %swap3A_143 = arith.constant 373 : index
    %swap3A_144 = tpu.vector_load %arg7[%swap3A_143] {strides = array<i32>} : memref<976xf32, #tpu.memory_space<vmem>>, vector<16xf32>,
    tpu.vector_store %arg7[%swap3A_143], %get3A_142 {strides = array<i32>} : memref<976xf32, #tpu.memory_space<vmem>>, vector<16xf32>,
    %get3A_145 = arith.constant 6 : i32
    %get3A_146 = arith.index_cast %get3A_145 : i32 to index
    %get3A_147 = arith.constant 0 : index
    %get3A_148 = tpu.vector_load %arg6[%get3A_146, %get3A_147] {strides = array<i32>} : memref<15x64xf32, #tpu.memory_space<vmem>>, vector<16xf32>,
    %swap3A_149 = arith.constant 390 : index
    %swap3A_150 = tpu.vector_load %arg7[%swap3A_149] {strides = array<i32>} : memref<976xf32, #tpu.memory_space<vmem>>, vector<16xf32>,
    tpu.vector_store %arg7[%swap3A_149], %get3A_148 {strides = array<i32>} : memref<976xf32, #tpu.memory_space<vmem>>, vector<16xf32>,
    %get3A_151 = arith.constant 6 : i32
    %get3A_152 = arith.index_cast %get3A_151 : i32 to index
    %get3A_153 = arith.constant 16 : index
    %get3A_154 = tpu.vector_load %arg6[%get3A_152, %get3A_153] {strides = array<i32>} : memref<15x64xf32, #tpu.memory_space<vmem>>, vector<16xf32>,
    %swap3A_155 = arith.constant 406 : index
    %swap3A_156 = tpu.vector_load %arg7[%swap3A_155] {strides = array<i32>} : memref<976xf32, #tpu.memory_space<vmem>>, vector<16xf32>,
    tpu.vector_store %arg7[%swap3A_155], %get3A_154 {strides = array<i32>} : memref<976xf32, #tpu.memory_space<vmem>>, vector<16xf32>,
    %get3A_157 = arith.constant 6 : i32
    %get3A_158 = arith.index_cast %get3A_157 : i32 to index
    %get3A_159 = arith.constant 32 : index
    %get3A_160 = tpu.vector_load %arg6[%get3A_158, %get3A_159] {strides = array<i32>} : memref<15x64xf32, #tpu.memory_space<vmem>>, vector<16xf32>,
    %swap3A_161 = arith.constant 422 : index
    %swap3A_162 = tpu.vector_load %arg7[%swap3A_161] {strides = array<i32>} : memref<976xf32, #tpu.memory_space<vmem>>, vector<16xf32>,
    tpu.vector_store %arg7[%swap3A_161], %get3A_160 {strides = array<i32>} : memref<976xf32, #tpu.memory_space<vmem>>, vector<16xf32>,
    %get3A_163 = arith.constant 6 : i32
    %get3A_164 = arith.index_cast %get3A_163 : i32 to index
    %get3A_165 = arith.constant 48 : index
    %get3A_166 = tpu.vector_load %arg6[%get3A_164, %get3A_165] {strides = array<i32>} : memref<15x64xf32, #tpu.memory_space<vmem>>, vector<16xf32>,
    %swap3A_167 = arith.constant 438 : index
    %swap3A_168 = tpu.vector_load %arg7[%swap3A_167] {strides = array<i32>} : memref<976xf32, #tpu.memory_space<vmem>>, vector<16xf32>,
    tpu.vector_store %arg7[%swap3A_167], %get3A_166 {strides = array<i32>} : memref<976xf32, #tpu.memory_space<vmem>>, vector<16xf32>,
    %get3A_169 = arith.constant 7 : i32
    %get3A_170 = arith.index_cast %get3A_169 : i32 to index
    %get3A_171 = arith.constant 0 : index
    %get3A_172 = tpu.vector_load %arg6[%get3A_170, %get3A_171] {strides = array<i32>} : memref<15x64xf32, #tpu.memory_space<vmem>>, vector<16xf32>,
    %swap3A_173 = arith.constant 455 : index
    %swap3A_174 = tpu.vector_load %arg7[%swap3A_173] {strides = array<i32>} : memref<976xf32, #tpu.memory_space<vmem>>, vector<16xf32>,
    tpu.vector_store %arg7[%swap3A_173], %get3A_172 {strides = array<i32>} : memref<976xf32, #tpu.memory_space<vmem>>, vector<16xf32>,
    %get3A_175 = arith.constant 7 : i32
    %get3A_176 = arith.index_cast %get3A_175 : i32 to index
    %get3A_177 = arith.constant 16 : index
    %get3A_178 = tpu.vector_load %arg6[%get3A_176, %get3A_177] {strides = array<i32>} : memref<15x64xf32, #tpu.memory_space<vmem>>, vector<16xf32>,
    %swap3A_179 = arith.constant 471 : index
    %swap3A_180 = tpu.vector_load %arg7[%swap3A_179] {strides = array<i32>} : memref<976xf32, #tpu.memory_space<vmem>>, vector<16xf32>,
    tpu.vector_store %arg7[%swap3A_179], %get3A_178 {strides = array<i32>} : memref<976xf32, #tpu.memory_space<vmem>>, vector<16xf32>,
    %get3A_181 = arith.constant 7 : i32
    %get3A_182 = arith.index_cast %get3A_181 : i32 to index
    %get3A_183 = arith.constant 32 : index
    %get3A_184 = tpu.vector_load %arg6[%get3A_182, %get3A_183] {strides = array<i32>} : memref<15x64xf32, #tpu.memory_space<vmem>>, vector<16xf32>,
    %swap3A_185 = arith.constant 487 : index
    %swap3A_186 = tpu.vector_load %arg7[%swap3A_185] {strides = array<i32>} : memref<976xf32, #tpu.memory_space<vmem>>, vector<16xf32>,
    tpu.vector_store %arg7[%swap3A_185], %get3A_184 {strides = array<i32>} : memref<976xf32, #tpu.memory_space<vmem>>, vector<16xf32>,
    %get3A_187 = arith.constant 7 : i32
    %get3A_188 = arith.index_cast %get3A_187 : i32 to index
    %get3A_189 = arith.constant 48 : index
    %get3A_190 = tpu.vector_load %arg6[%get3A_188, %get3A_189] {strides = array<i32>} : memref<15x64xf32, #tpu.memory_space<vmem>>, vector<16xf32>,
    %swap3A_191 = arith.constant 503 : index
    %swap3A_192 = tpu.vector_load %arg7[%swap3A_191] {strides = array<i32>} : memref<976xf32, #tpu.memory_space<vmem>>, vector<16xf32>,
    tpu.vector_store %arg7[%swap3A_191], %get3A_190 {strides = array<i32>} : memref<976xf32, #tpu.memory_space<vmem>>, vector<16xf32>,
    %get3A_193 = arith.constant 8 : i32
    %get3A_194 = arith.index_cast %get3A_193 : i32 to index
    %get3A_195 = arith.constant 0 : index
    %get3A_196 = tpu.vector_load %arg6[%get3A_194, %get3A_195] {strides = array<i32>} : memref<15x64xf32, #tpu.memory_space<vmem>>, vector<16xf32>,
    %swap3A_197 = arith.constant 520 : index
    %swap3A_198 = tpu.vector_load %arg7[%swap3A_197] {strides = array<i32>} : memref<976xf32, #tpu.memory_space<vmem>>, vector<16xf32>,
    tpu.vector_store %arg7[%swap3A_197], %get3A_196 {strides = array<i32>} : memref<976xf32, #tpu.memory_space<vmem>>, vector<16xf32>,
    %get3A_199 = arith.constant 8 : i32
    %get3A_200 = arith.index_cast %get3A_199 : i32 to index
    %get3A_201 = arith.constant 16 : index
    %get3A_202 = tpu.vector_load %arg6[%get3A_200, %get3A_201] {strides = array<i32>} : memref<15x64xf32, #tpu.memory_space<vmem>>, vector<16xf32>,
    %swap3A_203 = arith.constant 536 : index
    %swap3A_204 = tpu.vector_load %arg7[%swap3A_203] {strides = array<i32>} : memref<976xf32, #tpu.memory_space<vmem>>, vector<16xf32>,
    tpu.vector_store %arg7[%swap3A_203], %get3A_202 {strides = array<i32>} : memref<976xf32, #tpu.memory_space<vmem>>, vector<16xf32>,
    %get3A_205 = arith.constant 8 : i32
    %get3A_206 = arith.index_cast %get3A_205 : i32 to index
    %get3A_207 = arith.constant 32 : index
    %get3A_208 = tpu.vector_load %arg6[%get3A_206, %get3A_207] {strides = array<i32>} : memref<15x64xf32, #tpu.memory_space<vmem>>, vector<16xf32>,
    %swap3A_209 = arith.constant 552 : index
    %swap3A_210 = tpu.vector_load %arg7[%swap3A_209] {strides = array<i32>} : memref<976xf32, #tpu.memory_space<vmem>>, vector<16xf32>,
    tpu.vector_store %arg7[%swap3A_209], %get3A_208 {strides = array<i32>} : memref<976xf32, #tpu.memory_space<vmem>>, vector<16xf32>,
    %get3A_211 = arith.constant 8 : i32
    %get3A_212 = arith.index_cast %get3A_211 : i32 to index
    %get3A_213 = arith.constant 48 : index
    %get3A_214 = tpu.vector_load %arg6[%get3A_212, %get3A_213] {strides = array<i32>} : memref<15x64xf32, #tpu.memory_space<vmem>>, vector<16xf32>,
    %swap3A_215 = arith.constant 568 : index
    %swap3A_216 = tpu.vector_load %arg7[%swap3A_215] {strides = array<i32>} : memref<976xf32, #tpu.memory_space<vmem>>, vector<16xf32>,
    tpu.vector_store %arg7[%swap3A_215], %get3A_214 {strides = array<i32>} : memref<976xf32, #tpu.memory_space<vmem>>, vector<16xf32>,
    %get3A_217 = arith.constant 9 : i32
    %get3A_218 = arith.index_cast %get3A_217 : i32 to index
    %get3A_219 = arith.constant 0 : index
    %get3A_220 = tpu.vector_load %arg6[%get3A_218, %get3A_219] {strides = array<i32>} : memref<15x64xf32, #tpu.memory_space<vmem>>, vector<16xf32>,
    %swap3A_221 = arith.constant 585 : index
    %swap3A_222 = tpu.vector_load %arg7[%swap3A_221] {strides = array<i32>} : memref<976xf32, #tpu.memory_space<vmem>>, vector<16xf32>,
    tpu.vector_store %arg7[%swap3A_221], %get3A_220 {strides = array<i32>} : memref<976xf32, #tpu.memory_space<vmem>>, vector<16xf32>,
    %get3A_223 = arith.constant 9 : i32
    %get3A_224 = arith.index_cast %get3A_223 : i32 to index
    %get3A_225 = arith.constant 16 : index
    %get3A_226 = tpu.vector_load %arg6[%get3A_224, %get3A_225] {strides = array<i32>} : memref<15x64xf32, #tpu.memory_space<vmem>>, vector<16xf32>,
    %swap3A_227 = arith.constant 601 : index
    %swap3A_228 = tpu.vector_load %arg7[%swap3A_227] {strides = array<i32>} : memref<976xf32, #tpu.memory_space<vmem>>, vector<16xf32>,
    tpu.vector_store %arg7[%swap3A_227], %get3A_226 {strides = array<i32>} : memref<976xf32, #tpu.memory_space<vmem>>, vector<16xf32>,
    %get3A_229 = arith.constant 9 : i32
    %get3A_230 = arith.index_cast %get3A_229 : i32 to index
    %get3A_231 = arith.constant 32 : index
    %get3A_232 = tpu.vector_load %arg6[%get3A_230, %get3A_231] {strides = array<i32>} : memref<15x64xf32, #tpu.memory_space<vmem>>, vector<16xf32>,
    %swap3A_233 = arith.constant 617 : index
    %swap3A_234 = tpu.vector_load %arg7[%swap3A_233] {strides = array<i32>} : memref<976xf32, #tpu.memory_space<vmem>>, vector<16xf32>,
    tpu.vector_store %arg7[%swap3A_233], %get3A_232 {strides = array<i32>} : memref<976xf32, #tpu.memory_space<vmem>>, vector<16xf32>,
    %get3A_235 = arith.constant 9 : i32
    %get3A_236 = arith.index_cast %get3A_235 : i32 to index
    %get3A_237 = arith.constant 48 : index
    %get3A_238 = tpu.vector_load %arg6[%get3A_236, %get3A_237] {strides = array<i32>} : memref<15x64xf32, #tpu.memory_space<vmem>>, vector<16xf32>,
    %swap3A_239 = arith.constant 633 : index
    %swap3A_240 = tpu.vector_load %arg7[%swap3A_239] {strides = array<i32>} : memref<976xf32, #tpu.memory_space<vmem>>, vector<16xf32>,
    tpu.vector_store %arg7[%swap3A_239], %get3A_238 {strides = array<i32>} : memref<976xf32, #tpu.memory_space<vmem>>, vector<16xf32>,
    %get3A_241 = arith.constant 10 : i32
    %get3A_242 = arith.index_cast %get3A_241 : i32 to index
    %get3A_243 = arith.constant 0 : index
    %get3A_244 = tpu.vector_load %arg6[%get3A_242, %get3A_243] {strides = array<i32>} : memref<15x64xf32, #tpu.memory_space<vmem>>, vector<16xf32>,
    %swap3A_245 = arith.constant 650 : index
    %swap3A_246 = tpu.vector_load %arg7[%swap3A_245] {strides = array<i32>} : memref<976xf32, #tpu.memory_space<vmem>>, vector<16xf32>,
    tpu.vector_store %arg7[%swap3A_245], %get3A_244 {strides = array<i32>} : memref<976xf32, #tpu.memory_space<vmem>>, vector<16xf32>,
    %get3A_247 = arith.constant 10 : i32
    %get3A_248 = arith.index_cast %get3A_247 : i32 to index
    %get3A_249 = arith.constant 16 : index
    %get3A_250 = tpu.vector_load %arg6[%get3A_248, %get3A_249] {strides = array<i32>} : memref<15x64xf32, #tpu.memory_space<vmem>>, vector<16xf32>,
    %swap3A_251 = arith.constant 666 : index
    %swap3A_252 = tpu.vector_load %arg7[%swap3A_251] {strides = array<i32>} : memref<976xf32, #tpu.memory_space<vmem>>, vector<16xf32>,
    tpu.vector_store %arg7[%swap3A_251], %get3A_250 {strides = array<i32>} : memref<976xf32, #tpu.memory_space<vmem>>, vector<16xf32>,
    %get3A_253 = arith.constant 10 : i32
    %get3A_254 = arith.index_cast %get3A_253 : i32 to index
    %get3A_255 = arith.constant 32 : index
    %get3A_256 = tpu.vector_load %arg6[%get3A_254, %get3A_255] {strides = array<i32>} : memref<15x64xf32, #tpu.memory_space<vmem>>, vector<16xf32>,
    %swap3A_257 = arith.constant 682 : index
    %swap3A_258 = tpu.vector_load %arg7[%swap3A_257] {strides = array<i32>} : memref<976xf32, #tpu.memory_space<vmem>>, vector<16xf32>,
    tpu.vector_store %arg7[%swap3A_257], %get3A_256 {strides = array<i32>} : memref<976xf32, #tpu.memory_space<vmem>>, vector<16xf32>,
    %get3A_259 = arith.constant 10 : i32
    %get3A_260 = arith.index_cast %get3A_259 : i32 to index
    %get3A_261 = arith.constant 48 : index
    %get3A_262 = tpu.vector_load %arg6[%get3A_260, %get3A_261] {strides = array<i32>} : memref<15x64xf32, #tpu.memory_space<vmem>>, vector<16xf32>,
    %swap3A_263 = arith.constant 698 : index
    %swap3A_264 = tpu.vector_load %arg7[%swap3A_263] {strides = array<i32>} : memref<976xf32, #tpu.memory_space<vmem>>, vector<16xf32>,
    tpu.vector_store %arg7[%swap3A_263], %get3A_262 {strides = array<i32>} : memref<976xf32, #tpu.memory_space<vmem>>, vector<16xf32>,
    %get3A_265 = arith.constant 11 : i32
    %get3A_266 = arith.index_cast %get3A_265 : i32 to index
    %get3A_267 = arith.constant 0 : index
    %get3A_268 = tpu.vector_load %arg6[%get3A_266, %get3A_267] {strides = array<i32>} : memref<15x64xf32, #tpu.memory_space<vmem>>, vector<16xf32>,
    %swap3A_269 = arith.constant 715 : index
    %swap3A_270 = tpu.vector_load %arg7[%swap3A_269] {strides = array<i32>} : memref<976xf32, #tpu.memory_space<vmem>>, vector<16xf32>,
    tpu.vector_store %arg7[%swap3A_269], %get3A_268 {strides = array<i32>} : memref<976xf32, #tpu.memory_space<vmem>>, vector<16xf32>,
    %get3A_271 = arith.constant 11 : i32
    %get3A_272 = arith.index_cast %get3A_271 : i32 to index
    %get3A_273 = arith.constant 16 : index
    %get3A_274 = tpu.vector_load %arg6[%get3A_272, %get3A_273] {strides = array<i32>} : memref<15x64xf32, #tpu.memory_space<vmem>>, vector<16xf32>,
    %swap3A_275 = arith.constant 731 : index
    %swap3A_276 = tpu.vector_load %arg7[%swap3A_275] {strides = array<i32>} : memref<976xf32, #tpu.memory_space<vmem>>, vector<16xf32>,
    tpu.vector_store %arg7[%swap3A_275], %get3A_274 {strides = array<i32>} : memref<976xf32, #tpu.memory_space<vmem>>, vector<16xf32>,
    %get3A_277 = arith.constant 11 : i32
    %get3A_278 = arith.index_cast %get3A_277 : i32 to index
    %get3A_279 = arith.constant 32 : index
    %get3A_280 = tpu.vector_load %arg6[%get3A_278, %get3A_279] {strides = array<i32>} : memref<15x64xf32, #tpu.memory_space<vmem>>, vector<16xf32>,
    %swap3A_281 = arith.constant 747 : index
    %swap3A_282 = tpu.vector_load %arg7[%swap3A_281] {strides = array<i32>} : memref<976xf32, #tpu.memory_space<vmem>>, vector<16xf32>,
    tpu.vector_store %arg7[%swap3A_281], %get3A_280 {strides = array<i32>} : memref<976xf32, #tpu.memory_space<vmem>>, vector<16xf32>,
    %get3A_283 = arith.constant 11 : i32
    %get3A_284 = arith.index_cast %get3A_283 : i32 to index
    %get3A_285 = arith.constant 48 : index
    %get3A_286 = tpu.vector_load %arg6[%get3A_284, %get3A_285] {strides = array<i32>} : memref<15x64xf32, #tpu.memory_space<vmem>>, vector<16xf32>,
    %swap3A_287 = arith.constant 763 : index
    %swap3A_288 = tpu.vector_load %arg7[%swap3A_287] {strides = array<i32>} : memref<976xf32, #tpu.memory_space<vmem>>, vector<16xf32>,
    tpu.vector_store %arg7[%swap3A_287], %get3A_286 {strides = array<i32>} : memref<976xf32, #tpu.memory_space<vmem>>, vector<16xf32>,
    %get3A_289 = arith.constant 12 : i32
    %get3A_290 = arith.index_cast %get3A_289 : i32 to index
    %get3A_291 = arith.constant 0 : index
    %get3A_292 = tpu.vector_load %arg6[%get3A_290, %get3A_291] {strides = array<i32>} : memref<15x64xf32, #tpu.memory_space<vmem>>, vector<16xf32>,
    %swap3A_293 = arith.constant 780 : index
    %swap3A_294 = tpu.vector_load %arg7[%swap3A_293] {strides = array<i32>} : memref<976xf32, #tpu.memory_space<vmem>>, vector<16xf32>,
    tpu.vector_store %arg7[%swap3A_293], %get3A_292 {strides = array<i32>} : memref<976xf32, #tpu.memory_space<vmem>>, vector<16xf32>,
    %get3A_295 = arith.constant 12 : i32
    %get3A_296 = arith.index_cast %get3A_295 : i32 to index
    %get3A_297 = arith.constant 16 : index
    %get3A_298 = tpu.vector_load %arg6[%get3A_296, %get3A_297] {strides = array<i32>} : memref<15x64xf32, #tpu.memory_space<vmem>>, vector<16xf32>,
    %swap3A_299 = arith.constant 796 : index
    %swap3A_300 = tpu.vector_load %arg7[%swap3A_299] {strides = array<i32>} : memref<976xf32, #tpu.memory_space<vmem>>, vector<16xf32>,
    tpu.vector_store %arg7[%swap3A_299], %get3A_298 {strides = array<i32>} : memref<976xf32, #tpu.memory_space<vmem>>, vector<16xf32>,
    %get3A_301 = arith.constant 12 : i32
    %get3A_302 = arith.index_cast %get3A_301 : i32 to index
    %get3A_303 = arith.constant 32 : index
    %get3A_304 = tpu.vector_load %arg6[%get3A_302, %get3A_303] {strides = array<i32>} : memref<15x64xf32, #tpu.memory_space<vmem>>, vector<16xf32>,
    %swap3A_305 = arith.constant 812 : index
    %swap3A_306 = tpu.vector_load %arg7[%swap3A_305] {strides = array<i32>} : memref<976xf32, #tpu.memory_space<vmem>>, vector<16xf32>,
    tpu.vector_store %arg7[%swap3A_305], %get3A_304 {strides = array<i32>} : memref<976xf32, #tpu.memory_space<vmem>>, vector<16xf32>,
    %get3A_307 = arith.constant 12 : i32
    %get3A_308 = arith.index_cast %get3A_307 : i32 to index
    %get3A_309 = arith.constant 48 : index
    %get3A_310 = tpu.vector_load %arg6[%get3A_308, %get3A_309] {strides = array<i32>} : memref<15x64xf32, #tpu.memory_space<vmem>>, vector<16xf32>,
    %swap3A_311 = arith.constant 828 : index
    %swap3A_312 = tpu.vector_load %arg7[%swap3A_311] {strides = array<i32>} : memref<976xf32, #tpu.memory_space<vmem>>, vector<16xf32>,
    tpu.vector_store %arg7[%swap3A_311], %get3A_310 {strides = array<i32>} : memref<976xf32, #tpu.memory_space<vmem>>, vector<16xf32>,
    %get3A_313 = arith.constant 13 : i32
    %get3A_314 = arith.index_cast %get3A_313 : i32 to index
    %get3A_315 = arith.constant 0 : index
    %get3A_316 = tpu.vector_load %arg6[%get3A_314, %get3A_315] {strides = array<i32>} : memref<15x64xf32, #tpu.memory_space<vmem>>, vector<16xf32>,
    %swap3A_317 = arith.constant 845 : index
    %swap3A_318 = tpu.vector_load %arg7[%swap3A_317] {strides = array<i32>} : memref<976xf32, #tpu.memory_space<vmem>>, vector<16xf32>,
    tpu.vector_store %arg7[%swap3A_317], %get3A_316 {strides = array<i32>} : memref<976xf32, #tpu.memory_space<vmem>>, vector<16xf32>,
    %get3A_319 = arith.constant 13 : i32
    %get3A_320 = arith.index_cast %get3A_319 : i32 to index
    %get3A_321 = arith.constant 16 : index
    %get3A_322 = tpu.vector_load %arg6[%get3A_320, %get3A_321] {strides = array<i32>} : memref<15x64xf32, #tpu.memory_space<vmem>>, vector<16xf32>,
    %swap3A_323 = arith.constant 861 : index
    %swap3A_324 = tpu.vector_load %arg7[%swap3A_323] {strides = array<i32>} : memref<976xf32, #tpu.memory_space<vmem>>, vector<16xf32>,
    tpu.vector_store %arg7[%swap3A_323], %get3A_322 {strides = array<i32>} : memref<976xf32, #tpu.memory_space<vmem>>, vector<16xf32>,
    %get3A_325 = arith.constant 13 : i32
    %get3A_326 = arith.index_cast %get3A_325 : i32 to index
    %get3A_327 = arith.constant 32 : index
    %get3A_328 = tpu.vector_load %arg6[%get3A_326, %get3A_327] {strides = array<i32>} : memref<15x64xf32, #tpu.memory_space<vmem>>, vector<16xf32>,
    %swap3A_329 = arith.constant 877 : index
    %swap3A_330 = tpu.vector_load %arg7[%swap3A_329] {strides = array<i32>} : memref<976xf32, #tpu.memory_space<vmem>>, vector<16xf32>,
    tpu.vector_store %arg7[%swap3A_329], %get3A_328 {strides = array<i32>} : memref<976xf32, #tpu.memory_space<vmem>>, vector<16xf32>,
    %get3A_331 = arith.constant 13 : i32
    %get3A_332 = arith.index_cast %get3A_331 : i32 to index
    %get3A_333 = arith.constant 48 : index
    %get3A_334 = tpu.vector_load %arg6[%get3A_332, %get3A_333] {strides = array<i32>} : memref<15x64xf32, #tpu.memory_space<vmem>>, vector<16xf32>,
    %swap3A_335 = arith.constant 893 : index
    %swap3A_336 = tpu.vector_load %arg7[%swap3A_335] {strides = array<i32>} : memref<976xf32, #tpu.memory_space<vmem>>, vector<16xf32>,
    tpu.vector_store %arg7[%swap3A_335], %get3A_334 {strides = array<i32>} : memref<976xf32, #tpu.memory_space<vmem>>, vector<16xf32>,
    %get3A_337 = arith.constant 14 : i32
    %get3A_338 = arith.index_cast %get3A_337 : i32 to index
    %get3A_339 = arith.constant 0 : index
    %get3A_340 = tpu.vector_load %arg6[%get3A_338, %get3A_339] {strides = array<i32>} : memref<15x64xf32, #tpu.memory_space<vmem>>, vector<16xf32>,
    %swap3A_341 = arith.constant 910 : index
    %swap3A_342 = tpu.vector_load %arg7[%swap3A_341] {strides = array<i32>} : memref<976xf32, #tpu.memory_space<vmem>>, vector<16xf32>,
    tpu.vector_store %arg7[%swap3A_341], %get3A_340 {strides = array<i32>} : memref<976xf32, #tpu.memory_space<vmem>>, vector<16xf32>,
    %get3A_343 = arith.constant 14 : i32
    %get3A_344 = arith.index_cast %get3A_343 : i32 to index
    %get3A_345 = arith.constant 16 : index
    %get3A_346 = tpu.vector_load %arg6[%get3A_344, %get3A_345] {strides = array<i32>} : memref<15x64xf32, #tpu.memory_space<vmem>>, vector<16xf32>,
    %swap3A_347 = arith.constant 926 : index
    %swap3A_348 = tpu.vector_load %arg7[%swap3A_347] {strides = array<i32>} : memref<976xf32, #tpu.memory_space<vmem>>, vector<16xf32>,
    tpu.vector_store %arg7[%swap3A_347], %get3A_346 {strides = array<i32>} : memref<976xf32, #tpu.memory_space<vmem>>, vector<16xf32>,
    %get3A_349 = arith.constant 14 : i32
    %get3A_350 = arith.index_cast %get3A_349 : i32 to index
    %get3A_351 = arith.constant 32 : index
    %get3A_352 = tpu.vector_load %arg6[%get3A_350, %get3A_351] {strides = array<i32>} : memref<15x64xf32, #tpu.memory_space<vmem>>, vector<16xf32>,
    %swap3A_353 = arith.constant 942 : index
    %swap3A_354 = tpu.vector_load %arg7[%swap3A_353] {strides = array<i32>} : memref<976xf32, #tpu.memory_space<vmem>>, vector<16xf32>,
    tpu.vector_store %arg7[%swap3A_353], %get3A_352 {strides = array<i32>} : memref<976xf32, #tpu.memory_space<vmem>>, vector<16xf32>,
    %get3A_355 = arith.constant 14 : i32
    %get3A_356 = arith.index_cast %get3A_355 : i32 to index
    %get3A_357 = arith.constant 48 : index
    %get3A_358 = tpu.vector_load %arg6[%get3A_356, %get3A_357] {strides = array<i32>} : memref<15x64xf32, #tpu.memory_space<vmem>>, vector<16xf32>,
    %swap3A_359 = arith.constant 958 : index
    %swap3A_360 = tpu.vector_load %arg7[%swap3A_359] {strides = array<i32>} : memref<976xf32, #tpu.memory_space<vmem>>, vector<16xf32>,
    tpu.vector_store %arg7[%swap3A_359], %get3A_358 {strides = array<i32>} : memref<976xf32, #tpu.memory_space<vmem>>, vector<16xf32>,
    %parallel_loop3A = arith.constant 0 : i32
    %parallel_loop3A_361 = arith.constant 32 : i32
    %parallel_loop3A_362 = arith.constant 1 : i32
    scf.for %parallel_loop3A_363 = %parallel_loop3A to %parallel_loop3A_361 step %parallel_loop3A_362  : i32 {
      %parallel_loop3A_364 = arith.constant 16 : i32
      %parallel_loop3A_365 = arith.muli %parallel_loop3A_363, %parallel_loop3A_364 : i32
      %parallel_loop3A_366 = arith.index_cast %parallel_loop3A_365 : i32 to index
      %parallel_loop3A_367 = tpu.vector_load %arg5[%parallel_loop3A_366] {strides = array<i32>} : memref<512xf32, #tpu.memory_space<vmem>>, vector<16xf32>,
      %parallel_loop3A_368 = arith.constant -3.000000e+00 : f32
      %parallel_loop3A_369 = vector.broadcast %parallel_loop3A_368 : f32 to vector<16xf32>
      %parallel_loop3A_370 = arith.maximumf %parallel_loop3A_367, %parallel_loop3A_369 : vector<16xf32>
      %parallel_loop3A_371 = arith.constant 3.000000e+00 : f32
      %parallel_loop3A_372 = vector.broadcast %parallel_loop3A_371 : f32 to vector<16xf32>
      %parallel_loop3A_373 = arith.minimumf %parallel_loop3A_370, %parallel_loop3A_372 : vector<16xf32>
      %parallel_loop3A_374 = arith.constant -3.000000e+00 : f32
      %parallel_loop3A_375 = vector.broadcast %parallel_loop3A_374 : f32 to vector<16xf32>
      %parallel_loop3A_376 = arith.subf %parallel_loop3A_373, %parallel_loop3A_375 : vector<16xf32>
      %parallel_loop3A_377 = arith.constant 2.33333325 : f32
      %parallel_loop3A_378 = vector.broadcast %parallel_loop3A_377 : f32 to vector<16xf32>
      %parallel_loop3A_379 = arith.mulf %parallel_loop3A_376, %parallel_loop3A_378 : vector<16xf32>
      %parallel_loop3A_380 = arith.constant 0x4B000000 : f32
      %parallel_loop3A_381 = vector.broadcast %parallel_loop3A_380 : f32 to vector<16xf32>
      %parallel_loop3A_382 = arith.addf %parallel_loop3A_379, %parallel_loop3A_381 : vector<16xf32>
      %parallel_loop3A_383 = arith.constant 0x4B000000 : f32
      %parallel_loop3A_384 = vector.broadcast %parallel_loop3A_383 : f32 to vector<16xf32>
      %parallel_loop3A_385 = arith.subf %parallel_loop3A_382, %parallel_loop3A_384 : vector<16xf32>
      %parallel_loop3A_386 = arith.fptosi %parallel_loop3A_385 : vector<16xf32> to vector<16xi32>
      %parallel_loop3A_387 = arith.constant 65 : i32
      %parallel_loop3A_388 = vector.broadcast %parallel_loop3A_387 : i32 to vector<16xi32>
      %parallel_loop3A_389 = arith.muli %parallel_loop3A_386, %parallel_loop3A_388 : vector<16xi32>
      %parallel_loop3A_390 = arith.constant 0 : i32
      %parallel_loop3A_391 = vector.broadcast %parallel_loop3A_390 : i32 to vector<16xi32>
      %parallel_loop3A_392 = arith.addi %parallel_loop3A_389, %parallel_loop3A_391 : vector<16xi32>
      %parallel_loop3A_393 = tpu.vector_load_idx %arg7[%parallel_loop3A_392] : memref<976xf32, #tpu.memory_space<vmem>>[vector<16xi32>], vector<16xf32>,
      %parallel_loop3A_394 = arith.constant 16 : i32
      %parallel_loop3A_395 = arith.muli %parallel_loop3A_363, %parallel_loop3A_394 : i32
      %parallel_loop3A_396 = arith.constant 0 : i32
      %parallel_loop3A_397 = arith.index_cast %parallel_loop3A_396 : i32 to index
      %parallel_loop3A_398 = arith.index_cast %parallel_loop3A_395 : i32 to index
      %parallel_loop3A_399 = tpu.vector_load %arg8[%parallel_loop3A_397, %parallel_loop3A_398] {strides = array<i32>} : memref<64x512xf32, #tpu.memory_space<vmem>>, vector<16xf32>,
      tpu.vector_store %arg8[%parallel_loop3A_397, %parallel_loop3A_398], %parallel_loop3A_393 {strides = array<i32>} : memref<64x512xf32, #tpu.memory_space<vmem>>, vector<16xf32>,
      %parallel_loop3A_400 = arith.constant 1 : i32
      %parallel_loop3A_401 = vector.broadcast %parallel_loop3A_400 : i32 to vector<16xi32>
      %parallel_loop3A_402 = arith.addi %parallel_loop3A_389, %parallel_loop3A_401 : vector<16xi32>
      %parallel_loop3A_403 = tpu.vector_load_idx %arg7[%parallel_loop3A_402] : memref<976xf32, #tpu.memory_space<vmem>>[vector<16xi32>], vector<16xf32>,
      %parallel_loop3A_404 = arith.constant 16 : i32
      %parallel_loop3A_405 = arith.muli %parallel_loop3A_363, %parallel_loop3A_404 : i32
      %parallel_loop3A_406 = arith.constant 1 : i32
      %parallel_loop3A_407 = arith.index_cast %parallel_loop3A_406 : i32 to index
      %parallel_loop3A_408 = arith.index_cast %parallel_loop3A_405 : i32 to index
      %parallel_loop3A_409 = tpu.vector_load %arg8[%parallel_loop3A_407, %parallel_loop3A_408] {strides = array<i32>} : memref<64x512xf32, #tpu.memory_space<vmem>>, vector<16xf32>,
      tpu.vector_store %arg8[%parallel_loop3A_407, %parallel_loop3A_408], %parallel_loop3A_403 {strides = array<i32>} : memref<64x512xf32, #tpu.memory_space<vmem>>, vector<16xf32>,
      %parallel_loop3A_410 = arith.constant 2 : i32
      %parallel_loop3A_411 = vector.broadcast %parallel_loop3A_410 : i32 to vector<16xi32>
      %parallel_loop3A_412 = arith.addi %parallel_loop3A_389, %parallel_loop3A_411 : vector<16xi32>
      %parallel_loop3A_413 = tpu.vector_load_idx %arg7[%parallel_loop3A_412] : memref<976xf32, #tpu.memory_space<vmem>>[vector<16xi32>], vector<16xf32>,
      %parallel_loop3A_414 = arith.constant 16 : i32
      %parallel_loop3A_415 = arith.muli %parallel_loop3A_363, %parallel_loop3A_414 : i32
      %parallel_loop3A_416 = arith.constant 2 : i32
      %parallel_loop3A_417 = arith.index_cast %parallel_loop3A_416 : i32 to index
      %parallel_loop3A_418 = arith.index_cast %parallel_loop3A_415 : i32 to index
      %parallel_loop3A_419 = tpu.vector_load %arg8[%parallel_loop3A_417, %parallel_loop3A_418] {strides = array<i32>} : memref<64x512xf32, #tpu.memory_space<vmem>>, vector<16xf32>,
      tpu.vector_store %arg8[%parallel_loop3A_417, %parallel_loop3A_418], %parallel_loop3A_413 {strides = array<i32>} : memref<64x512xf32, #tpu.memory_space<vmem>>, vector<16xf32>,
      %parallel_loop3A_420 = arith.constant 3 : i32
      %parallel_loop3A_421 = vector.broadcast %parallel_loop3A_420 : i32 to vector<16xi32>
      %parallel_loop3A_422 = arith.addi %parallel_loop3A_389, %parallel_loop3A_421 : vector<16xi32>
      %parallel_loop3A_423 = tpu.vector_load_idx %arg7[%parallel_loop3A_422] : memref<976xf32, #tpu.memory_space<vmem>>[vector<16xi32>], vector<16xf32>,
      %parallel_loop3A_424 = arith.constant 16 : i32
      %parallel_loop3A_425 = arith.muli %parallel_loop3A_363, %parallel_loop3A_424 : i32
      %parallel_loop3A_426 = arith.constant 3 : i32
      %parallel_loop3A_427 = arith.index_cast %parallel_loop3A_426 : i32 to index
      %parallel_loop3A_428 = arith.index_cast %parallel_loop3A_425 : i32 to index
      %parallel_loop3A_429 = tpu.vector_load %arg8[%parallel_loop3A_427, %parallel_loop3A_428] {strides = array<i32>} : memref<64x512xf32, #tpu.memory_space<vmem>>, vector<16xf32>,
      tpu.vector_store %arg8[%parallel_loop3A_427, %parallel_loop3A_428], %parallel_loop3A_423 {strides = array<i32>} : memref<64x512xf32, #tpu.memory_space<vmem>>, vector<16xf32>,
      %parallel_loop3A_430 = arith.constant 4 : i32
      %parallel_loop3A_431 = vector.broadcast %parallel_loop3A_430 : i32 to vector<16xi32>
      %parallel_loop3A_432 = arith.addi %parallel_loop3A_389, %parallel_loop3A_431 : vector<16xi32>
      %parallel_loop3A_433 = tpu.vector_load_idx %arg7[%parallel_loop3A_432] : memref<976xf32, #tpu.memory_space<vmem>>[vector<16xi32>], vector<16xf32>,
      %parallel_loop3A_434 = arith.constant 16 : i32
      %parallel_loop3A_435 = arith.muli %parallel_loop3A_363, %parallel_loop3A_434 : i32
      %parallel_loop3A_436 = arith.constant 4 : i32
      %parallel_loop3A_437 = arith.index_cast %parallel_loop3A_436 : i32 to index
      %parallel_loop3A_438 = arith.index_cast %parallel_loop3A_435 : i32 to index
      %parallel_loop3A_439 = tpu.vector_load %arg8[%parallel_loop3A_437, %parallel_loop3A_438] {strides = array<i32>} : memref<64x512xf32, #tpu.memory_space<vmem>>, vector<16xf32>,
      tpu.vector_store %arg8[%parallel_loop3A_437, %parallel_loop3A_438], %parallel_loop3A_433 {strides = array<i32>} : memref<64x512xf32, #tpu.memory_space<vmem>>, vector<16xf32>,
      %parallel_loop3A_440 = arith.constant 5 : i32
      %parallel_loop3A_441 = vector.broadcast %parallel_loop3A_440 : i32 to vector<16xi32>
      %parallel_loop3A_442 = arith.addi %parallel_loop3A_389, %parallel_loop3A_441 : vector<16xi32>
      %parallel_loop3A_443 = tpu.vector_load_idx %arg7[%parallel_loop3A_442] : memref<976xf32, #tpu.memory_space<vmem>>[vector<16xi32>], vector<16xf32>,
      %parallel_loop3A_444 = arith.constant 16 : i32
      %parallel_loop3A_445 = arith.muli %parallel_loop3A_363, %parallel_loop3A_444 : i32
      %parallel_loop3A_446 = arith.constant 5 : i32
      %parallel_loop3A_447 = arith.index_cast %parallel_loop3A_446 : i32 to index
      %parallel_loop3A_448 = arith.index_cast %parallel_loop3A_445 : i32 to index
      %parallel_loop3A_449 = tpu.vector_load %arg8[%parallel_loop3A_447, %parallel_loop3A_448] {strides = array<i32>} : memref<64x512xf32, #tpu.memory_space<vmem>>, vector<16xf32>,
      tpu.vector_store %arg8[%parallel_loop3A_447, %parallel_loop3A_448], %parallel_loop3A_443 {strides = array<i32>} : memref<64x512xf32, #tpu.memory_space<vmem>>, vector<16xf32>,
      %parallel_loop3A_450 = arith.constant 6 : i32
      %parallel_loop3A_451 = vector.broadcast %parallel_loop3A_450 : i32 to vector<16xi32>
      %parallel_loop3A_452 = arith.addi %parallel_loop3A_389, %parallel_loop3A_451 : vector<16xi32>
      %parallel_loop3A_453 = tpu.vector_load_idx %arg7[%parallel_loop3A_452] : memref<976xf32, #tpu.memory_space<vmem>>[vector<16xi32>], vector<16xf32>,
      %parallel_loop3A_454 = arith.constant 16 : i32
      %parallel_loop3A_455 = arith.muli %parallel_loop3A_363, %parallel_loop3A_454 : i32
      %parallel_loop3A_456 = arith.constant 6 : i32
      %parallel_loop3A_457 = arith.index_cast %parallel_loop3A_456 : i32 to index
      %parallel_loop3A_458 = arith.index_cast %parallel_loop3A_455 : i32 to index
      %parallel_loop3A_459 = tpu.vector_load %arg8[%parallel_loop3A_457, %parallel_loop3A_458] {strides = array<i32>} : memref<64x512xf32, #tpu.memory_space<vmem>>, vector<16xf32>,
      tpu.vector_store %arg8[%parallel_loop3A_457, %parallel_loop3A_458], %parallel_loop3A_453 {strides = array<i32>} : memref<64x512xf32, #tpu.memory_space<vmem>>, vector<16xf32>,
      %parallel_loop3A_460 = arith.constant 7 : i32
      %parallel_loop3A_461 = vector.broadcast %parallel_loop3A_460 : i32 to vector<16xi32>
      %parallel_loop3A_462 = arith.addi %parallel_loop3A_389, %parallel_loop3A_461 : vector<16xi32>
      %parallel_loop3A_463 = tpu.vector_load_idx %arg7[%parallel_loop3A_462] : memref<976xf32, #tpu.memory_space<vmem>>[vector<16xi32>], vector<16xf32>,
      %parallel_loop3A_464 = arith.constant 16 : i32
      %parallel_loop3A_465 = arith.muli %parallel_loop3A_363, %parallel_loop3A_464 : i32
      %parallel_loop3A_466 = arith.constant 7 : i32
      %parallel_loop3A_467 = arith.index_cast %parallel_loop3A_466 : i32 to index
      %parallel_loop3A_468 = arith.index_cast %parallel_loop3A_465 : i32 to index
      %parallel_loop3A_469 = tpu.vector_load %arg8[%parallel_loop3A_467, %parallel_loop3A_468] {strides = array<i32>} : memref<64x512xf32, #tpu.memory_space<vmem>>, vector<16xf32>,
      tpu.vector_store %arg8[%parallel_loop3A_467, %parallel_loop3A_468], %parallel_loop3A_463 {strides = array<i32>} : memref<64x512xf32, #tpu.memory_space<vmem>>, vector<16xf32>,
      %parallel_loop3A_470 = arith.constant 8 : i32
      %parallel_loop3A_471 = vector.broadcast %parallel_loop3A_470 : i32 to vector<16xi32>
      %parallel_loop3A_472 = arith.addi %parallel_loop3A_389, %parallel_loop3A_471 : vector<16xi32>
      %parallel_loop3A_473 = tpu.vector_load_idx %arg7[%parallel_loop3A_472] : memref<976xf32, #tpu.memory_space<vmem>>[vector<16xi32>], vector<16xf32>,
      %parallel_loop3A_474 = arith.constant 16 : i32
      %parallel_loop3A_475 = arith.muli %parallel_loop3A_363, %parallel_loop3A_474 : i32
      %parallel_loop3A_476 = arith.constant 8 : i32
      %parallel_loop3A_477 = arith.index_cast %parallel_loop3A_476 : i32 to index
      %parallel_loop3A_478 = arith.index_cast %parallel_loop3A_475 : i32 to index
      %parallel_loop3A_479 = tpu.vector_load %arg8[%parallel_loop3A_477, %parallel_loop3A_478] {strides = array<i32>} : memref<64x512xf32, #tpu.memory_space<vmem>>, vector<16xf32>,
      tpu.vector_store %arg8[%parallel_loop3A_477, %parallel_loop3A_478], %parallel_loop3A_473 {strides = array<i32>} : memref<64x512xf32, #tpu.memory_space<vmem>>, vector<16xf32>,
      %parallel_loop3A_480 = arith.constant 9 : i32
      %parallel_loop3A_481 = vector.broadcast %parallel_loop3A_480 : i32 to vector<16xi32>
      %parallel_loop3A_482 = arith.addi %parallel_loop3A_389, %parallel_loop3A_481 : vector<16xi32>
      %parallel_loop3A_483 = tpu.vector_load_idx %arg7[%parallel_loop3A_482] : memref<976xf32, #tpu.memory_space<vmem>>[vector<16xi32>], vector<16xf32>,
      %parallel_loop3A_484 = arith.constant 16 : i32
      %parallel_loop3A_485 = arith.muli %parallel_loop3A_363, %parallel_loop3A_484 : i32
      %parallel_loop3A_486 = arith.constant 9 : i32
      %parallel_loop3A_487 = arith.index_cast %parallel_loop3A_486 : i32 to index
      %parallel_loop3A_488 = arith.index_cast %parallel_loop3A_485 : i32 to index
      %parallel_loop3A_489 = tpu.vector_load %arg8[%parallel_loop3A_487, %parallel_loop3A_488] {strides = array<i32>} : memref<64x512xf32, #tpu.memory_space<vmem>>, vector<16xf32>,
      tpu.vector_store %arg8[%parallel_loop3A_487, %parallel_loop3A_488], %parallel_loop3A_483 {strides = array<i32>} : memref<64x512xf32, #tpu.memory_space<vmem>>, vector<16xf32>,
      %parallel_loop3A_490 = arith.constant 10 : i32
      %parallel_loop3A_491 = vector.broadcast %parallel_loop3A_490 : i32 to vector<16xi32>
      %parallel_loop3A_492 = arith.addi %parallel_loop3A_389, %parallel_loop3A_491 : vector<16xi32>
      %parallel_loop3A_493 = tpu.vector_load_idx %arg7[%parallel_loop3A_492] : memref<976xf32, #tpu.memory_space<vmem>>[vector<16xi32>], vector<16xf32>,
      %parallel_loop3A_494 = arith.constant 16 : i32
      %parallel_loop3A_495 = arith.muli %parallel_loop3A_363, %parallel_loop3A_494 : i32
      %parallel_loop3A_496 = arith.constant 10 : i32
      %parallel_loop3A_497 = arith.index_cast %parallel_loop3A_496 : i32 to index
      %parallel_loop3A_498 = arith.index_cast %parallel_loop3A_495 : i32 to index
      %parallel_loop3A_499 = tpu.vector_load %arg8[%parallel_loop3A_497, %parallel_loop3A_498] {strides = array<i32>} : memref<64x512xf32, #tpu.memory_space<vmem>>, vector<16xf32>,
      tpu.vector_store %arg8[%parallel_loop3A_497, %parallel_loop3A_498], %parallel_loop3A_493 {strides = array<i32>} : memref<64x512xf32, #tpu.memory_space<vmem>>, vector<16xf32>,
      %parallel_loop3A_500 = arith.constant 11 : i32
      %parallel_loop3A_501 = vector.broadcast %parallel_loop3A_500 : i32 to vector<16xi32>
      %parallel_loop3A_502 = arith.addi %parallel_loop3A_389, %parallel_loop3A_501 : vector<16xi32>
      %parallel_loop3A_503 = tpu.vector_load_idx %arg7[%parallel_loop3A_502] : memref<976xf32, #tpu.memory_space<vmem>>[vector<16xi32>], vector<16xf32>,
      %parallel_loop3A_504 = arith.constant 16 : i32
      %parallel_loop3A_505 = arith.muli %parallel_loop3A_363, %parallel_loop3A_504 : i32
      %parallel_loop3A_506 = arith.constant 11 : i32
      %parallel_loop3A_507 = arith.index_cast %parallel_loop3A_506 : i32 to index
      %parallel_loop3A_508 = arith.index_cast %parallel_loop3A_505 : i32 to index
      %parallel_loop3A_509 = tpu.vector_load %arg8[%parallel_loop3A_507, %parallel_loop3A_508] {strides = array<i32>} : memref<64x512xf32, #tpu.memory_space<vmem>>, vector<16xf32>,
      tpu.vector_store %arg8[%parallel_loop3A_507, %parallel_loop3A_508], %parallel_loop3A_503 {strides = array<i32>} : memref<64x512xf32, #tpu.memory_space<vmem>>, vector<16xf32>,
      %parallel_loop3A_510 = arith.constant 12 : i32
      %parallel_loop3A_511 = vector.broadcast %parallel_loop3A_510 : i32 to vector<16xi32>
      %parallel_loop3A_512 = arith.addi %parallel_loop3A_389, %parallel_loop3A_511 : vector<16xi32>
      %parallel_loop3A_513 = tpu.vector_load_idx %arg7[%parallel_loop3A_512] : memref<976xf32, #tpu.memory_space<vmem>>[vector<16xi32>], vector<16xf32>,
      %parallel_loop3A_514 = arith.constant 16 : i32
      %parallel_loop3A_515 = arith.muli %parallel_loop3A_363, %parallel_loop3A_514 : i32
      %parallel_loop3A_516 = arith.constant 12 : i32
      %parallel_loop3A_517 = arith.index_cast %parallel_loop3A_516 : i32 to index
      %parallel_loop3A_518 = arith.index_cast %parallel_loop3A_515 : i32 to index
      %parallel_loop3A_519 = tpu.vector_load %arg8[%parallel_loop3A_517, %parallel_loop3A_518] {strides = array<i32>} : memref<64x512xf32, #tpu.memory_space<vmem>>, vector<16xf32>,
      tpu.vector_store %arg8[%parallel_loop3A_517, %parallel_loop3A_518], %parallel_loop3A_513 {strides = array<i32>} : memref<64x512xf32, #tpu.memory_space<vmem>>, vector<16xf32>,
      %parallel_loop3A_520 = arith.constant 13 : i32
      %parallel_loop3A_521 = vector.broadcast %parallel_loop3A_520 : i32 to vector<16xi32>
      %parallel_loop3A_522 = arith.addi %parallel_loop3A_389, %parallel_loop3A_521 : vector<16xi32>
      %parallel_loop3A_523 = tpu.vector_load_idx %arg7[%parallel_loop3A_522] : memref<976xf32, #tpu.memory_space<vmem>>[vector<16xi32>], vector<16xf32>,
      %parallel_loop3A_524 = arith.constant 16 : i32
      %parallel_loop3A_525 = arith.muli %parallel_loop3A_363, %parallel_loop3A_524 : i32
      %parallel_loop3A_526 = arith.constant 13 : i32
      %parallel_loop3A_527 = arith.index_cast %parallel_loop3A_526 : i32 to index
      %parallel_loop3A_528 = arith.index_cast %parallel_loop3A_525 : i32 to index
      %parallel_loop3A_529 = tpu.vector_load %arg8[%parallel_loop3A_527, %parallel_loop3A_528] {strides = array<i32>} : memref<64x512xf32, #tpu.memory_space<vmem>>, vector<16xf32>,
      tpu.vector_store %arg8[%parallel_loop3A_527, %parallel_loop3A_528], %parallel_loop3A_523 {strides = array<i32>} : memref<64x512xf32, #tpu.memory_space<vmem>>, vector<16xf32>,
      %parallel_loop3A_530 = arith.constant 14 : i32
      %parallel_loop3A_531 = vector.broadcast %parallel_loop3A_530 : i32 to vector<16xi32>
      %parallel_loop3A_532 = arith.addi %parallel_loop3A_389, %parallel_loop3A_531 : vector<16xi32>
      %parallel_loop3A_533 = tpu.vector_load_idx %arg7[%parallel_loop3A_532] : memref<976xf32, #tpu.memory_space<vmem>>[vector<16xi32>], vector<16xf32>,
      %parallel_loop3A_534 = arith.constant 16 : i32
      %parallel_loop3A_535 = arith.muli %parallel_loop3A_363, %parallel_loop3A_534 : i32
      %parallel_loop3A_536 = arith.constant 14 : i32
      %parallel_loop3A_537 = arith.index_cast %parallel_loop3A_536 : i32 to index
      %parallel_loop3A_538 = arith.index_cast %parallel_loop3A_535 : i32 to index
      %parallel_loop3A_539 = tpu.vector_load %arg8[%parallel_loop3A_537, %parallel_loop3A_538] {strides = array<i32>} : memref<64x512xf32, #tpu.memory_space<vmem>>, vector<16xf32>,
      tpu.vector_store %arg8[%parallel_loop3A_537, %parallel_loop3A_538], %parallel_loop3A_533 {strides = array<i32>} : memref<64x512xf32, #tpu.memory_space<vmem>>, vector<16xf32>,
      %parallel_loop3A_540 = arith.constant 15 : i32
      %parallel_loop3A_541 = vector.broadcast %parallel_loop3A_540 : i32 to vector<16xi32>
      %parallel_loop3A_542 = arith.addi %parallel_loop3A_389, %parallel_loop3A_541 : vector<16xi32>
      %parallel_loop3A_543 = tpu.vector_load_idx %arg7[%parallel_loop3A_542] : memref<976xf32, #tpu.memory_space<vmem>>[vector<16xi32>], vector<16xf32>,
      %parallel_loop3A_544 = arith.constant 16 : i32
      %parallel_loop3A_545 = arith.muli %parallel_loop3A_363, %parallel_loop3A_544 : i32
      %parallel_loop3A_546 = arith.constant 15 : i32
      %parallel_loop3A_547 = arith.index_cast %parallel_loop3A_546 : i32 to index
      %parallel_loop3A_548 = arith.index_cast %parallel_loop3A_545 : i32 to index
      %parallel_loop3A_549 = tpu.vector_load %arg8[%parallel_loop3A_547, %parallel_loop3A_548] {strides = array<i32>} : memref<64x512xf32, #tpu.memory_space<vmem>>, vector<16xf32>,
      tpu.vector_store %arg8[%parallel_loop3A_547, %parallel_loop3A_548], %parallel_loop3A_543 {strides = array<i32>} : memref<64x512xf32, #tpu.memory_space<vmem>>, vector<16xf32>,
      %parallel_loop3A_550 = arith.constant 16 : i32
      %parallel_loop3A_551 = vector.broadcast %parallel_loop3A_550 : i32 to vector<16xi32>
      %parallel_loop3A_552 = arith.addi %parallel_loop3A_389, %parallel_loop3A_551 : vector<16xi32>
      %parallel_loop3A_553 = tpu.vector_load_idx %arg7[%parallel_loop3A_552] : memref<976xf32, #tpu.memory_space<vmem>>[vector<16xi32>], vector<16xf32>,
      %parallel_loop3A_554 = arith.constant 16 : i32
      %parallel_loop3A_555 = arith.muli %parallel_loop3A_363, %parallel_loop3A_554 : i32
      %parallel_loop3A_556 = arith.constant 16 : i32
      %parallel_loop3A_557 = arith.index_cast %parallel_loop3A_556 : i32 to index
      %parallel_loop3A_558 = arith.index_cast %parallel_loop3A_555 : i32 to index
      %parallel_loop3A_559 = tpu.vector_load %arg8[%parallel_loop3A_557, %parallel_loop3A_558] {strides = array<i32>} : memref<64x512xf32, #tpu.memory_space<vmem>>, vector<16xf32>,
      tpu.vector_store %arg8[%parallel_loop3A_557, %parallel_loop3A_558], %parallel_loop3A_553 {strides = array<i32>} : memref<64x512xf32, #tpu.memory_space<vmem>>, vector<16xf32>,
      %parallel_loop3A_560 = arith.constant 17 : i32
      %parallel_loop3A_561 = vector.broadcast %parallel_loop3A_560 : i32 to vector<16xi32>
      %parallel_loop3A_562 = arith.addi %parallel_loop3A_389, %parallel_loop3A_561 : vector<16xi32>
      %parallel_loop3A_563 = tpu.vector_load_idx %arg7[%parallel_loop3A_562] : memref<976xf32, #tpu.memory_space<vmem>>[vector<16xi32>], vector<16xf32>,
      %parallel_loop3A_564 = arith.constant 16 : i32
      %parallel_loop3A_565 = arith.muli %parallel_loop3A_363, %parallel_loop3A_564 : i32
      %parallel_loop3A_566 = arith.constant 17 : i32
      %parallel_loop3A_567 = arith.index_cast %parallel_loop3A_566 : i32 to index
      %parallel_loop3A_568 = arith.index_cast %parallel_loop3A_565 : i32 to index
      %parallel_loop3A_569 = tpu.vector_load %arg8[%parallel_loop3A_567, %parallel_loop3A_568] {strides = array<i32>} : memref<64x512xf32, #tpu.memory_space<vmem>>, vector<16xf32>,
      tpu.vector_store %arg8[%parallel_loop3A_567, %parallel_loop3A_568], %parallel_loop3A_563 {strides = array<i32>} : memref<64x512xf32, #tpu.memory_space<vmem>>, vector<16xf32>,
      %parallel_loop3A_570 = arith.constant 18 : i32
      %parallel_loop3A_571 = vector.broadcast %parallel_loop3A_570 : i32 to vector<16xi32>
      %parallel_loop3A_572 = arith.addi %parallel_loop3A_389, %parallel_loop3A_571 : vector<16xi32>
      %parallel_loop3A_573 = tpu.vector_load_idx %arg7[%parallel_loop3A_572] : memref<976xf32, #tpu.memory_space<vmem>>[vector<16xi32>], vector<16xf32>,
      %parallel_loop3A_574 = arith.constant 16 : i32
      %parallel_loop3A_575 = arith.muli %parallel_loop3A_363, %parallel_loop3A_574 : i32
      %parallel_loop3A_576 = arith.constant 18 : i32
      %parallel_loop3A_577 = arith.index_cast %parallel_loop3A_576 : i32 to index
      %parallel_loop3A_578 = arith.index_cast %parallel_loop3A_575 : i32 to index
      %parallel_loop3A_579 = tpu.vector_load %arg8[%parallel_loop3A_577, %parallel_loop3A_578] {strides = array<i32>} : memref<64x512xf32, #tpu.memory_space<vmem>>, vector<16xf32>,
      tpu.vector_store %arg8[%parallel_loop3A_577, %parallel_loop3A_578], %parallel_loop3A_573 {strides = array<i32>} : memref<64x512xf32, #tpu.memory_space<vmem>>, vector<16xf32>,
      %parallel_loop3A_580 = arith.constant 19 : i32
      %parallel_loop3A_581 = vector.broadcast %parallel_loop3A_580 : i32 to vector<16xi32>
      %parallel_loop3A_582 = arith.addi %parallel_loop3A_389, %parallel_loop3A_581 : vector<16xi32>
      %parallel_loop3A_583 = tpu.vector_load_idx %arg7[%parallel_loop3A_582] : memref<976xf32, #tpu.memory_space<vmem>>[vector<16xi32>], vector<16xf32>,
      %parallel_loop3A_584 = arith.constant 16 : i32
      %parallel_loop3A_585 = arith.muli %parallel_loop3A_363, %parallel_loop3A_584 : i32
      %parallel_loop3A_586 = arith.constant 19 : i32
      %parallel_loop3A_587 = arith.index_cast %parallel_loop3A_586 : i32 to index
      %parallel_loop3A_588 = arith.index_cast %parallel_loop3A_585 : i32 to index
      %parallel_loop3A_589 = tpu.vector_load %arg8[%parallel_loop3A_587, %parallel_loop3A_588] {strides = array<i32>} : memref<64x512xf32, #tpu.memory_space<vmem>>, vector<16xf32>,
      tpu.vector_store %arg8[%parallel_loop3A_587, %parallel_loop3A_588], %parallel_loop3A_583 {strides = array<i32>} : memref<64x512xf32, #tpu.memory_space<vmem>>, vector<16xf32>,
      %parallel_loop3A_590 = arith.constant 20 : i32
      %parallel_loop3A_591 = vector.broadcast %parallel_loop3A_590 : i32 to vector<16xi32>
      %parallel_loop3A_592 = arith.addi %parallel_loop3A_389, %parallel_loop3A_591 : vector<16xi32>
      %parallel_loop3A_593 = tpu.vector_load_idx %arg7[%parallel_loop3A_592] : memref<976xf32, #tpu.memory_space<vmem>>[vector<16xi32>], vector<16xf32>,
      %parallel_loop3A_594 = arith.constant 16 : i32
      %parallel_loop3A_595 = arith.muli %parallel_loop3A_363, %parallel_loop3A_594 : i32
      %parallel_loop3A_596 = arith.constant 20 : i32
      %parallel_loop3A_597 = arith.index_cast %parallel_loop3A_596 : i32 to index
      %parallel_loop3A_598 = arith.index_cast %parallel_loop3A_595 : i32 to index
      %parallel_loop3A_599 = tpu.vector_load %arg8[%parallel_loop3A_597, %parallel_loop3A_598] {strides = array<i32>} : memref<64x512xf32, #tpu.memory_space<vmem>>, vector<16xf32>,
      tpu.vector_store %arg8[%parallel_loop3A_597, %parallel_loop3A_598], %parallel_loop3A_593 {strides = array<i32>} : memref<64x512xf32, #tpu.memory_space<vmem>>, vector<16xf32>,
      %parallel_loop3A_600 = arith.constant 21 : i32
      %parallel_loop3A_601 = vector.broadcast %parallel_loop3A_600 : i32 to vector<16xi32>
      %parallel_loop3A_602 = arith.addi %parallel_loop3A_389, %parallel_loop3A_601 : vector<16xi32>
      %parallel_loop3A_603 = tpu.vector_load_idx %arg7[%parallel_loop3A_602] : memref<976xf32, #tpu.memory_space<vmem>>[vector<16xi32>], vector<16xf32>,
      %parallel_loop3A_604 = arith.constant 16 : i32
      %parallel_loop3A_605 = arith.muli %parallel_loop3A_363, %parallel_loop3A_604 : i32
      %parallel_loop3A_606 = arith.constant 21 : i32
      %parallel_loop3A_607 = arith.index_cast %parallel_loop3A_606 : i32 to index
      %parallel_loop3A_608 = arith.index_cast %parallel_loop3A_605 : i32 to index
      %parallel_loop3A_609 = tpu.vector_load %arg8[%parallel_loop3A_607, %parallel_loop3A_608] {strides = array<i32>} : memref<64x512xf32, #tpu.memory_space<vmem>>, vector<16xf32>,
      tpu.vector_store %arg8[%parallel_loop3A_607, %parallel_loop3A_608], %parallel_loop3A_603 {strides = array<i32>} : memref<64x512xf32, #tpu.memory_space<vmem>>, vector<16xf32>,
      %parallel_loop3A_610 = arith.constant 22 : i32
      %parallel_loop3A_611 = vector.broadcast %parallel_loop3A_610 : i32 to vector<16xi32>
      %parallel_loop3A_612 = arith.addi %parallel_loop3A_389, %parallel_loop3A_611 : vector<16xi32>
      %parallel_loop3A_613 = tpu.vector_load_idx %arg7[%parallel_loop3A_612] : memref<976xf32, #tpu.memory_space<vmem>>[vector<16xi32>], vector<16xf32>,
      %parallel_loop3A_614 = arith.constant 16 : i32
      %parallel_loop3A_615 = arith.muli %parallel_loop3A_363, %parallel_loop3A_614 : i32
      %parallel_loop3A_616 = arith.constant 22 : i32
      %parallel_loop3A_617 = arith.index_cast %parallel_loop3A_616 : i32 to index
      %parallel_loop3A_618 = arith.index_cast %parallel_loop3A_615 : i32 to index
      %parallel_loop3A_619 = tpu.vector_load %arg8[%parallel_loop3A_617, %parallel_loop3A_618] {strides = array<i32>} : memref<64x512xf32, #tpu.memory_space<vmem>>, vector<16xf32>,
      tpu.vector_store %arg8[%parallel_loop3A_617, %parallel_loop3A_618], %parallel_loop3A_613 {strides = array<i32>} : memref<64x512xf32, #tpu.memory_space<vmem>>, vector<16xf32>,
      %parallel_loop3A_620 = arith.constant 23 : i32
      %parallel_loop3A_621 = vector.broadcast %parallel_loop3A_620 : i32 to vector<16xi32>
      %parallel_loop3A_622 = arith.addi %parallel_loop3A_389, %parallel_loop3A_621 : vector<16xi32>
      %parallel_loop3A_623 = tpu.vector_load_idx %arg7[%parallel_loop3A_622] : memref<976xf32, #tpu.memory_space<vmem>>[vector<16xi32>], vector<16xf32>,
      %parallel_loop3A_624 = arith.constant 16 : i32
      %parallel_loop3A_625 = arith.muli %parallel_loop3A_363, %parallel_loop3A_624 : i32
      %parallel_loop3A_626 = arith.constant 23 : i32
      %parallel_loop3A_627 = arith.index_cast %parallel_loop3A_626 : i32 to index
      %parallel_loop3A_628 = arith.index_cast %parallel_loop3A_625 : i32 to index
      %parallel_loop3A_629 = tpu.vector_load %arg8[%parallel_loop3A_627, %parallel_loop3A_628] {strides = array<i32>} : memref<64x512xf32, #tpu.memory_space<vmem>>, vector<16xf32>,
      tpu.vector_store %arg8[%parallel_loop3A_627, %parallel_loop3A_628], %parallel_loop3A_623 {strides = array<i32>} : memref<64x512xf32, #tpu.memory_space<vmem>>, vector<16xf32>,
      %parallel_loop3A_630 = arith.constant 24 : i32
      %parallel_loop3A_631 = vector.broadcast %parallel_loop3A_630 : i32 to vector<16xi32>
      %parallel_loop3A_632 = arith.addi %parallel_loop3A_389, %parallel_loop3A_631 : vector<16xi32>
      %parallel_loop3A_633 = tpu.vector_load_idx %arg7[%parallel_loop3A_632] : memref<976xf32, #tpu.memory_space<vmem>>[vector<16xi32>], vector<16xf32>,
      %parallel_loop3A_634 = arith.constant 16 : i32
      %parallel_loop3A_635 = arith.muli %parallel_loop3A_363, %parallel_loop3A_634 : i32
      %parallel_loop3A_636 = arith.constant 24 : i32
      %parallel_loop3A_637 = arith.index_cast %parallel_loop3A_636 : i32 to index
      %parallel_loop3A_638 = arith.index_cast %parallel_loop3A_635 : i32 to index
      %parallel_loop3A_639 = tpu.vector_load %arg8[%parallel_loop3A_637, %parallel_loop3A_638] {strides = array<i32>} : memref<64x512xf32, #tpu.memory_space<vmem>>, vector<16xf32>,
      tpu.vector_store %arg8[%parallel_loop3A_637, %parallel_loop3A_638], %parallel_loop3A_633 {strides = array<i32>} : memref<64x512xf32, #tpu.memory_space<vmem>>, vector<16xf32>,
      %parallel_loop3A_640 = arith.constant 25 : i32
      %parallel_loop3A_641 = vector.broadcast %parallel_loop3A_640 : i32 to vector<16xi32>
      %parallel_loop3A_642 = arith.addi %parallel_loop3A_389, %parallel_loop3A_641 : vector<16xi32>
      %parallel_loop3A_643 = tpu.vector_load_idx %arg7[%parallel_loop3A_642] : memref<976xf32, #tpu.memory_space<vmem>>[vector<16xi32>], vector<16xf32>,
      %parallel_loop3A_644 = arith.constant 16 : i32
      %parallel_loop3A_645 = arith.muli %parallel_loop3A_363, %parallel_loop3A_644 : i32
      %parallel_loop3A_646 = arith.constant 25 : i32
      %parallel_loop3A_647 = arith.index_cast %parallel_loop3A_646 : i32 to index
      %parallel_loop3A_648 = arith.index_cast %parallel_loop3A_645 : i32 to index
      %parallel_loop3A_649 = tpu.vector_load %arg8[%parallel_loop3A_647, %parallel_loop3A_648] {strides = array<i32>} : memref<64x512xf32, #tpu.memory_space<vmem>>, vector<16xf32>,
      tpu.vector_store %arg8[%parallel_loop3A_647, %parallel_loop3A_648], %parallel_loop3A_643 {strides = array<i32>} : memref<64x512xf32, #tpu.memory_space<vmem>>, vector<16xf32>,
      %parallel_loop3A_650 = arith.constant 26 : i32
      %parallel_loop3A_651 = vector.broadcast %parallel_loop3A_650 : i32 to vector<16xi32>
      %parallel_loop3A_652 = arith.addi %parallel_loop3A_389, %parallel_loop3A_651 : vector<16xi32>
      %parallel_loop3A_653 = tpu.vector_load_idx %arg7[%parallel_loop3A_652] : memref<976xf32, #tpu.memory_space<vmem>>[vector<16xi32>], vector<16xf32>,
      %parallel_loop3A_654 = arith.constant 16 : i32
      %parallel_loop3A_655 = arith.muli %parallel_loop3A_363, %parallel_loop3A_654 : i32
      %parallel_loop3A_656 = arith.constant 26 : i32
      %parallel_loop3A_657 = arith.index_cast %parallel_loop3A_656 : i32 to index
      %parallel_loop3A_658 = arith.index_cast %parallel_loop3A_655 : i32 to index
      %parallel_loop3A_659 = tpu.vector_load %arg8[%parallel_loop3A_657, %parallel_loop3A_658] {strides = array<i32>} : memref<64x512xf32, #tpu.memory_space<vmem>>, vector<16xf32>,
      tpu.vector_store %arg8[%parallel_loop3A_657, %parallel_loop3A_658], %parallel_loop3A_653 {strides = array<i32>} : memref<64x512xf32, #tpu.memory_space<vmem>>, vector<16xf32>,
      %parallel_loop3A_660 = arith.constant 27 : i32
      %parallel_loop3A_661 = vector.broadcast %parallel_loop3A_660 : i32 to vector<16xi32>
      %parallel_loop3A_662 = arith.addi %parallel_loop3A_389, %parallel_loop3A_661 : vector<16xi32>
      %parallel_loop3A_663 = tpu.vector_load_idx %arg7[%parallel_loop3A_662] : memref<976xf32, #tpu.memory_space<vmem>>[vector<16xi32>], vector<16xf32>,
      %parallel_loop3A_664 = arith.constant 16 : i32
      %parallel_loop3A_665 = arith.muli %parallel_loop3A_363, %parallel_loop3A_664 : i32
      %parallel_loop3A_666 = arith.constant 27 : i32
      %parallel_loop3A_667 = arith.index_cast %parallel_loop3A_666 : i32 to index
      %parallel_loop3A_668 = arith.index_cast %parallel_loop3A_665 : i32 to index
      %parallel_loop3A_669 = tpu.vector_load %arg8[%parallel_loop3A_667, %parallel_loop3A_668] {strides = array<i32>} : memref<64x512xf32, #tpu.memory_space<vmem>>, vector<16xf32>,
      tpu.vector_store %arg8[%parallel_loop3A_667, %parallel_loop3A_668], %parallel_loop3A_663 {strides = array<i32>} : memref<64x512xf32, #tpu.memory_space<vmem>>, vector<16xf32>,
      %parallel_loop3A_670 = arith.constant 28 : i32
      %parallel_loop3A_671 = vector.broadcast %parallel_loop3A_670 : i32 to vector<16xi32>
      %parallel_loop3A_672 = arith.addi %parallel_loop3A_389, %parallel_loop3A_671 : vector<16xi32>
      %parallel_loop3A_673 = tpu.vector_load_idx %arg7[%parallel_loop3A_672] : memref<976xf32, #tpu.memory_space<vmem>>[vector<16xi32>], vector<16xf32>,
      %parallel_loop3A_674 = arith.constant 16 : i32
      %parallel_loop3A_675 = arith.muli %parallel_loop3A_363, %parallel_loop3A_674 : i32
      %parallel_loop3A_676 = arith.constant 28 : i32
      %parallel_loop3A_677 = arith.index_cast %parallel_loop3A_676 : i32 to index
      %parallel_loop3A_678 = arith.index_cast %parallel_loop3A_675 : i32 to index
      %parallel_loop3A_679 = tpu.vector_load %arg8[%parallel_loop3A_677, %parallel_loop3A_678] {strides = array<i32>} : memref<64x512xf32, #tpu.memory_space<vmem>>, vector<16xf32>,
      tpu.vector_store %arg8[%parallel_loop3A_677, %parallel_loop3A_678], %parallel_loop3A_673 {strides = array<i32>} : memref<64x512xf32, #tpu.memory_space<vmem>>, vector<16xf32>,
      %parallel_loop3A_680 = arith.constant 29 : i32
      %parallel_loop3A_681 = vector.broadcast %parallel_loop3A_680 : i32 to vector<16xi32>
      %parallel_loop3A_682 = arith.addi %parallel_loop3A_389, %parallel_loop3A_681 : vector<16xi32>
      %parallel_loop3A_683 = tpu.vector_load_idx %arg7[%parallel_loop3A_682] : memref<976xf32, #tpu.memory_space<vmem>>[vector<16xi32>], vector<16xf32>,
      %parallel_loop3A_684 = arith.constant 16 : i32
      %parallel_loop3A_685 = arith.muli %parallel_loop3A_363, %parallel_loop3A_684 : i32
      %parallel_loop3A_686 = arith.constant 29 : i32
      %parallel_loop3A_687 = arith.index_cast %parallel_loop3A_686 : i32 to index
      %parallel_loop3A_688 = arith.index_cast %parallel_loop3A_685 : i32 to index
      %parallel_loop3A_689 = tpu.vector_load %arg8[%parallel_loop3A_687, %parallel_loop3A_688] {strides = array<i32>} : memref<64x512xf32, #tpu.memory_space<vmem>>, vector<16xf32>,
      tpu.vector_store %arg8[%parallel_loop3A_687, %parallel_loop3A_688], %parallel_loop3A_683 {strides = array<i32>} : memref<64x512xf32, #tpu.memory_space<vmem>>, vector<16xf32>,
      %parallel_loop3A_690 = arith.constant 30 : i32
      %parallel_loop3A_691 = vector.broadcast %parallel_loop3A_690 : i32 to vector<16xi32>
      %parallel_loop3A_692 = arith.addi %parallel_loop3A_389, %parallel_loop3A_691 : vector<16xi32>
      %parallel_loop3A_693 = tpu.vector_load_idx %arg7[%parallel_loop3A_692] : memref<976xf32, #tpu.memory_space<vmem>>[vector<16xi32>], vector<16xf32>,
      %parallel_loop3A_694 = arith.constant 16 : i32
      %parallel_loop3A_695 = arith.muli %parallel_loop3A_363, %parallel_loop3A_694 : i32
      %parallel_loop3A_696 = arith.constant 30 : i32
      %parallel_loop3A_697 = arith.index_cast %parallel_loop3A_696 : i32 to index
      %parallel_loop3A_698 = arith.index_cast %parallel_loop3A_695 : i32 to index
      %parallel_loop3A_699 = tpu.vector_load %arg8[%parallel_loop3A_697, %parallel_loop3A_698] {strides = array<i32>} : memref<64x512xf32, #tpu.memory_space<vmem>>, vector<16xf32>,
      tpu.vector_store %arg8[%parallel_loop3A_697, %parallel_loop3A_698], %parallel_loop3A_693 {strides = array<i32>} : memref<64x512xf32, #tpu.memory_space<vmem>>, vector<16xf32>,
      %parallel_loop3A_700 = arith.constant 31 : i32
      %parallel_loop3A_701 = vector.broadcast %parallel_loop3A_700 : i32 to vector<16xi32>
      %parallel_loop3A_702 = arith.addi %parallel_loop3A_389, %parallel_loop3A_701 : vector<16xi32>
      %parallel_loop3A_703 = tpu.vector_load_idx %arg7[%parallel_loop3A_702] : memref<976xf32, #tpu.memory_space<vmem>>[vector<16xi32>], vector<16xf32>,
      %parallel_loop3A_704 = arith.constant 16 : i32
      %parallel_loop3A_705 = arith.muli %parallel_loop3A_363, %parallel_loop3A_704 : i32
      %parallel_loop3A_706 = arith.constant 31 : i32
      %parallel_loop3A_707 = arith.index_cast %parallel_loop3A_706 : i32 to index
      %parallel_loop3A_708 = arith.index_cast %parallel_loop3A_705 : i32 to index
      %parallel_loop3A_709 = tpu.vector_load %arg8[%parallel_loop3A_707, %parallel_loop3A_708] {strides = array<i32>} : memref<64x512xf32, #tpu.memory_space<vmem>>, vector<16xf32>,
      tpu.vector_store %arg8[%parallel_loop3A_707, %parallel_loop3A_708], %parallel_loop3A_703 {strides = array<i32>} : memref<64x512xf32, #tpu.memory_space<vmem>>, vector<16xf32>,
      %parallel_loop3A_710 = arith.constant 32 : i32
      %parallel_loop3A_711 = vector.broadcast %parallel_loop3A_710 : i32 to vector<16xi32>
      %parallel_loop3A_712 = arith.addi %parallel_loop3A_389, %parallel_loop3A_711 : vector<16xi32>
      %parallel_loop3A_713 = tpu.vector_load_idx %arg7[%parallel_loop3A_712] : memref<976xf32, #tpu.memory_space<vmem>>[vector<16xi32>], vector<16xf32>,
      %parallel_loop3A_714 = arith.constant 16 : i32
      %parallel_loop3A_715 = arith.muli %parallel_loop3A_363, %parallel_loop3A_714 : i32
      %parallel_loop3A_716 = arith.constant 32 : i32
      %parallel_loop3A_717 = arith.index_cast %parallel_loop3A_716 : i32 to index
      %parallel_loop3A_718 = arith.index_cast %parallel_loop3A_715 : i32 to index
      %parallel_loop3A_719 = tpu.vector_load %arg8[%parallel_loop3A_717, %parallel_loop3A_718] {strides = array<i32>} : memref<64x512xf32, #tpu.memory_space<vmem>>, vector<16xf32>,
      tpu.vector_store %arg8[%parallel_loop3A_717, %parallel_loop3A_718], %parallel_loop3A_713 {strides = array<i32>} : memref<64x512xf32, #tpu.memory_space<vmem>>, vector<16xf32>,
      %parallel_loop3A_720 = arith.constant 33 : i32
      %parallel_loop3A_721 = vector.broadcast %parallel_loop3A_720 : i32 to vector<16xi32>
      %parallel_loop3A_722 = arith.addi %parallel_loop3A_389, %parallel_loop3A_721 : vector<16xi32>
      %parallel_loop3A_723 = tpu.vector_load_idx %arg7[%parallel_loop3A_722] : memref<976xf32, #tpu.memory_space<vmem>>[vector<16xi32>], vector<16xf32>,
      %parallel_loop3A_724 = arith.constant 16 : i32
      %parallel_loop3A_725 = arith.muli %parallel_loop3A_363, %parallel_loop3A_724 : i32
      %parallel_loop3A_726 = arith.constant 33 : i32
      %parallel_loop3A_727 = arith.index_cast %parallel_loop3A_726 : i32 to index
      %parallel_loop3A_728 = arith.index_cast %parallel_loop3A_725 : i32 to index
      %parallel_loop3A_729 = tpu.vector_load %arg8[%parallel_loop3A_727, %parallel_loop3A_728] {strides = array<i32>} : memref<64x512xf32, #tpu.memory_space<vmem>>, vector<16xf32>,
      tpu.vector_store %arg8[%parallel_loop3A_727, %parallel_loop3A_728], %parallel_loop3A_723 {strides = array<i32>} : memref<64x512xf32, #tpu.memory_space<vmem>>, vector<16xf32>,
      %parallel_loop3A_730 = arith.constant 34 : i32
      %parallel_loop3A_731 = vector.broadcast %parallel_loop3A_730 : i32 to vector<16xi32>
      %parallel_loop3A_732 = arith.addi %parallel_loop3A_389, %parallel_loop3A_731 : vector<16xi32>
      %parallel_loop3A_733 = tpu.vector_load_idx %arg7[%parallel_loop3A_732] : memref<976xf32, #tpu.memory_space<vmem>>[vector<16xi32>], vector<16xf32>,
      %parallel_loop3A_734 = arith.constant 16 : i32
      %parallel_loop3A_735 = arith.muli %parallel_loop3A_363, %parallel_loop3A_734 : i32
      %parallel_loop3A_736 = arith.constant 34 : i32
      %parallel_loop3A_737 = arith.index_cast %parallel_loop3A_736 : i32 to index
      %parallel_loop3A_738 = arith.index_cast %parallel_loop3A_735 : i32 to index
      %parallel_loop3A_739 = tpu.vector_load %arg8[%parallel_loop3A_737, %parallel_loop3A_738] {strides = array<i32>} : memref<64x512xf32, #tpu.memory_space<vmem>>, vector<16xf32>,
      tpu.vector_store %arg8[%parallel_loop3A_737, %parallel_loop3A_738], %parallel_loop3A_733 {strides = array<i32>} : memref<64x512xf32, #tpu.memory_space<vmem>>, vector<16xf32>,
      %parallel_loop3A_740 = arith.constant 35 : i32
      %parallel_loop3A_741 = vector.broadcast %parallel_loop3A_740 : i32 to vector<16xi32>
      %parallel_loop3A_742 = arith.addi %parallel_loop3A_389, %parallel_loop3A_741 : vector<16xi32>
      %parallel_loop3A_743 = tpu.vector_load_idx %arg7[%parallel_loop3A_742] : memref<976xf32, #tpu.memory_space<vmem>>[vector<16xi32>], vector<16xf32>,
      %parallel_loop3A_744 = arith.constant 16 : i32
      %parallel_loop3A_745 = arith.muli %parallel_loop3A_363, %parallel_loop3A_744 : i32
      %parallel_loop3A_746 = arith.constant 35 : i32
      %parallel_loop3A_747 = arith.index_cast %parallel_loop3A_746 : i32 to index
      %parallel_loop3A_748 = arith.index_cast %parallel_loop3A_745 : i32 to index
      %parallel_loop3A_749 = tpu.vector_load %arg8[%parallel_loop3A_747, %parallel_loop3A_748] {strides = array<i32>} : memref<64x512xf32, #tpu.memory_space<vmem>>, vector<16xf32>,
      tpu.vector_store %arg8[%parallel_loop3A_747, %parallel_loop3A_748], %parallel_loop3A_743 {strides = array<i32>} : memref<64x512xf32, #tpu.memory_space<vmem>>, vector<16xf32>,
      %parallel_loop3A_750 = arith.constant 36 : i32
      %parallel_loop3A_751 = vector.broadcast %parallel_loop3A_750 : i32 to vector<16xi32>
      %parallel_loop3A_752 = arith.addi %parallel_loop3A_389, %parallel_loop3A_751 : vector<16xi32>
      %parallel_loop3A_753 = tpu.vector_load_idx %arg7[%parallel_loop3A_752] : memref<976xf32, #tpu.memory_space<vmem>>[vector<16xi32>], vector<16xf32>,
      %parallel_loop3A_754 = arith.constant 16 : i32
      %parallel_loop3A_755 = arith.muli %parallel_loop3A_363, %parallel_loop3A_754 : i32
      %parallel_loop3A_756 = arith.constant 36 : i32
      %parallel_loop3A_757 = arith.index_cast %parallel_loop3A_756 : i32 to index
      %parallel_loop3A_758 = arith.index_cast %parallel_loop3A_755 : i32 to index
      %parallel_loop3A_759 = tpu.vector_load %arg8[%parallel_loop3A_757, %parallel_loop3A_758] {strides = array<i32>} : memref<64x512xf32, #tpu.memory_space<vmem>>, vector<16xf32>,
      tpu.vector_store %arg8[%parallel_loop3A_757, %parallel_loop3A_758], %parallel_loop3A_753 {strides = array<i32>} : memref<64x512xf32, #tpu.memory_space<vmem>>, vector<16xf32>,
      %parallel_loop3A_760 = arith.constant 37 : i32
      %parallel_loop3A_761 = vector.broadcast %parallel_loop3A_760 : i32 to vector<16xi32>
      %parallel_loop3A_762 = arith.addi %parallel_loop3A_389, %parallel_loop3A_761 : vector<16xi32>
      %parallel_loop3A_763 = tpu.vector_load_idx %arg7[%parallel_loop3A_762] : memref<976xf32, #tpu.memory_space<vmem>>[vector<16xi32>], vector<16xf32>,
      %parallel_loop3A_764 = arith.constant 16 : i32
      %parallel_loop3A_765 = arith.muli %parallel_loop3A_363, %parallel_loop3A_764 : i32
      %parallel_loop3A_766 = arith.constant 37 : i32
      %parallel_loop3A_767 = arith.index_cast %parallel_loop3A_766 : i32 to index
      %parallel_loop3A_768 = arith.index_cast %parallel_loop3A_765 : i32 to index
      %parallel_loop3A_769 = tpu.vector_load %arg8[%parallel_loop3A_767, %parallel_loop3A_768] {strides = array<i32>} : memref<64x512xf32, #tpu.memory_space<vmem>>, vector<16xf32>,
      tpu.vector_store %arg8[%parallel_loop3A_767, %parallel_loop3A_768], %parallel_loop3A_763 {strides = array<i32>} : memref<64x512xf32, #tpu.memory_space<vmem>>, vector<16xf32>,
      %parallel_loop3A_770 = arith.constant 38 : i32
      %parallel_loop3A_771 = vector.broadcast %parallel_loop3A_770 : i32 to vector<16xi32>
      %parallel_loop3A_772 = arith.addi %parallel_loop3A_389, %parallel_loop3A_771 : vector<16xi32>
      %parallel_loop3A_773 = tpu.vector_load_idx %arg7[%parallel_loop3A_772] : memref<976xf32, #tpu.memory_space<vmem>>[vector<16xi32>], vector<16xf32>,
      %parallel_loop3A_774 = arith.constant 16 : i32
      %parallel_loop3A_775 = arith.muli %parallel_loop3A_363, %parallel_loop3A_774 : i32
      %parallel_loop3A_776 = arith.constant 38 : i32
      %parallel_loop3A_777 = arith.index_cast %parallel_loop3A_776 : i32 to index
      %parallel_loop3A_778 = arith.index_cast %parallel_loop3A_775 : i32 to index
      %parallel_loop3A_779 = tpu.vector_load %arg8[%parallel_loop3A_777, %parallel_loop3A_778] {strides = array<i32>} : memref<64x512xf32, #tpu.memory_space<vmem>>, vector<16xf32>,
      tpu.vector_store %arg8[%parallel_loop3A_777, %parallel_loop3A_778], %parallel_loop3A_773 {strides = array<i32>} : memref<64x512xf32, #tpu.memory_space<vmem>>, vector<16xf32>,
      %parallel_loop3A_780 = arith.constant 39 : i32
      %parallel_loop3A_781 = vector.broadcast %parallel_loop3A_780 : i32 to vector<16xi32>
      %parallel_loop3A_782 = arith.addi %parallel_loop3A_389, %parallel_loop3A_781 : vector<16xi32>
      %parallel_loop3A_783 = tpu.vector_load_idx %arg7[%parallel_loop3A_782] : memref<976xf32, #tpu.memory_space<vmem>>[vector<16xi32>], vector<16xf32>,
      %parallel_loop3A_784 = arith.constant 16 : i32
      %parallel_loop3A_785 = arith.muli %parallel_loop3A_363, %parallel_loop3A_784 : i32
      %parallel_loop3A_786 = arith.constant 39 : i32
      %parallel_loop3A_787 = arith.index_cast %parallel_loop3A_786 : i32 to index
      %parallel_loop3A_788 = arith.index_cast %parallel_loop3A_785 : i32 to index
      %parallel_loop3A_789 = tpu.vector_load %arg8[%parallel_loop3A_787, %parallel_loop3A_788] {strides = array<i32>} : memref<64x512xf32, #tpu.memory_space<vmem>>, vector<16xf32>,
      tpu.vector_store %arg8[%parallel_loop3A_787, %parallel_loop3A_788], %parallel_loop3A_783 {strides = array<i32>} : memref<64x512xf32, #tpu.memory_space<vmem>>, vector<16xf32>,
      %parallel_loop3A_790 = arith.constant 40 : i32
      %parallel_loop3A_791 = vector.broadcast %parallel_loop3A_790 : i32 to vector<16xi32>
      %parallel_loop3A_792 = arith.addi %parallel_loop3A_389, %parallel_loop3A_791 : vector<16xi32>
      %parallel_loop3A_793 = tpu.vector_load_idx %arg7[%parallel_loop3A_792] : memref<976xf32, #tpu.memory_space<vmem>>[vector<16xi32>], vector<16xf32>,
      %parallel_loop3A_794 = arith.constant 16 : i32
      %parallel_loop3A_795 = arith.muli %parallel_loop3A_363, %parallel_loop3A_794 : i32
      %parallel_loop3A_796 = arith.constant 40 : i32
      %parallel_loop3A_797 = arith.index_cast %parallel_loop3A_796 : i32 to index
      %parallel_loop3A_798 = arith.index_cast %parallel_loop3A_795 : i32 to index
      %parallel_loop3A_799 = tpu.vector_load %arg8[%parallel_loop3A_797, %parallel_loop3A_798] {strides = array<i32>} : memref<64x512xf32, #tpu.memory_space<vmem>>, vector<16xf32>,
      tpu.vector_store %arg8[%parallel_loop3A_797, %parallel_loop3A_798], %parallel_loop3A_793 {strides = array<i32>} : memref<64x512xf32, #tpu.memory_space<vmem>>, vector<16xf32>,
      %parallel_loop3A_800 = arith.constant 41 : i32
      %parallel_loop3A_801 = vector.broadcast %parallel_loop3A_800 : i32 to vector<16xi32>
      %parallel_loop3A_802 = arith.addi %parallel_loop3A_389, %parallel_loop3A_801 : vector<16xi32>
      %parallel_loop3A_803 = tpu.vector_load_idx %arg7[%parallel_loop3A_802] : memref<976xf32, #tpu.memory_space<vmem>>[vector<16xi32>], vector<16xf32>,
      %parallel_loop3A_804 = arith.constant 16 : i32
      %parallel_loop3A_805 = arith.muli %parallel_loop3A_363, %parallel_loop3A_804 : i32
      %parallel_loop3A_806 = arith.constant 41 : i32
      %parallel_loop3A_807 = arith.index_cast %parallel_loop3A_806 : i32 to index
      %parallel_loop3A_808 = arith.index_cast %parallel_loop3A_805 : i32 to index
      %parallel_loop3A_809 = tpu.vector_load %arg8[%parallel_loop3A_807, %parallel_loop3A_808] {strides = array<i32>} : memref<64x512xf32, #tpu.memory_space<vmem>>, vector<16xf32>,
      tpu.vector_store %arg8[%parallel_loop3A_807, %parallel_loop3A_808], %parallel_loop3A_803 {strides = array<i32>} : memref<64x512xf32, #tpu.memory_space<vmem>>, vector<16xf32>,
      %parallel_loop3A_810 = arith.constant 42 : i32
      %parallel_loop3A_811 = vector.broadcast %parallel_loop3A_810 : i32 to vector<16xi32>
      %parallel_loop3A_812 = arith.addi %parallel_loop3A_389, %parallel_loop3A_811 : vector<16xi32>
      %parallel_loop3A_813 = tpu.vector_load_idx %arg7[%parallel_loop3A_812] : memref<976xf32, #tpu.memory_space<vmem>>[vector<16xi32>], vector<16xf32>,
      %parallel_loop3A_814 = arith.constant 16 : i32
      %parallel_loop3A_815 = arith.muli %parallel_loop3A_363, %parallel_loop3A_814 : i32
      %parallel_loop3A_816 = arith.constant 42 : i32
      %parallel_loop3A_817 = arith.index_cast %parallel_loop3A_816 : i32 to index
      %parallel_loop3A_818 = arith.index_cast %parallel_loop3A_815 : i32 to index
      %parallel_loop3A_819 = tpu.vector_load %arg8[%parallel_loop3A_817, %parallel_loop3A_818] {strides = array<i32>} : memref<64x512xf32, #tpu.memory_space<vmem>>, vector<16xf32>,
      tpu.vector_store %arg8[%parallel_loop3A_817, %parallel_loop3A_818], %parallel_loop3A_813 {strides = array<i32>} : memref<64x512xf32, #tpu.memory_space<vmem>>, vector<16xf32>,
      %parallel_loop3A_820 = arith.constant 43 : i32
      %parallel_loop3A_821 = vector.broadcast %parallel_loop3A_820 : i32 to vector<16xi32>
      %parallel_loop3A_822 = arith.addi %parallel_loop3A_389, %parallel_loop3A_821 : vector<16xi32>
      %parallel_loop3A_823 = tpu.vector_load_idx %arg7[%parallel_loop3A_822] : memref<976xf32, #tpu.memory_space<vmem>>[vector<16xi32>], vector<16xf32>,
      %parallel_loop3A_824 = arith.constant 16 : i32
      %parallel_loop3A_825 = arith.muli %parallel_loop3A_363, %parallel_loop3A_824 : i32
      %parallel_loop3A_826 = arith.constant 43 : i32
      %parallel_loop3A_827 = arith.index_cast %parallel_loop3A_826 : i32 to index
      %parallel_loop3A_828 = arith.index_cast %parallel_loop3A_825 : i32 to index
      %parallel_loop3A_829 = tpu.vector_load %arg8[%parallel_loop3A_827, %parallel_loop3A_828] {strides = array<i32>} : memref<64x512xf32, #tpu.memory_space<vmem>>, vector<16xf32>,
      tpu.vector_store %arg8[%parallel_loop3A_827, %parallel_loop3A_828], %parallel_loop3A_823 {strides = array<i32>} : memref<64x512xf32, #tpu.memory_space<vmem>>, vector<16xf32>,
      %parallel_loop3A_830 = arith.constant 44 : i32
      %parallel_loop3A_831 = vector.broadcast %parallel_loop3A_830 : i32 to vector<16xi32>
      %parallel_loop3A_832 = arith.addi %parallel_loop3A_389, %parallel_loop3A_831 : vector<16xi32>
      %parallel_loop3A_833 = tpu.vector_load_idx %arg7[%parallel_loop3A_832] : memref<976xf32, #tpu.memory_space<vmem>>[vector<16xi32>], vector<16xf32>,
      %parallel_loop3A_834 = arith.constant 16 : i32
      %parallel_loop3A_835 = arith.muli %parallel_loop3A_363, %parallel_loop3A_834 : i32
      %parallel_loop3A_836 = arith.constant 44 : i32
      %parallel_loop3A_837 = arith.index_cast %parallel_loop3A_836 : i32 to index
      %parallel_loop3A_838 = arith.index_cast %parallel_loop3A_835 : i32 to index
      %parallel_loop3A_839 = tpu.vector_load %arg8[%parallel_loop3A_837, %parallel_loop3A_838] {strides = array<i32>} : memref<64x512xf32, #tpu.memory_space<vmem>>, vector<16xf32>,
      tpu.vector_store %arg8[%parallel_loop3A_837, %parallel_loop3A_838], %parallel_loop3A_833 {strides = array<i32>} : memref<64x512xf32, #tpu.memory_space<vmem>>, vector<16xf32>,
      %parallel_loop3A_840 = arith.constant 45 : i32
      %parallel_loop3A_841 = vector.broadcast %parallel_loop3A_840 : i32 to vector<16xi32>
      %parallel_loop3A_842 = arith.addi %parallel_loop3A_389, %parallel_loop3A_841 : vector<16xi32>
      %parallel_loop3A_843 = tpu.vector_load_idx %arg7[%parallel_loop3A_842] : memref<976xf32, #tpu.memory_space<vmem>>[vector<16xi32>], vector<16xf32>,
      %parallel_loop3A_844 = arith.constant 16 : i32
      %parallel_loop3A_845 = arith.muli %parallel_loop3A_363, %parallel_loop3A_844 : i32
      %parallel_loop3A_846 = arith.constant 45 : i32
      %parallel_loop3A_847 = arith.index_cast %parallel_loop3A_846 : i32 to index
      %parallel_loop3A_848 = arith.index_cast %parallel_loop3A_845 : i32 to index
      %parallel_loop3A_849 = tpu.vector_load %arg8[%parallel_loop3A_847, %parallel_loop3A_848] {strides = array<i32>} : memref<64x512xf32, #tpu.memory_space<vmem>>, vector<16xf32>,
      tpu.vector_store %arg8[%parallel_loop3A_847, %parallel_loop3A_848], %parallel_loop3A_843 {strides = array<i32>} : memref<64x512xf32, #tpu.memory_space<vmem>>, vector<16xf32>,
      %parallel_loop3A_850 = arith.constant 46 : i32
      %parallel_loop3A_851 = vector.broadcast %parallel_loop3A_850 : i32 to vector<16xi32>
      %parallel_loop3A_852 = arith.addi %parallel_loop3A_389, %parallel_loop3A_851 : vector<16xi32>
      %parallel_loop3A_853 = tpu.vector_load_idx %arg7[%parallel_loop3A_852] : memref<976xf32, #tpu.memory_space<vmem>>[vector<16xi32>], vector<16xf32>,
      %parallel_loop3A_854 = arith.constant 16 : i32
      %parallel_loop3A_855 = arith.muli %parallel_loop3A_363, %parallel_loop3A_854 : i32
      %parallel_loop3A_856 = arith.constant 46 : i32
      %parallel_loop3A_857 = arith.index_cast %parallel_loop3A_856 : i32 to index
      %parallel_loop3A_858 = arith.index_cast %parallel_loop3A_855 : i32 to index
      %parallel_loop3A_859 = tpu.vector_load %arg8[%parallel_loop3A_857, %parallel_loop3A_858] {strides = array<i32>} : memref<64x512xf32, #tpu.memory_space<vmem>>, vector<16xf32>,
      tpu.vector_store %arg8[%parallel_loop3A_857, %parallel_loop3A_858], %parallel_loop3A_853 {strides = array<i32>} : memref<64x512xf32, #tpu.memory_space<vmem>>, vector<16xf32>,
      %parallel_loop3A_860 = arith.constant 47 : i32
      %parallel_loop3A_861 = vector.broadcast %parallel_loop3A_860 : i32 to vector<16xi32>
      %parallel_loop3A_862 = arith.addi %parallel_loop3A_389, %parallel_loop3A_861 : vector<16xi32>
      %parallel_loop3A_863 = tpu.vector_load_idx %arg7[%parallel_loop3A_862] : memref<976xf32, #tpu.memory_space<vmem>>[vector<16xi32>], vector<16xf32>,
      %parallel_loop3A_864 = arith.constant 16 : i32
      %parallel_loop3A_865 = arith.muli %parallel_loop3A_363, %parallel_loop3A_864 : i32
      %parallel_loop3A_866 = arith.constant 47 : i32
      %parallel_loop3A_867 = arith.index_cast %parallel_loop3A_866 : i32 to index
      %parallel_loop3A_868 = arith.index_cast %parallel_loop3A_865 : i32 to index
      %parallel_loop3A_869 = tpu.vector_load %arg8[%parallel_loop3A_867, %parallel_loop3A_868] {strides = array<i32>} : memref<64x512xf32, #tpu.memory_space<vmem>>, vector<16xf32>,
      tpu.vector_store %arg8[%parallel_loop3A_867, %parallel_loop3A_868], %parallel_loop3A_863 {strides = array<i32>} : memref<64x512xf32, #tpu.memory_space<vmem>>, vector<16xf32>,
      %parallel_loop3A_870 = arith.constant 48 : i32
      %parallel_loop3A_871 = vector.broadcast %parallel_loop3A_870 : i32 to vector<16xi32>
      %parallel_loop3A_872 = arith.addi %parallel_loop3A_389, %parallel_loop3A_871 : vector<16xi32>
      %parallel_loop3A_873 = tpu.vector_load_idx %arg7[%parallel_loop3A_872] : memref<976xf32, #tpu.memory_space<vmem>>[vector<16xi32>], vector<16xf32>,
      %parallel_loop3A_874 = arith.constant 16 : i32
      %parallel_loop3A_875 = arith.muli %parallel_loop3A_363, %parallel_loop3A_874 : i32
      %parallel_loop3A_876 = arith.constant 48 : i32
      %parallel_loop3A_877 = arith.index_cast %parallel_loop3A_876 : i32 to index
      %parallel_loop3A_878 = arith.index_cast %parallel_loop3A_875 : i32 to index
      %parallel_loop3A_879 = tpu.vector_load %arg8[%parallel_loop3A_877, %parallel_loop3A_878] {strides = array<i32>} : memref<64x512xf32, #tpu.memory_space<vmem>>, vector<16xf32>,
      tpu.vector_store %arg8[%parallel_loop3A_877, %parallel_loop3A_878], %parallel_loop3A_873 {strides = array<i32>} : memref<64x512xf32, #tpu.memory_space<vmem>>, vector<16xf32>,
      %parallel_loop3A_880 = arith.constant 49 : i32
      %parallel_loop3A_881 = vector.broadcast %parallel_loop3A_880 : i32 to vector<16xi32>
      %parallel_loop3A_882 = arith.addi %parallel_loop3A_389, %parallel_loop3A_881 : vector<16xi32>
      %parallel_loop3A_883 = tpu.vector_load_idx %arg7[%parallel_loop3A_882] : memref<976xf32, #tpu.memory_space<vmem>>[vector<16xi32>], vector<16xf32>,
      %parallel_loop3A_884 = arith.constant 16 : i32
      %parallel_loop3A_885 = arith.muli %parallel_loop3A_363, %parallel_loop3A_884 : i32
      %parallel_loop3A_886 = arith.constant 49 : i32
      %parallel_loop3A_887 = arith.index_cast %parallel_loop3A_886 : i32 to index
      %parallel_loop3A_888 = arith.index_cast %parallel_loop3A_885 : i32 to index
      %parallel_loop3A_889 = tpu.vector_load %arg8[%parallel_loop3A_887, %parallel_loop3A_888] {strides = array<i32>} : memref<64x512xf32, #tpu.memory_space<vmem>>, vector<16xf32>,
      tpu.vector_store %arg8[%parallel_loop3A_887, %parallel_loop3A_888], %parallel_loop3A_883 {strides = array<i32>} : memref<64x512xf32, #tpu.memory_space<vmem>>, vector<16xf32>,
      %parallel_loop3A_890 = arith.constant 50 : i32
      %parallel_loop3A_891 = vector.broadcast %parallel_loop3A_890 : i32 to vector<16xi32>
      %parallel_loop3A_892 = arith.addi %parallel_loop3A_389, %parallel_loop3A_891 : vector<16xi32>
      %parallel_loop3A_893 = tpu.vector_load_idx %arg7[%parallel_loop3A_892] : memref<976xf32, #tpu.memory_space<vmem>>[vector<16xi32>], vector<16xf32>,
      %parallel_loop3A_894 = arith.constant 16 : i32
      %parallel_loop3A_895 = arith.muli %parallel_loop3A_363, %parallel_loop3A_894 : i32
      %parallel_loop3A_896 = arith.constant 50 : i32
      %parallel_loop3A_897 = arith.index_cast %parallel_loop3A_896 : i32 to index
      %parallel_loop3A_898 = arith.index_cast %parallel_loop3A_895 : i32 to index
      %parallel_loop3A_899 = tpu.vector_load %arg8[%parallel_loop3A_897, %parallel_loop3A_898] {strides = array<i32>} : memref<64x512xf32, #tpu.memory_space<vmem>>, vector<16xf32>,
      tpu.vector_store %arg8[%parallel_loop3A_897, %parallel_loop3A_898], %parallel_loop3A_893 {strides = array<i32>} : memref<64x512xf32, #tpu.memory_space<vmem>>, vector<16xf32>,
      %parallel_loop3A_900 = arith.constant 51 : i32
      %parallel_loop3A_901 = vector.broadcast %parallel_loop3A_900 : i32 to vector<16xi32>
      %parallel_loop3A_902 = arith.addi %parallel_loop3A_389, %parallel_loop3A_901 : vector<16xi32>
      %parallel_loop3A_903 = tpu.vector_load_idx %arg7[%parallel_loop3A_902] : memref<976xf32, #tpu.memory_space<vmem>>[vector<16xi32>], vector<16xf32>,
      %parallel_loop3A_904 = arith.constant 16 : i32
      %parallel_loop3A_905 = arith.muli %parallel_loop3A_363, %parallel_loop3A_904 : i32
      %parallel_loop3A_906 = arith.constant 51 : i32
      %parallel_loop3A_907 = arith.index_cast %parallel_loop3A_906 : i32 to index
      %parallel_loop3A_908 = arith.index_cast %parallel_loop3A_905 : i32 to index
      %parallel_loop3A_909 = tpu.vector_load %arg8[%parallel_loop3A_907, %parallel_loop3A_908] {strides = array<i32>} : memref<64x512xf32, #tpu.memory_space<vmem>>, vector<16xf32>,
      tpu.vector_store %arg8[%parallel_loop3A_907, %parallel_loop3A_908], %parallel_loop3A_903 {strides = array<i32>} : memref<64x512xf32, #tpu.memory_space<vmem>>, vector<16xf32>,
      %parallel_loop3A_910 = arith.constant 52 : i32
      %parallel_loop3A_911 = vector.broadcast %parallel_loop3A_910 : i32 to vector<16xi32>
      %parallel_loop3A_912 = arith.addi %parallel_loop3A_389, %parallel_loop3A_911 : vector<16xi32>
      %parallel_loop3A_913 = tpu.vector_load_idx %arg7[%parallel_loop3A_912] : memref<976xf32, #tpu.memory_space<vmem>>[vector<16xi32>], vector<16xf32>,
      %parallel_loop3A_914 = arith.constant 16 : i32
      %parallel_loop3A_915 = arith.muli %parallel_loop3A_363, %parallel_loop3A_914 : i32
      %parallel_loop3A_916 = arith.constant 52 : i32
      %parallel_loop3A_917 = arith.index_cast %parallel_loop3A_916 : i32 to index
      %parallel_loop3A_918 = arith.index_cast %parallel_loop3A_915 : i32 to index
      %parallel_loop3A_919 = tpu.vector_load %arg8[%parallel_loop3A_917, %parallel_loop3A_918] {strides = array<i32>} : memref<64x512xf32, #tpu.memory_space<vmem>>, vector<16xf32>,
      tpu.vector_store %arg8[%parallel_loop3A_917, %parallel_loop3A_918], %parallel_loop3A_913 {strides = array<i32>} : memref<64x512xf32, #tpu.memory_space<vmem>>, vector<16xf32>,
      %parallel_loop3A_920 = arith.constant 53 : i32
      %parallel_loop3A_921 = vector.broadcast %parallel_loop3A_920 : i32 to vector<16xi32>
      %parallel_loop3A_922 = arith.addi %parallel_loop3A_389, %parallel_loop3A_921 : vector<16xi32>
      %parallel_loop3A_923 = tpu.vector_load_idx %arg7[%parallel_loop3A_922] : memref<976xf32, #tpu.memory_space<vmem>>[vector<16xi32>], vector<16xf32>,
      %parallel_loop3A_924 = arith.constant 16 : i32
      %parallel_loop3A_925 = arith.muli %parallel_loop3A_363, %parallel_loop3A_924 : i32
      %parallel_loop3A_926 = arith.constant 53 : i32
      %parallel_loop3A_927 = arith.index_cast %parallel_loop3A_926 : i32 to index
      %parallel_loop3A_928 = arith.index_cast %parallel_loop3A_925 : i32 to index
      %parallel_loop3A_929 = tpu.vector_load %arg8[%parallel_loop3A_927, %parallel_loop3A_928] {strides = array<i32>} : memref<64x512xf32, #tpu.memory_space<vmem>>, vector<16xf32>,
      tpu.vector_store %arg8[%parallel_loop3A_927, %parallel_loop3A_928], %parallel_loop3A_923 {strides = array<i32>} : memref<64x512xf32, #tpu.memory_space<vmem>>, vector<16xf32>,
      %parallel_loop3A_930 = arith.constant 54 : i32
      %parallel_loop3A_931 = vector.broadcast %parallel_loop3A_930 : i32 to vector<16xi32>
      %parallel_loop3A_932 = arith.addi %parallel_loop3A_389, %parallel_loop3A_931 : vector<16xi32>
      %parallel_loop3A_933 = tpu.vector_load_idx %arg7[%parallel_loop3A_932] : memref<976xf32, #tpu.memory_space<vmem>>[vector<16xi32>], vector<16xf32>,
      %parallel_loop3A_934 = arith.constant 16 : i32
      %parallel_loop3A_935 = arith.muli %parallel_loop3A_363, %parallel_loop3A_934 : i32
      %parallel_loop3A_936 = arith.constant 54 : i32
      %parallel_loop3A_937 = arith.index_cast %parallel_loop3A_936 : i32 to index
      %parallel_loop3A_938 = arith.index_cast %parallel_loop3A_935 : i32 to index
      %parallel_loop3A_939 = tpu.vector_load %arg8[%parallel_loop3A_937, %parallel_loop3A_938] {strides = array<i32>} : memref<64x512xf32, #tpu.memory_space<vmem>>, vector<16xf32>,
      tpu.vector_store %arg8[%parallel_loop3A_937, %parallel_loop3A_938], %parallel_loop3A_933 {strides = array<i32>} : memref<64x512xf32, #tpu.memory_space<vmem>>, vector<16xf32>,
      %parallel_loop3A_940 = arith.constant 55 : i32
      %parallel_loop3A_941 = vector.broadcast %parallel_loop3A_940 : i32 to vector<16xi32>
      %parallel_loop3A_942 = arith.addi %parallel_loop3A_389, %parallel_loop3A_941 : vector<16xi32>
      %parallel_loop3A_943 = tpu.vector_load_idx %arg7[%parallel_loop3A_942] : memref<976xf32, #tpu.memory_space<vmem>>[vector<16xi32>], vector<16xf32>,
      %parallel_loop3A_944 = arith.constant 16 : i32
      %parallel_loop3A_945 = arith.muli %parallel_loop3A_363, %parallel_loop3A_944 : i32
      %parallel_loop3A_946 = arith.constant 55 : i32
      %parallel_loop3A_947 = arith.index_cast %parallel_loop3A_946 : i32 to index
      %parallel_loop3A_948 = arith.index_cast %parallel_loop3A_945 : i32 to index
      %parallel_loop3A_949 = tpu.vector_load %arg8[%parallel_loop3A_947, %parallel_loop3A_948] {strides = array<i32>} : memref<64x512xf32, #tpu.memory_space<vmem>>, vector<16xf32>,
      tpu.vector_store %arg8[%parallel_loop3A_947, %parallel_loop3A_948], %parallel_loop3A_943 {strides = array<i32>} : memref<64x512xf32, #tpu.memory_space<vmem>>, vector<16xf32>,
      %parallel_loop3A_950 = arith.constant 56 : i32
      %parallel_loop3A_951 = vector.broadcast %parallel_loop3A_950 : i32 to vector<16xi32>
      %parallel_loop3A_952 = arith.addi %parallel_loop3A_389, %parallel_loop3A_951 : vector<16xi32>
      %parallel_loop3A_953 = tpu.vector_load_idx %arg7[%parallel_loop3A_952] : memref<976xf32, #tpu.memory_space<vmem>>[vector<16xi32>], vector<16xf32>,
      %parallel_loop3A_954 = arith.constant 16 : i32
      %parallel_loop3A_955 = arith.muli %parallel_loop3A_363, %parallel_loop3A_954 : i32
      %parallel_loop3A_956 = arith.constant 56 : i32
      %parallel_loop3A_957 = arith.index_cast %parallel_loop3A_956 : i32 to index
      %parallel_loop3A_958 = arith.index_cast %parallel_loop3A_955 : i32 to index
      %parallel_loop3A_959 = tpu.vector_load %arg8[%parallel_loop3A_957, %parallel_loop3A_958] {strides = array<i32>} : memref<64x512xf32, #tpu.memory_space<vmem>>, vector<16xf32>,
      tpu.vector_store %arg8[%parallel_loop3A_957, %parallel_loop3A_958], %parallel_loop3A_953 {strides = array<i32>} : memref<64x512xf32, #tpu.memory_space<vmem>>, vector<16xf32>,
      %parallel_loop3A_960 = arith.constant 57 : i32
      %parallel_loop3A_961 = vector.broadcast %parallel_loop3A_960 : i32 to vector<16xi32>
      %parallel_loop3A_962 = arith.addi %parallel_loop3A_389, %parallel_loop3A_961 : vector<16xi32>
      %parallel_loop3A_963 = tpu.vector_load_idx %arg7[%parallel_loop3A_962] : memref<976xf32, #tpu.memory_space<vmem>>[vector<16xi32>], vector<16xf32>,
      %parallel_loop3A_964 = arith.constant 16 : i32
      %parallel_loop3A_965 = arith.muli %parallel_loop3A_363, %parallel_loop3A_964 : i32
      %parallel_loop3A_966 = arith.constant 57 : i32
      %parallel_loop3A_967 = arith.index_cast %parallel_loop3A_966 : i32 to index
      %parallel_loop3A_968 = arith.index_cast %parallel_loop3A_965 : i32 to index
      %parallel_loop3A_969 = tpu.vector_load %arg8[%parallel_loop3A_967, %parallel_loop3A_968] {strides = array<i32>} : memref<64x512xf32, #tpu.memory_space<vmem>>, vector<16xf32>,
      tpu.vector_store %arg8[%parallel_loop3A_967, %parallel_loop3A_968], %parallel_loop3A_963 {strides = array<i32>} : memref<64x512xf32, #tpu.memory_space<vmem>>, vector<16xf32>,
      %parallel_loop3A_970 = arith.constant 58 : i32
      %parallel_loop3A_971 = vector.broadcast %parallel_loop3A_970 : i32 to vector<16xi32>
      %parallel_loop3A_972 = arith.addi %parallel_loop3A_389, %parallel_loop3A_971 : vector<16xi32>
      %parallel_loop3A_973 = tpu.vector_load_idx %arg7[%parallel_loop3A_972] : memref<976xf32, #tpu.memory_space<vmem>>[vector<16xi32>], vector<16xf32>,
      %parallel_loop3A_974 = arith.constant 16 : i32
      %parallel_loop3A_975 = arith.muli %parallel_loop3A_363, %parallel_loop3A_974 : i32
      %parallel_loop3A_976 = arith.constant 58 : i32
      %parallel_loop3A_977 = arith.index_cast %parallel_loop3A_976 : i32 to index
      %parallel_loop3A_978 = arith.index_cast %parallel_loop3A_975 : i32 to index
      %parallel_loop3A_979 = tpu.vector_load %arg8[%parallel_loop3A_977, %parallel_loop3A_978] {strides = array<i32>} : memref<64x512xf32, #tpu.memory_space<vmem>>, vector<16xf32>,
      tpu.vector_store %arg8[%parallel_loop3A_977, %parallel_loop3A_978], %parallel_loop3A_973 {strides = array<i32>} : memref<64x512xf32, #tpu.memory_space<vmem>>, vector<16xf32>,
      %parallel_loop3A_980 = arith.constant 59 : i32
      %parallel_loop3A_981 = vector.broadcast %parallel_loop3A_980 : i32 to vector<16xi32>
      %parallel_loop3A_982 = arith.addi %parallel_loop3A_389, %parallel_loop3A_981 : vector<16xi32>
      %parallel_loop3A_983 = tpu.vector_load_idx %arg7[%parallel_loop3A_982] : memref<976xf32, #tpu.memory_space<vmem>>[vector<16xi32>], vector<16xf32>,
      %parallel_loop3A_984 = arith.constant 16 : i32
      %parallel_loop3A_985 = arith.muli %parallel_loop3A_363, %parallel_loop3A_984 : i32
      %parallel_loop3A_986 = arith.constant 59 : i32
      %parallel_loop3A_987 = arith.index_cast %parallel_loop3A_986 : i32 to index
      %parallel_loop3A_988 = arith.index_cast %parallel_loop3A_985 : i32 to index
      %parallel_loop3A_989 = tpu.vector_load %arg8[%parallel_loop3A_987, %parallel_loop3A_988] {strides = array<i32>} : memref<64x512xf32, #tpu.memory_space<vmem>>, vector<16xf32>,
      tpu.vector_store %arg8[%parallel_loop3A_987, %parallel_loop3A_988], %parallel_loop3A_983 {strides = array<i32>} : memref<64x512xf32, #tpu.memory_space<vmem>>, vector<16xf32>,
      %parallel_loop3A_990 = arith.constant 60 : i32
      %parallel_loop3A_991 = vector.broadcast %parallel_loop3A_990 : i32 to vector<16xi32>
      %parallel_loop3A_992 = arith.addi %parallel_loop3A_389, %parallel_loop3A_991 : vector<16xi32>
      %parallel_loop3A_993 = tpu.vector_load_idx %arg7[%parallel_loop3A_992] : memref<976xf32, #tpu.memory_space<vmem>>[vector<16xi32>], vector<16xf32>,
      %parallel_loop3A_994 = arith.constant 16 : i32
      %parallel_loop3A_995 = arith.muli %parallel_loop3A_363, %parallel_loop3A_994 : i32
      %parallel_loop3A_996 = arith.constant 60 : i32
      %parallel_loop3A_997 = arith.index_cast %parallel_loop3A_996 : i32 to index
      %parallel_loop3A_998 = arith.index_cast %parallel_loop3A_995 : i32 to index
      %parallel_loop3A_999 = tpu.vector_load %arg8[%parallel_loop3A_997, %parallel_loop3A_998] {strides = array<i32>} : memref<64x512xf32, #tpu.memory_space<vmem>>, vector<16xf32>,
      tpu.vector_store %arg8[%parallel_loop3A_997, %parallel_loop3A_998], %parallel_loop3A_993 {strides = array<i32>} : memref<64x512xf32, #tpu.memory_space<vmem>>, vector<16xf32>,
      %parallel_loop3A_1000 = arith.constant 61 : i32
      %parallel_loop3A_1001 = vector.broadcast %parallel_loop3A_1000 : i32 to vector<16xi32>
      %parallel_loop3A_1002 = arith.addi %parallel_loop3A_389, %parallel_loop3A_1001 : vector<16xi32>
      %parallel_loop3A_1003 = tpu.vector_load_idx %arg7[%parallel_loop3A_1002] : memref<976xf32, #tpu.memory_space<vmem>>[vector<16xi32>], vector<16xf32>,
      %parallel_loop3A_1004 = arith.constant 16 : i32
      %parallel_loop3A_1005 = arith.muli %parallel_loop3A_363, %parallel_loop3A_1004 : i32
      %parallel_loop3A_1006 = arith.constant 61 : i32
      %parallel_loop3A_1007 = arith.index_cast %parallel_loop3A_1006 : i32 to index
      %parallel_loop3A_1008 = arith.index_cast %parallel_loop3A_1005 : i32 to index
      %parallel_loop3A_1009 = tpu.vector_load %arg8[%parallel_loop3A_1007, %parallel_loop3A_1008] {strides = array<i32>} : memref<64x512xf32, #tpu.memory_space<vmem>>, vector<16xf32>,
      tpu.vector_store %arg8[%parallel_loop3A_1007, %parallel_loop3A_1008], %parallel_loop3A_1003 {strides = array<i32>} : memref<64x512xf32, #tpu.memory_space<vmem>>, vector<16xf32>,
      %parallel_loop3A_1010 = arith.constant 62 : i32
      %parallel_loop3A_1011 = vector.broadcast %parallel_loop3A_1010 : i32 to vector<16xi32>
      %parallel_loop3A_1012 = arith.addi %parallel_loop3A_389, %parallel_loop3A_1011 : vector<16xi32>
      %parallel_loop3A_1013 = tpu.vector_load_idx %arg7[%parallel_loop3A_1012] : memref<976xf32, #tpu.memory_space<vmem>>[vector<16xi32>], vector<16xf32>,
      %parallel_loop3A_1014 = arith.constant 16 : i32
      %parallel_loop3A_1015 = arith.muli %parallel_loop3A_363, %parallel_loop3A_1014 : i32
      %parallel_loop3A_1016 = arith.constant 62 : i32
      %parallel_loop3A_1017 = arith.index_cast %parallel_loop3A_1016 : i32 to index
      %parallel_loop3A_1018 = arith.index_cast %parallel_loop3A_1015 : i32 to index
      %parallel_loop3A_1019 = tpu.vector_load %arg8[%parallel_loop3A_1017, %parallel_loop3A_1018] {strides = array<i32>} : memref<64x512xf32, #tpu.memory_space<vmem>>, vector<16xf32>,
      tpu.vector_store %arg8[%parallel_loop3A_1017, %parallel_loop3A_1018], %parallel_loop3A_1013 {strides = array<i32>} : memref<64x512xf32, #tpu.memory_space<vmem>>, vector<16xf32>,
      %parallel_loop3A_1020 = arith.constant 63 : i32
      %parallel_loop3A_1021 = vector.broadcast %parallel_loop3A_1020 : i32 to vector<16xi32>
      %parallel_loop3A_1022 = arith.addi %parallel_loop3A_389, %parallel_loop3A_1021 : vector<16xi32>
      %parallel_loop3A_1023 = tpu.vector_load_idx %arg7[%parallel_loop3A_1022] : memref<976xf32, #tpu.memory_space<vmem>>[vector<16xi32>], vector<16xf32>,
      %parallel_loop3A_1024 = arith.constant 16 : i32
      %parallel_loop3A_1025 = arith.muli %parallel_loop3A_363, %parallel_loop3A_1024 : i32
      %parallel_loop3A_1026 = arith.constant 63 : i32
      %parallel_loop3A_1027 = arith.index_cast %parallel_loop3A_1026 : i32 to index
      %parallel_loop3A_1028 = arith.index_cast %parallel_loop3A_1025 : i32 to index
      %parallel_loop3A_1029 = tpu.vector_load %arg8[%parallel_loop3A_1027, %parallel_loop3A_1028] {strides = array<i32>} : memref<64x512xf32, #tpu.memory_space<vmem>>, vector<16xf32>,
      tpu.vector_store %arg8[%parallel_loop3A_1027, %parallel_loop3A_1028], %parallel_loop3A_1023 {strides = array<i32>} : memref<64x512xf32, #tpu.memory_space<vmem>>, vector<16xf32>,
    } {sc.loop_unroll_factor = 1 : i64, sc.parallel_access}
    "tpu.region"() ({
      %run_scoped3A = tpu.sem_alloc : memref<!tpu.dma_semaphore, #tpu.memory_space<semaphore_mem>>
      %dma_start3A = arith.constant 0 : i32
      %dma_start3A_363 = tpu.memref_slice %arg4[%dma_start3A, %mul3A_2] : memref<64x16384xf32, #tpu.memory_space<hbm>> -> memref<64x512xf32, #tpu.memory_space<hbm>>
      %dma_start3A_364 = arith.constant 0 : i32
      %dma_start3A_365 = tpu.memref_slice %arg4[%dma_start3A_364, %mul3A_2] : memref<64x16384xf32, #tpu.memory_space<hbm>> -> memref<64x512xf32, #tpu.memory_space<hbm>>
      tpu.enqueue_dma source(%arg8 : memref<64x512xf32, #tpu.memory_space<vmem>>) target(%dma_start3A_365 : memref<64x512xf32, #tpu.memory_space<hbm>>) target_semaphore(%run_scoped3A : memref<!tpu.dma_semaphore, #tpu.memory_space<semaphore_mem>>)
      %dma_wait3A = arith.constant 0 : i32
      %dma_wait3A_366 = tpu.memref_slice %arg4[%dma_wait3A, %mul3A_2] : memref<64x16384xf32, #tpu.memory_space<hbm>> -> memref<64x512xf32, #tpu.memory_space<hbm>>
      %dma_wait3A_367 = arith.constant 0 : i32
      %dma_wait3A_368 = tpu.memref_slice %arg4[%dma_wait3A_367, %mul3A_2] : memref<64x16384xf32, #tpu.memory_space<hbm>> -> memref<64x512xf32, #tpu.memory_space<hbm>>
      tpu.wait_dma2 semaphore(%run_scoped3A : memref<!tpu.dma_semaphore, #tpu.memory_space<semaphore_mem>>) src(%arg8 : memref<64x512xf32, #tpu.memory_space<vmem>>) dst(%dma_wait3A_368 : memref<64x512xf32, #tpu.memory_space<hbm>>)
      tpu.yield
    }) : () -> ()
    return
  }
}

</mosaic_0001>

<sc_bundles>
// kernel: kernel.3.cloned.1.call-start
scs
__scs_entry_jumppad:
0x0: {  	(pc) =	sbr.rel $0x88, $3  }
0x1: {  	(tag) =	ssettag $0x0;
	lr =	simm.s32 $0x1  }
0x2: {  	[smem:$0x3F9F] =	sst lr;
	_ =	strace $0xD0000000  }
0x3: {  	_ = 	snop  }
0x4: {  	_ = 	snop  }
0x5: {  	_ = 	snop  }
0x6: {  	_ = 	snop  }
0x7: {  	_ = 	snop  }
__scs_overlays_trampoline_lowered:
0x8: {  	[smem:$0x3FAE] =	sst s0  }
0x9: {  	[smem:$0x3FAF] =	sst s1  }
0xa: {  	[smem:$0x3FB0] =	sst s2  }
0xb: {  	[smem:$0x3FB1] =	sst s3  }
0xc: {  	[smem:$0x3FB2] =	sst s4  }
0xd: {  	[smem:$0x3FB3] =	sst s5  }
0xe: {  	[smem:$0x3FB4] =	sst s6  }
0xf: {  	[smem:$0x3FB5] =	sst s7  }
0x10: {  	[smem:$0x3FB6] =	sst s8  }
0x11: {  	[smem:$0x3FB7] =	sst s9;
	s0 =	simm.s32 @!p0 $0x0  }
0x12: {  	s1 =	sld [smem:$0x3F9D];
	s0 =	simm.s32 @p0 $0x1  }
0x13: {  	[smem:$0x3FB8] =	sst s0;
	s0 =	simm.s32 @!p1 $0x0  }
0x14: {  	s2 =	sld [smem:$0x3F9C];
	s0 =	simm.s32 @p1 $0x1  }
0x15: {  	[smem:$0x3FB9] =	sst s0;
	s0 =	simm.s32 @!p2 $0x0  }
0x16: {  	s3 =	sld [smem:$0x3FDB];
	s0 =	simm.s32 @p2 $0x1  }
0x17: {  	s4 =	simm.s32 $0x1BF5;
	[smem:$0x3FBB] =	sst s0  }
0x18: {  	s0 =	sld [smem:$0x3F9E];
	_ =	swait.ge [sflag:s4], $0x0  }
0x19: {  	s7 =	sld [smem:$0x3F9F]  }
0x1a: {  	s8 =	sadd.s32 $0xFFFFE003, lr  }
0x1b: {  	s9 =	sadd.s32 $0xFFFFFEF7, lr;
	s5 =	simm.s32 $0xFFFFFFFF;
	p2 =	slt.u32 s8, $0xFFFFF086  }
0x1c: {  	p1 =	slt.u32 s9, $0xF7A;
	s5 =	simm.s32 @!p2 $0x0  }
0x1d: {  	s5 =	simm.s32 @p1 $0x1;
	p0 =	seq.s32 s7, s2  }
0x1e: {  	s7 =	smul.u32 @!p0 $0xF7A, s2;
	p2 =	seq.s32 @!p0 s5, $0x0  }
0x1f: {  	s9 =	smul.u32 $0xF7A, s1;
	s8 =	simm.s32 @!p0 $0x1BF5;
	p2 =	por !p2, p0  }
0x20: {  	[sflag:s8] =	ssyncset.s32 @!p0 $0xFFFFF086;
	s6 =	sadd.s32 @!p0 s3, s7;
	s7 =	simm.s32 @!p0 $0x108  }
0x21: {  	s3 =	sadd.s32 s3, s9;
	s6 =	sadd.s32 @!p0 $0x88, s6;
	s7 =	simm.s32 @p2 $0x1082  }
0x22: {  	[simem:s7], [sflag:s8] =	dma.local @!p0 [hbm:s6], $0xF7A  }
0x23: {  	s9 =	sor.u32 $0xD0000000, s2;
	s6 =	simm.s32 $0x108;
	_ =	swait.ge @!p0 [sflag:s8], $0x0  }
0x24: {  	s3 =	sadd.s32 $0x88, s3;
	s6 =	simm.s32 @!p1 $0x1082;
	[sflag:s4] =	ssyncset.s32 $0xFFFFF086  }
0x25: {  	[simem:s6], [sflag:s4] =	dma.local [hbm:s3], $0xF7A  }
0x26: {  	[smem:$0x3F9F] =	sst s1;
	(tag) =	ssettag s2;
	_ =	strace s9  }
0x27: {  	s1 =	sld [smem:$0x3FAF]  }
0x28: {  	s2 =	sld [smem:$0x3FB0]  }
0x29: {  	s4 =	sld [smem:$0x3FB2]  }
0x2a: {  	p0 =	seq.s32 s5, $0x0;
	s5 =	sld [smem:$0x3FB3]  }
0x2b: {  	s6 =	sld [smem:$0x3FB4]  }
0x2c: {  	s7 =	sld [smem:$0x3FB5]  }
0x2d: {  	s3 =	simm.s32 $0x108;
	s8 =	sld [smem:$0x3FB6]  }
0x2e: {  	s3 =	simm.s32 @!p0 $0x1082;
	s9 =	sld [smem:$0x3FB7]  }
0x2f: {  	lr =	sadd.s32 s0, s3;
	s0 =	sld [smem:$0x3FAE]  }
0x30: {  	s3 =	sld [smem:$0x3FB1]  }
0x31: {  	[smem:$0x3FBA] =	sst s10  }
0x32: {  	s10 =	sld [smem:$0x3FB8];
	_ =	sdelay $0x3  }
0x33: {  	p0 =	seq.s32 s10, $0x1;
	s10 =	sld [smem:$0x3FBA];
	_ =	sdelay $0x3  }
0x34: {  	[smem:$0x3FBA] =	sst s10  }
0x35: {  	s10 =	sld [smem:$0x3FB9];
	_ =	sdelay $0x3  }
0x36: {  	p1 =	seq.s32 s10, $0x1;
	s10 =	sld [smem:$0x3FBA];
	_ =	sdelay $0x3  }
0x37: {  	[smem:$0x3FBA] =	sst s10  }
0x38: {  	s10 =	sld [smem:$0x3FBB]  }
0x39: {  	_ = 	snop;
	(pc) =	sbr.ind lr, $3  }
0x3a: {  	_ = 	snop  }
0x3b: {  	_ = 	snop  }
0x3c: {  	p2 =	seq.s32 s10, $0x1;
	s10 =	sld [smem:$0x3FBA]  }
0x3d: {  	_ =	shalt  }
0x3e: {  	_ =	shalt  }
0x3f: {  	_ =	shalt  }
0x40: {  	_ =	shalt  }
0x41: {  	_ =	shalt  }
0x42: {  	_ =	shalt  }
0x43: {  	_ =	shalt  }
0x44: {  	_ =	shalt  }
0x45: {  	_ =	shalt  }
0x46: {  	_ =	shalt  }
0x47: {  	_ =	shalt  }
0x48: {  	_ =	shalt  }
0x49: {  	_ =	shalt  }
0x4a: {  	_ =	shalt  }
0x4b: {  	_ =	shalt  }
0x4c: {  	_ =	shalt  }
0x4d: {  	_ =	shalt  }
0x4e: {  	_ =	shalt  }
0x4f: {  	_ =	shalt  }
0x50: {  	_ =	shalt  }
0x51: {  	_ =	shalt  }
0x52: {  	_ =	shalt  }
0x53: {  	_ =	shalt  }
0x54: {  	_ =	shalt  }
0x55: {  	_ =	shalt  }
0x56: {  	_ =	shalt  }
0x57: {  	_ =	shalt  }
0x58: {  	_ =	shalt  }
0x59: {  	_ =	shalt  }
0x5a: {  	_ =	shalt  }
0x5b: {  	_ =	shalt  }
0x5c: {  	_ =	shalt  }
0x5d: {  	_ =	shalt  }
0x5e: {  	_ =	shalt  }
0x5f: {  	_ =	shalt  }
0x60: {  	_ =	shalt  }
0x61: {  	_ =	shalt  }
0x62: {  	_ =	shalt  }
0x63: {  	_ =	shalt  }
0x64: {  	_ =	shalt  }
0x65: {  	_ =	shalt  }
0x66: {  	_ =	shalt  }
0x67: {  	_ =	shalt  }
0x68: {  	_ =	shalt  }
0x69: {  	_ =	shalt  }
0x6a: {  	_ =	shalt  }
0x6b: {  	_ =	shalt  }
0x6c: {  	_ =	shalt  }
0x6d: {  	_ =	shalt  }
0x6e: {  	_ =	shalt  }
0x6f: {  	_ =	shalt  }
0x70: {  	_ =	shalt  }
0x71: {  	_ =	shalt  }
0x72: {  	_ =	shalt  }
0x73: {  	_ =	shalt  }
0x74: {  	_ =	shalt  }
0x75: {  	_ =	shalt  }
0x76: {  	_ =	shalt  }
0x77: {  	_ =	shalt  }
0x78: {  	_ =	shalt  }
0x79: {  	_ =	shalt  }
0x7a: {  	_ =	shalt  }
0x7b: {  	_ =	shalt  }
0x7c: {  	_ =	shalt  }
0x7d: {  	_ =	shalt  }
0x7e: {  	_ =	shalt  }
0x7f: {  	_ =	shalt  }
0x80: {  	_ =	shalt  }
0x81: {  	_ =	shalt  }
0x82: {  	_ =	shalt  }
0x83: {  	_ =	shalt  }
0x84: {  	_ =	shalt  }
0x85: {  	_ =	shalt  }
0x86: {  	_ =	shalt  }
0x87: {  	_ =	shalt  }
.Lfunc_end0:
.L_simem_size_0:
called_computation_lowered:
.L_overlay_start_0:
0x88: {  	s2 =	sld [smem:$0x3FD9]  }
0x89: {  	s3 =	sld [smem:$0x3FFE];
	_ =	sdelay $0x1  }
0x8a: {  	s1 =	srdreg.scid  }
0x8b: {  	s0 =	sand.u32 $0x1, s1  }
0x8c: {  	s18 =	sshll.u32 s0, $0xA;
	s2 =	sadd.s32 s3, s2  }
0x8d: {  	s2 =	sadd.s32 s2, s18  }
0x8e: {  	[smem:$0x3FC6] =	sst s2  }
0x8f: {  	_ = 	snop  }
0x90: {  	s2 =	sld [smem:$0x3FC9]  }
0x91: {  	s19 =	sld [smem:$0x3FC8]  }
0x92: {  	s4 =	sld [smem:$0x3FD0];
	(tm) =	ssettm $0x1  }
0x93: {  	s5 =	sld [smem:$0x3FFB];
	_ =	sdelay $0x3  }
0x94: {  	_ =	strace s5  }
0x95: {  	s5 =	sld [smem:$0x3FFC];
	_ =	sdelay $0x3  }
0x96: {  	_ =	strace s5  }
0x97: {  	s5 =	sld [smem:$0x3FFD];
	_ =	sdelay $0x3  }
0x98: {  	_ =	strace s5  }
0x99: {  	_ =	strace $0x8FFFFFFF  }
0x9a: {  	s20 =	sld [smem:$0x3FDB];
	_ =	sdelay $0x1  }
0x9b: {  	s6 =	simm.s32 $_scs_section_size  }
0x9c: {  	s7 =	simm.s32 $_size__tile_overlayer_lowered;
	s8 =	simm.s32 $_tile_overlayer_lowered  }
0x9d: {  	s23 =	simm.s32 $0x1BFF;
	s22 =	sshll.u32 s8, $0x1;
	s5 =	sadd.s32 s6, s20  }
0x9e: {  	s9 =	simm.s32 $0x0;
	s21 =	sshll.u32 s7, $0x1;
	s7 =	sadd.s32 s22, s5  }
0x9f: {  	[timem:s9], [sflag:s23] =	dma.local [hbm:s7], s21  }
0xa0: {  	_ =	swait.ge [sflag:s23], s21  }
0xa1: {  	s6 =	ssub.s32 $0x0, s21;
	[sflag:s23] =	ssyncset.done $0x0  }
0xa2: {  	[sflag:s23] =	ssyncadd.s32 s6;
	_ =	sdelay $0x1  }
0xa3: {  	s24 =	simm.s32 $0x1B8B  }
0xa4: {  	_ =	swait.ge [sflag:s24], $0x1  }
0xa5: {  	[sflag:s24] =	ssyncset.done $0x0  }
0xa6: {  	s25 =	simm.s32 $0x1B8E;
	[sflag:s24] =	ssyncadd.s32 $0xFFFFFFFF  }
0xa7: {  	s26 =	simm.s32 $execute0_lowered;
	[smem:$0x3FD2] =	sst s25  }
0xa8: {  	s6 =	sshll.u32 s26, $0x1;
	_ =	strace $0x80000046;
	[dreg:$0x1] =	wrdreg $0xFFFFFFFF  }
0xa9: {  	s28 =	simm.s32 $_size_execute0_lowered;
	s5 =	sadd.s32 s5, s6;
	[dreg:$0x0] =	wrdreg $0x0  }
0xaa: {  	s6 =	sshll.u32 s28, $0x1;
	[dreg:$0x2] =	wrdreg s5  }
0xab: {  	[dreg:$0x3] =	wrdreg s6  }
0xac: {  	[dreg:$0x4] =	wrdreg $0xC0  }
0xad: {  	_ =	task [dreg:s9], $0x5FFFF  }
0xae: {  	[dreg:$0x1] =	wrdreg $0xFFFFFFFF  }
0xaf: {  	[dreg:$0x0] =	wrdreg $0x60  }
0xb0: {  	[dreg:$0x2] =	wrdreg s2  }
0xb1: {  	[dreg:$0x3] =	wrdreg s19  }
0xb2: {  	[dreg:$0x4] =	wrdreg s4  }
0xb3: {  	[dreg:$0x5] =	wrdreg $0x9  }
0xb4: {  	_ =	task.clear_ibuf [dreg:s9], $0x6FFFF;
	_ =	strace $0x90000046  }
0xb5: {  	s29 =	simm.s32 $0x9;
	_ =	strace $0x80000048  }
0xb6: {  	_ =	swait.ge [sflag:s29], $0x1  }
0xb7: {  	[sflag:s29] =	ssyncadd.s32 $0xFFFFFFFF  }
0xb8: {  	_ =	strace $0x90000048  }
0xb9: {  	_ =	sfence  }
0xba: {  	s30 =	sld [smem:$0x0];
	_ =	sdelay $0x2  }
0xbb: {  	s31 =	sshll.u32 s1, $0xD;
	s1 =	sshrl.u32 s1, $0x2  }
0xbc: {  	s3 =	sand.u32 $0x4000, s31;
	s1 =	sadd.s32 s1, s30  }
0xbd: {  	s0 =	sor.u32 s3, s0;
	s1 =	sshll.u32 s1, $0x11  }
0xbe: {  	s0 =	sor.u32 s1, s0  }
0xbf: {  	s0 =	sadd.s32 $0x8F2B, s0  }
0xc0: {  	[sflag:s0] =	ssyncadd.remote.s32 $0x1  }
0xc1: {  	_ =	sfence.sel $0xFFFF  }
0xc2: {  	[dreg:$0x0] =	wrdreg $0xFFFFFFFF;
	(pc) =	sbr.abs _section_cstart, $3  }
0xc3: {  	[dreg:$0x1] =	wrdreg $0xFFFFFFFF  }
0xc4: {  	_ =	task.clear_ibuf [dreg:s9], $0x2FFFF;
	_ =	strace $0x9FFFFFFF  }
0xc5: {  	(tm) =	ssettm $0x7FFFFFFF  }
tec
execute0_lowered:
.L_overlay_start_1:
0x0: {  	(tag) =	ssettag $0x1  }
0x1: {  	s4 =	rddreg [dreg:$0x0]  }
0x2: {  	s2 =	rddreg [dreg:$0x1];
	s0 =	srdreg.scid  }
0x3: {  	s5 =	rddreg [dreg:$0x2];
	s1 =	stileid.u32;
	s3 =	simm.s32 $0x0  }
0x4: {  	s10 =	simm.s32 $0x1000;
	s11 =	simm.s32 $0x20000;
	s12 =	simm.s32 $0xE00  }
0x5: {  	s13 =	simm.s32 $0x0;
	s6 =	sand.u32 $0x1, s0;
	s0 =	rddreg [dreg:$0x3]  }
0x6: {  	s7 =	sshll.u32 s1, $0xA;
	[smem:$0x7FF] =	sst s3;
	s8 =	sshll.u32 s6, $0x9  }
0x7: {  	s6 =	ssub.s32 $0x2, s6;
	_ =	strace $0x80000047;
	s7 =	sor.u32 s8, s7  }
0x8: {  	s31 =	sshrl.u32 s6, $0x1;
	s8 =	simm.s32 $0x1;
	s9 =	sshrl.u32 s7, $0x3  }
0x9: {  	s6 =	ssub.s32 s6, s31;
	s5 =	sadd.s32 s5, s7;
	s7 =	simm.s32 $0x200  }
0xa: {  	s4 =	sadd.s32 s4, s9;
	s6 =	smax.u32 s6, $0x1;
	s9 =	simm.s32 $0xA00  }
.LBB2_1:
0xb: {  	[tilespmem:s7], [sflag:$0x1] =	stream.linear.gather [hbm4b:s2+s3], $0x780, $0x38;
	[tilespmem:$0x8E00] =	vst v63  }
0xc: {  	_ =	swait.ge [sflag:s8], $0x780  }
0xd: {  	[sflag:s8] =	ssyncset.done $0x0  }
0xe: {  	[sflag:s8] =	ssyncadd.s32 $0xFFFFF880  }
0xf: {  	[tilespmem:s3], [sflag:$0x1] =	stream.linear.gather [hbm4b:s4+s3], $0x200, $0x38;
	[tilespmem:$0x8E00] =	vst v63  }
0x10: {  	_ =	swait.ge [sflag:s8], $0x200  }
0x11: {  	[sflag:s8] =	ssyncset.done $0x0  }
0x12: {  	[sflag:s8] =	ssyncadd.s32 $0xFFFFFE00  }
0x13: {  	v0 =	vld [tilespmem:$0x200]  }
0x14: {  	v1 =	vld [tilespmem:$0x210]  }
0x15: {  	v2 =	vld [tilespmem:$0x220]  }
0x16: {  	v3 =	vld [tilespmem:$0x230]  }
0x17: {  	v4 =	vld [tilespmem:$0x280]  }
0x18: {  	[tilespmem:$0xA00] =	vst v0;
	v0 =	vld [tilespmem:$0x290]  }
0x19: {  	[tilespmem:$0xA10] =	vst v1;
	v1 =	vld [tilespmem:$0x2A0]  }
0x1a: {  	[tilespmem:$0xA20] =	vst v2;
	v2 =	vld [tilespmem:$0x2B0]  }
0x1b: {  	[tilespmem:$0xA30] =	vst v3;
	v3 =	vld [tilespmem:$0x300]  }
0x1c: {  	[tilespmem:$0xA41] =	vst v4;
	v4 =	vld [tilespmem:$0x310]  }
0x1d: {  	[tilespmem:$0xA51] =	vst v0;
	v0 =	vld [tilespmem:$0x320]  }
0x1e: {  	[tilespmem:$0xA61] =	vst v1;
	v1 =	vld [tilespmem:$0x330]  }
0x1f: {  	[tilespmem:$0xA71] =	vst v2;
	v2 =	vld [tilespmem:$0x380]  }
0x20: {  	[tilespmem:$0xA82] =	vst v3;
	v3 =	vld [tilespmem:$0x390]  }
0x21: {  	[tilespmem:$0xA92] =	vst v4;
	v4 =	vld [tilespmem:$0x3A0]  }
0x22: {  	[tilespmem:$0xAA2] =	vst v0;
	v0 =	vld [tilespmem:$0x3B0]  }
0x23: {  	[tilespmem:$0xAB2] =	vst v1;
	v1 =	vld [tilespmem:$0x400]  }
0x24: {  	[tilespmem:$0xAC3] =	vst v2;
	v2 =	vld [tilespmem:$0x410]  }
0x25: {  	[tilespmem:$0xAD3] =	vst v3;
	v3 =	vld [tilespmem:$0x420]  }
0x26: {  	[tilespmem:$0xAE3] =	vst v4;
	v4 =	vld [tilespmem:$0x430]  }
0x27: {  	[tilespmem:$0xAF3] =	vst v0;
	v0 =	vld [tilespmem:$0x480]  }
0x28: {  	[tilespmem:$0xB04] =	vst v1;
	v1 =	vld [tilespmem:$0x490]  }
0x29: {  	[tilespmem:$0xB14] =	vst v2;
	v2 =	vld [tilespmem:$0x4A0]  }
0x2a: {  	[tilespmem:$0xB24] =	vst v3;
	v3 =	vld [tilespmem:$0x4B0]  }
0x2b: {  	[tilespmem:$0xB34] =	vst v4;
	v4 =	vld [tilespmem:$0x500]  }
0x2c: {  	[tilespmem:$0xB45] =	vst v0;
	v0 =	vld [tilespmem:$0x510]  }
0x2d: {  	[tilespmem:$0xB55] =	vst v1;
	v1 =	vld [tilespmem:$0x520]  }
0x2e: {  	[tilespmem:$0xB65] =	vst v2;
	v2 =	vld [tilespmem:$0x530]  }
0x2f: {  	[tilespmem:$0xB75] =	vst v3;
	v3 =	vld [tilespmem:$0x580]  }
0x30: {  	[tilespmem:$0xB86] =	vst v4;
	v4 =	vld [tilespmem:$0x590]  }
0x31: {  	[tilespmem:$0xB96] =	vst v0;
	v0 =	vld [tilespmem:$0x5A0]  }
0x32: {  	[tilespmem:$0xBA6] =	vst v1;
	v1 =	vld [tilespmem:$0x5B0]  }
0x33: {  	[tilespmem:$0xBB6] =	vst v2;
	v2 =	vld [tilespmem:$0x600]  }
0x34: {  	[tilespmem:$0xBC7] =	vst v3;
	v3 =	vld [tilespmem:$0x610]  }
0x35: {  	[tilespmem:$0xBD7] =	vst v4;
	v4 =	vld [tilespmem:$0x620]  }
0x36: {  	[tilespmem:$0xBE7] =	vst v0;
	v0 =	vld [tilespmem:$0x630]  }
0x37: {  	[tilespmem:$0xBF7] =	vst v1;
	v1 =	vld [tilespmem:$0x680]  }
0x38: {  	[tilespmem:$0xC08] =	vst v2;
	v2 =	vld [tilespmem:$0x690]  }
0x39: {  	[tilespmem:$0xC18] =	vst v3;
	v3 =	vld [tilespmem:$0x6A0]  }
0x3a: {  	[tilespmem:$0xC28] =	vst v4;
	v4 =	vld [tilespmem:$0x6B0]  }
0x3b: {  	[tilespmem:$0xC38] =	vst v0;
	v0 =	vld [tilespmem:$0x700]  }
0x3c: {  	[tilespmem:$0xC49] =	vst v1;
	v1 =	vld [tilespmem:$0x710]  }
0x3d: {  	[tilespmem:$0xC59] =	vst v2;
	v2 =	vld [tilespmem:$0x720]  }
0x3e: {  	[tilespmem:$0xC69] =	vst v3;
	v3 =	vld [tilespmem:$0x730]  }
0x3f: {  	[tilespmem:$0xC79] =	vst v4;
	v4 =	vld [tilespmem:$0x780]  }
0x40: {  	[tilespmem:$0xC8A] =	vst v0;
	v0 =	vld [tilespmem:$0x790]  }
0x41: {  	[tilespmem:$0xC9A] =	vst v1;
	v1 =	vld [tilespmem:$0x7A0]  }
0x42: {  	[tilespmem:$0xCAA] =	vst v2;
	v2 =	vld [tilespmem:$0x7B0]  }
0x43: {  	[tilespmem:$0xCBA] =	vst v3;
	v3 =	vld [tilespmem:$0x800]  }
0x44: {  	[tilespmem:$0xCCB] =	vst v4;
	v4 =	vld [tilespmem:$0x810]  }
0x45: {  	[tilespmem:$0xCDB] =	vst v0;
	v0 =	vld [tilespmem:$0x820]  }
0x46: {  	[tilespmem:$0xCEB] =	vst v1  }
0x47: {  	[tilespmem:$0xCFB] =	vst v2  }
0x48: {  	[tilespmem:$0xD0C] =	vst v3  }
0x49: {  	[tilespmem:$0xD1C] =	vst v4  }
0x4a: {  	[tilespmem:$0xD2C] =	vst v0  }
0x4b: {  	v0 =	vld [tilespmem:$0x830]  }
0x4c: {  	v1 =	vld [tilespmem:$0x880]  }
0x4d: {  	v2 =	vld [tilespmem:$0x890]  }
0x4e: {  	v3 =	vld [tilespmem:$0x8A0]  }
0x4f: {  	v4 =	vld [tilespmem:$0x8B0]  }
0x50: {  	[tilespmem:$0xD3C] =	vst v0;
	v0 =	vld [tilespmem:$0x900]  }
0x51: {  	[tilespmem:$0xD4D] =	vst v1;
	v1 =	vld [tilespmem:$0x910]  }
0x52: {  	[tilespmem:$0xD5D] =	vst v2;
	v2 =	vld [tilespmem:$0x920]  }
0x53: {  	[tilespmem:$0xD6D] =	vst v3;
	v3 =	vld [tilespmem:$0x930]  }
0x54: {  	[tilespmem:$0xD7D] =	vst v4  }
0x55: {  	[tilespmem:$0xD8E] =	vst v0  }
0x56: {  	[tilespmem:$0xD9E] =	vst v1  }
0x57: {  	[tilespmem:$0xDAE] =	vst v2  }
0x58: {  	[tilespmem:$0xDBE] =	vst v3  }
0x59: {  	v0 =	vld [tilespmem:s3+$0x0];
	_ =	sdelay $0x4  }
0x5a: {  	v0 =	vmax.f32 v0, $-3.000000000e+00  }
0x5b: {  	v0 =	vmin.f32 v0, $3.000000000e+00  }
0x5c: {  	v0 =	vadd.f32 $3.000000000e+00, v0;
	_ =	sdelay $0x1  }
0x5d: {  	v0 =	vmul.f32 $2.333333250e+00, v0;
	_ =	sdelay $0x1  }
0x5e: {  	v0 =	vadd.f32 $8.388608000e+06, v0;
	_ =	sdelay $0x1  }
0x5f: {  	v0 =	vadd.f32 $-8.388608000e+06, v0;
	_ =	sdelay $0x1  }
0x60: {  	v0 =	vtrunc.f32 v0  }
0x61: {  	v0 =	vcvt.f32.s32 v0;
	_ =	sdelay $0x1  }
0x62: {  	v6 =	vmul.u32 $0x41, v0;
	_ =	sdelay $0x5  }
0x63: {  	v0 =	vld.idx.msk [tilespmem:v6+s9+$0x0], $0xffff  }
0x64: {  	v1 =	vadd.s32 $0x1, v6;
	_ =	sdelay $0x1  }
0x65: {  	s14 =	sand.u32 $0x70, s3;
	s15 =	sand.u32 $0xC00, s3  }
0x66: {  	s20 =	sor.u32 s14, s15  }
0x67: {  	[tilespmem:s20+$0xE00] =	vst v0  }
0x68: {  	v0 =	vld.idx.msk [tilespmem:v1+s9+$0x0], $0xffff  }
0x69: {  	v1 =	vadd.s32 $0x2, v6;
	_ =	sdelay $0x3  }
0x6a: {  	[tilespmem:s20+$0xE80] =	vst v0  }
0x6b: {  	v0 =	vld.idx.msk [tilespmem:v1+s9+$0x0], $0xffff  }
0x6c: {  	v1 =	vadd.s32 $0x3, v6;
	_ =	sdelay $0x3  }
0x6d: {  	[tilespmem:s20+$0xF00] =	vst v0  }
0x6e: {  	v0 =	vld.idx.msk [tilespmem:v1+s9+$0x0], $0xffff  }
0x6f: {  	v1 =	vadd.s32 $0x4, v6;
	_ =	sdelay $0x3  }
0x70: {  	[tilespmem:s20+$0xF80] =	vst v0  }
0x71: {  	v0 =	vld.idx.msk [tilespmem:v1+s9+$0x0], $0xffff  }
0x72: {  	v1 =	vadd.s32 $0x5, v6;
	_ =	sdelay $0x3  }
0x73: {  	[tilespmem:s20+$0x1000] =	vst v0  }
0x74: {  	v0 =	vld.idx.msk [tilespmem:v1+s9+$0x0], $0xffff  }
0x75: {  	s28 =	simm.s32 $0x10;
	v1 =	vadd.s32 $0x6, v6  }
0x76: {  	v2 =	vld [tilespmem:s28+$0x0];
	_ =	sdelay $0x2  }
0x77: {  	[tilespmem:s20+$0x1080] =	vst v0  }
0x78: {  	v0 =	vld.idx.msk [tilespmem:v1+s9+$0x0], $0xffff  }
0x79: {  	v2 =	vmax.f32 v2, $-3.000000000e+00;
	v1 =	vadd.s32 $0x7, v6  }
0x7a: {  	v2 =	vmin.f32 v2, $3.000000000e+00  }
0x7b: {  	v2 =	vadd.f32 $3.000000000e+00, v2;
	_ =	sdelay $0x1  }
0x7c: {  	[tilespmem:s20+$0x1100] =	vst v0;
	v0 =	vmul.f32 $2.333333250e+00, v2  }
0x7d: {  	v1 =	vld.idx.msk [tilespmem:v1+s9+$0x0], $0xffff  }
0x7e: {  	v2 =	vadd.s32 $0x8, v6;
	v0 =	vadd.f32 $8.388608000e+06, v0;
	_ =	sdelay $0x1  }
0x7f: {  	s29 =	sor.u32 s3, s3;
	v0 =	vadd.f32 $-8.388608000e+06, v0  }
0x80: {  	s15 =	sor.u32 $0x380, s29  }
0x81: {  	[tilespmem:s15+$0xE00] =	vst v1;
	v0 =	vtrunc.f32 v0  }
0x82: {  	v1 =	vld.idx.msk [tilespmem:v2+s9+$0x0], $0xffff;
	v0 =	vcvt.f32.s32 v0  }
0x83: {  	v3 =	vadd.s32 $0x9, v6  }
0x84: {  	v2 =	vmul.u32 $0x41, v0;
	_ =	sdelay $0x2  }
0x85: {  	[tilespmem:s20+$0x1E00] =	vst v1  }
0x86: {  	v0 =	vld.idx.msk [tilespmem:v3+s9+$0x0], $0xffff  }
0x87: {  	v1 =	vadd.s32 $0xA, v6  }
0x88: {  	v3 =	vld.idx.msk [tilespmem:v2+s9+$0x0], $0xffff  }
0x89: {  	v4 =	vadd.s32 $0x1, v2  }
0x8a: {  	s17 =	simm.s32 $0x80  }
0x8b: {  	s30 =	sand.u32 $0x70, s28;
	s16 =	sand.u32 $0xC00, s17;
	[tilespmem:s20+$0x1E80] =	vst v0  }
0x8c: {  	s16 =	sor.u32 s30, s16;
	v0 =	vld.idx.msk [tilespmem:v1+s9+$0x0], $0xffff  }
0x8d: {  	v1 =	vadd.s32 $0xB, v6;
	[tilespmem:s16+$0xE00] =	vst v3  }
0x8e: {  	v3 =	vld.idx.msk [tilespmem:v4+s9+$0x0], $0xffff  }
0x8f: {  	v4 =	vadd.s32 $0x2, v2;
	_ =	sdelay $0x1  }
0x90: {  	[tilespmem:s20+$0x1F00] =	vst v0  }
0x91: {  	v0 =	vld.idx.msk [tilespmem:v1+s9+$0x0], $0xffff  }
0x92: {  	v1 =	vadd.s32 $0xC, v6;
	[tilespmem:s16+$0xE80] =	vst v3  }
0x93: {  	v3 =	vld.idx.msk [tilespmem:v4+s9+$0x0], $0xffff  }
0x94: {  	v4 =	vadd.s32 $0x3, v2;
	_ =	sdelay $0x1  }
0x95: {  	[tilespmem:s20+$0x1F80] =	vst v0  }
0x96: {  	v0 =	vld.idx.msk [tilespmem:v1+s9+$0x0], $0xffff  }
0x97: {  	v1 =	vadd.s32 $0xD, v6;
	[tilespmem:s16+$0xF00] =	vst v3  }
0x98: {  	v3 =	vld.idx.msk [tilespmem:v4+s9+$0x0], $0xffff  }
0x99: {  	v4 =	vadd.s32 $0x4, v2;
	_ =	sdelay $0x1  }
0x9a: {  	[tilespmem:s20+$0x2000] =	vst v0  }
0x9b: {  	v0 =	vld.idx.msk [tilespmem:v1+s9+$0x0], $0xffff  }
0x9c: {  	v1 =	vadd.s32 $0xE, v6;
	[tilespmem:s16+$0xF80] =	vst v3  }
0x9d: {  	v3 =	vld.idx.msk [tilespmem:v4+s9+$0x0], $0xffff  }
0x9e: {  	v4 =	vadd.s32 $0x5, v2;
	_ =	sdelay $0x1  }
0x9f: {  	[tilespmem:s20+$0x2080] =	vst v0  }
0xa0: {  	v0 =	vld.idx.msk [tilespmem:v1+s9+$0x0], $0xffff  }
0xa1: {  	v1 =	vadd.s32 $0xF, v6;
	[tilespmem:s16+$0x1000] =	vst v3  }
0xa2: {  	v3 =	vld.idx.msk [tilespmem:v4+s9+$0x0], $0xffff  }
0xa3: {  	s31 =	simm.s32 $0x20;
	v4 =	vadd.s32 $0x6, v2  }
0xa4: {  	v5 =	vld [tilespmem:s31+$0x0]  }
0xa5: {  	[tilespmem:s20+$0x2100] =	vst v0  }
0xa6: {  	v0 =	vld.idx.msk [tilespmem:v1+s9+$0x0], $0xffff  }
0xa7: {  	v1 =	vadd.s32 $0x10, v6;
	[tilespmem:s16+$0x1080] =	vst v3  }
0xa8: {  	v3 =	vld.idx.msk [tilespmem:v4+s9+$0x0], $0xffff  }
0xa9: {  	v5 =	vmax.f32 v5, $-3.000000000e+00;
	v4 =	vadd.s32 $0x7, v2  }
0xaa: {  	v5 =	vmin.f32 v5, $3.000000000e+00  }
0xab: {  	[tilespmem:s20+$0x2180] =	vst v0;
	v0 =	vadd.f32 $3.000000000e+00, v5  }
0xac: {  	v1 =	vld.idx.msk [tilespmem:v1+s9+$0x0], $0xffff  }
0xad: {  	[tilespmem:s16+$0x1100] =	vst v3;
	v3 =	vadd.s32 $0x11, v6;
	v0 =	vmul.f32 $2.333333250e+00, v0  }
0xae: {  	v4 =	vld.idx.msk [tilespmem:v4+s9+$0x0], $0xffff  }
0xaf: {  	v5 =	vadd.s32 $0x8, v2;
	v0 =	vadd.f32 $8.388608000e+06, v0;
	_ =	sdelay $0x1  }
0xb0: {  	s14 =	sor.u32 s17, s28;
	[tilespmem:s20+$0x2E00] =	vst v1;
	v0 =	vadd.f32 $-8.388608000e+06, v0  }
0xb1: {  	s14 =	sor.u32 $0x380, s14;
	v1 =	vld.idx.msk [tilespmem:v3+s9+$0x0], $0xffff  }
0xb2: {  	v3 =	vadd.s32 $0x12, v6;
	[tilespmem:s14+$0xE00] =	vst v4;
	v0 =	vtrunc.f32 v0  }
0xb3: {  	v4 =	vld.idx.msk [tilespmem:v5+s9+$0x0], $0xffff;
	v0 =	vcvt.f32.s32 v0  }
0xb4: {  	v5 =	vadd.s32 $0x9, v2  }
0xb5: {  	v0 =	vmul.u32 $0x41, v0  }
0xb6: {  	[tilespmem:s20+$0x2E80] =	vst v1  }
0xb7: {  	v1 =	vld.idx.msk [tilespmem:v3+s9+$0x0], $0xffff  }
0xb8: {  	v3 =	vadd.s32 $0x13, v6;
	[tilespmem:s16+$0x1E00] =	vst v4  }
0xb9: {  	v4 =	vld.idx.msk [tilespmem:v5+s9+$0x0], $0xffff  }
0xba: {  	v5 =	vadd.s32 $0xA, v2  }
0xbb: {  	v7 =	vld.idx.msk [tilespmem:v0+s9+$0x0], $0xffff  }
0xbc: {  	v8 =	vadd.s32 $0x1, v0;
	[tilespmem:s20+$0x2F00] =	vst v1  }
0xbd: {  	s18 =	simm.s32 $0x100;
	v1 =	vld.idx.msk [tilespmem:v3+s9+$0x0], $0xffff  }
0xbe: {  	s19 =	sand.u32 $0x70, s31;
	s21 =	sand.u32 $0xC00, s18;
	v3 =	vadd.s32 $0x14, v6;
	[tilespmem:s16+$0x1E80] =	vst v4  }
0xbf: {  	s14 =	sor.u32 s19, s21;
	v4 =	vld.idx.msk [tilespmem:v5+s9+$0x0], $0xffff  }
0xc0: {  	v5 =	vadd.s32 $0xB, v2;
	[tilespmem:s14+$0xE00] =	vst v7  }
0xc1: {  	v7 =	vld.idx.msk [tilespmem:v8+s9+$0x0], $0xffff  }
0xc2: {  	v8 =	vadd.s32 $0x2, v0;
	[tilespmem:s20+$0x2F80] =	vst v1  }
0xc3: {  	v1 =	vld.idx.msk [tilespmem:v3+s9+$0x0], $0xffff  }
0xc4: {  	v3 =	vadd.s32 $0x15, v6;
	[tilespmem:s16+$0x1F00] =	vst v4  }
0xc5: {  	v4 =	vld.idx.msk [tilespmem:v5+s9+$0x0], $0xffff  }
0xc6: {  	v5 =	vadd.s32 $0xC, v2;
	[tilespmem:s14+$0xE80] =	vst v7  }
0xc7: {  	v7 =	vld.idx.msk [tilespmem:v8+s9+$0x0], $0xffff  }
0xc8: {  	v8 =	vadd.s32 $0x3, v0;
	[tilespmem:s20+$0x3000] =	vst v1  }
0xc9: {  	v1 =	vld.idx.msk [tilespmem:v3+s9+$0x0], $0xffff  }
0xca: {  	v3 =	vadd.s32 $0x16, v6;
	[tilespmem:s16+$0x1F80] =	vst v4  }
0xcb: {  	v4 =	vld.idx.msk [tilespmem:v5+s9+$0x0], $0xffff  }
0xcc: {  	v5 =	vadd.s32 $0xD, v2;
	[tilespmem:s14+$0xF00] =	vst v7  }
0xcd: {  	v7 =	vld.idx.msk [tilespmem:v8+s9+$0x0], $0xffff  }
0xce: {  	v8 =	vadd.s32 $0x4, v0;
	[tilespmem:s20+$0x3080] =	vst v1  }
0xcf: {  	v1 =	vld.idx.msk [tilespmem:v3+s9+$0x0], $0xffff  }
0xd0: {  	v3 =	vadd.s32 $0x17, v6;
	[tilespmem:s16+$0x2000] =	vst v4  }
0xd1: {  	v4 =	vld.idx.msk [tilespmem:v5+s9+$0x0], $0xffff  }
0xd2: {  	v5 =	vadd.s32 $0xE, v2;
	[tilespmem:s14+$0xF80] =	vst v7  }
0xd3: {  	v7 =	vld.idx.msk [tilespmem:v8+s9+$0x0], $0xffff  }
0xd4: {  	v8 =	vadd.s32 $0x5, v0;
	[tilespmem:s20+$0x3100] =	vst v1  }
0xd5: {  	v1 =	vld.idx.msk [tilespmem:v3+s9+$0x0], $0xffff  }
0xd6: {  	v3 =	vadd.s32 $0x18, v6;
	[tilespmem:s16+$0x2080] =	vst v4  }
0xd7: {  	v4 =	vld.idx.msk [tilespmem:v5+s9+$0x0], $0xffff  }
0xd8: {  	v5 =	vadd.s32 $0xF, v2;
	[tilespmem:s14+$0x1000] =	vst v7  }
0xd9: {  	s22 =	simm.s32 $0x30;
	v7 =	vld.idx.msk [tilespmem:v8+s9+$0x0], $0xffff  }
0xda: {  	v9 =	vadd.s32 $0x6, v0;
	v8 =	vld [tilespmem:s22+$0x0];
	[tilespmem:s20+$0x3180] =	vst v1  }
0xdb: {  	v1 =	vld.idx.msk [tilespmem:v3+s9+$0x0], $0xffff  }
0xdc: {  	v3 =	vadd.s32 $0x19, v6;
	[tilespmem:s16+$0x2100] =	vst v4  }
0xdd: {  	v4 =	vld.idx.msk [tilespmem:v5+s9+$0x0], $0xffff  }
0xde: {  	v5 =	vadd.s32 $0x10, v2;
	[tilespmem:s14+$0x1080] =	vst v7  }
0xdf: {  	v8 =	vmax.f32 v8, $-3.000000000e+00;
	v7 =	vld.idx.msk [tilespmem:v9+s9+$0x0], $0xffff  }
0xe0: {  	v9 =	vadd.s32 $0x7, v0;
	[tilespmem:s20+$0x3E00] =	vst v1;
	v1 =	vmin.f32 v8, $3.000000000e+00  }
0xe1: {  	v3 =	vld.idx.msk [tilespmem:v3+s9+$0x0], $0xffff;
	v1 =	vadd.f32 $3.000000000e+00, v1  }
0xe2: {  	[tilespmem:s16+$0x2180] =	vst v4;
	v4 =	vadd.s32 $0x1A, v6  }
0xe3: {  	v5 =	vld.idx.msk [tilespmem:v5+s9+$0x0], $0xffff;
	v1 =	vmul.f32 $2.333333250e+00, v1  }
0xe4: {  	[tilespmem:s14+$0x1100] =	vst v7;
	v7 =	vadd.s32 $0x11, v2  }
0xe5: {  	v8 =	vld.idx.msk [tilespmem:v9+s9+$0x0], $0xffff;
	v1 =	vadd.f32 $8.388608000e+06, v1  }
0xe6: {  	v9 =	vadd.s32 $0x8, v0;
	[tilespmem:s20+$0x3E80] =	vst v3  }
0xe7: {  	v3 =	vld.idx.msk [tilespmem:v4+s9+$0x0], $0xffff;
	v1 =	vadd.f32 $-8.388608000e+06, v1  }
0xe8: {  	s15 =	sor.u32 s18, s31;
	v4 =	vadd.s32 $0x1B, v6;
	[tilespmem:s16+$0x2E00] =	vst v5  }
0xe9: {  	s15 =	sor.u32 $0x380, s15;
	v5 =	vld.idx.msk [tilespmem:v7+s9+$0x0], $0xffff;
	v1 =	vtrunc.f32 v1  }
0xea: {  	v7 =	vadd.s32 $0x12, v2;
	[tilespmem:s15+$0xE00] =	vst v8;
	v1 =	vcvt.f32.s32 v1  }
0xeb: {  	v8 =	vld.idx.msk [tilespmem:v9+s9+$0x0], $0xffff  }
0xec: {  	v9 =	vadd.s32 $0x9, v0;
	[tilespmem:s20+$0x3F00] =	vst v3;
	v1 =	vmul.u32 $0x41, v1  }
0xed: {  	v3 =	vld.idx.msk [tilespmem:v4+s9+$0x0], $0xffff  }
0xee: {  	v4 =	vadd.s32 $0x1C, v6;
	[tilespmem:s16+$0x2E80] =	vst v5  }
0xef: {  	v5 =	vld.idx.msk [tilespmem:v7+s9+$0x0], $0xffff  }
0xf0: {  	v7 =	vadd.s32 $0x13, v2;
	[tilespmem:s14+$0x1E00] =	vst v8  }
0xf1: {  	v8 =	vld.idx.msk [tilespmem:v9+s9+$0x0], $0xffff  }
0xf2: {  	v10 =	vadd.s32 $0xA, v0;
	v9 =	vld.idx.msk [tilespmem:v1+s9+$0x0], $0xffff;
	[tilespmem:s20+$0x3F80] =	vst v3  }
0xf3: {  	v3 =	vld.idx.msk [tilespmem:v4+s9+$0x0], $0xffff;
	v4 =	vadd.s32 $0x1, v1  }
0xf4: {  	s19 =	simm.s32 $0x180;
	[tilespmem:s16+$0x2F00] =	vst v5;
	v5 =	vadd.s32 $0x1D, v6  }
0xf5: {  	s23 =	sand.u32 $0x70, s22;
	s24 =	sand.u32 $0xC00, s19;
	v7 =	vld.idx.msk [tilespmem:v7+s9+$0x0], $0xffff  }
0xf6: {  	s15 =	sor.u32 s23, s24;
	[tilespmem:s14+$0x1E80] =	vst v8;
	v8 =	vadd.s32 $0x14, v2  }
0xf7: {  	v10 =	vld.idx.msk [tilespmem:v10+s9+$0x0], $0xffff;
	[tilespmem:s15+$0xE00] =	vst v9  }
0xf8: {  	v9 =	vadd.s32 $0xB, v0;
	v4 =	vld.idx.msk [tilespmem:v4+s9+$0x0], $0xffff;
	[tilespmem:s20+$0x4000] =	vst v3  }
0xf9: {  	v3 =	vld.idx.msk [tilespmem:v5+s9+$0x0], $0xffff;
	v5 =	vadd.s32 $0x2, v1  }
0xfa: {  	[tilespmem:s16+$0x2F80] =	vst v7;
	v7 =	vadd.s32 $0x1E, v6  }
0xfb: {  	v8 =	vld.idx.msk [tilespmem:v8+s9+$0x0], $0xffff  }
0xfc: {  	[tilespmem:s14+$0x1F00] =	vst v10;
	v10 =	vadd.s32 $0x15, v2  }
0xfd: {  	v9 =	vld.idx.msk [tilespmem:v9+s9+$0x0], $0xffff;
	[tilespmem:s15+$0xE80] =	vst v4  }
0xfe: {  	v4 =	vld.idx.msk [tilespmem:v5+s9+$0x0], $0xffff;
	v5 =	vadd.s32 $0xC, v0;
	[tilespmem:s20+$0x4080] =	vst v3  }
0xff: {  	v3 =	vld.idx.msk [tilespmem:v7+s9+$0x0], $0xffff;
	v7 =	vadd.s32 $0x3, v1  }
0x100: {  	[tilespmem:s16+$0x3000] =	vst v8;
	v8 =	vadd.s32 $0x1F, v6  }
0x101: {  	v10 =	vld.idx.msk [tilespmem:v10+s9+$0x0], $0xffff  }
0x102: {  	[tilespmem:s14+$0x1F80] =	vst v9;
	v9 =	vadd.s32 $0x16, v2  }
0x103: {  	v5 =	vld.idx.msk [tilespmem:v5+s9+$0x0], $0xffff;
	[tilespmem:s15+$0xF00] =	vst v4  }
0x104: {  	v4 =	vld.idx.msk [tilespmem:v7+s9+$0x0], $0xffff;
	v7 =	vadd.s32 $0xD, v0;
	[tilespmem:s20+$0x4100] =	vst v3  }
0x105: {  	v3 =	vld.idx.msk [tilespmem:v8+s9+$0x0], $0xffff;
	v8 =	vadd.s32 $0x4, v1  }
0x106: {  	[tilespmem:s16+$0x3080] =	vst v10;
	v10 =	vadd.s32 $0x20, v6  }
0x107: {  	v9 =	vld.idx.msk [tilespmem:v9+s9+$0x0], $0xffff  }
0x108: {  	[tilespmem:s14+$0x2000] =	vst v5;
	v5 =	vadd.s32 $0x17, v2  }
0x109: {  	v7 =	vld.idx.msk [tilespmem:v7+s9+$0x0], $0xffff;
	[tilespmem:s15+$0xF80] =	vst v4  }
0x10a: {  	v4 =	vld.idx.msk [tilespmem:v8+s9+$0x0], $0xffff;
	v8 =	vadd.s32 $0xE, v0;
	[tilespmem:s20+$0x4180] =	vst v3  }
0x10b: {  	v3 =	vld.idx.msk [tilespmem:v10+s9+$0x0], $0xffff;
	v10 =	vadd.s32 $0x5, v1  }
0x10c: {  	[tilespmem:s16+$0x3100] =	vst v9;
	v9 =	vadd.s32 $0x21, v6  }
0x10d: {  	v5 =	vld.idx.msk [tilespmem:v5+s9+$0x0], $0xffff  }
0x10e: {  	[tilespmem:s14+$0x2080] =	vst v7;
	v7 =	vadd.s32 $0x18, v2  }
0x10f: {  	v8 =	vld.idx.msk [tilespmem:v8+s9+$0x0], $0xffff;
	[tilespmem:s15+$0x1000] =	vst v4  }
0x110: {  	v4 =	vld.idx.msk [tilespmem:v10+s9+$0x0], $0xffff;
	v10 =	vadd.s32 $0xF, v0;
	[tilespmem:s20+$0x4E00] =	vst v3  }
0x111: {  	s25 =	simm.s32 $0x40;
	v3 =	vld.idx.msk [tilespmem:v9+s9+$0x0], $0xffff;
	v9 =	vadd.s32 $0x6, v1  }
0x112: {  	v11 =	vld [tilespmem:s25+$0x0];
	[tilespmem:s16+$0x3180] =	vst v5;
	v5 =	vadd.s32 $0x22, v6  }
0x113: {  	v7 =	vld.idx.msk [tilespmem:v7+s9+$0x0], $0xffff  }
0x114: {  	[tilespmem:s14+$0x2100] =	vst v8;
	v8 =	vadd.s32 $0x19, v2  }
0x115: {  	v10 =	vld.idx.msk [tilespmem:v10+s9+$0x0], $0xffff;
	[tilespmem:s15+$0x1080] =	vst v4  }
0x116: {  	v4 =	vld.idx.msk [tilespmem:v9+s9+$0x0], $0xffff;
	v9 =	vadd.s32 $0x10, v0;
	[tilespmem:s20+$0x4E80] =	vst v3  }
0x117: {  	v11 =	vmax.f32 v11, $-3.000000000e+00;
	v3 =	vld.idx.msk [tilespmem:v5+s9+$0x0], $0xffff;
	v5 =	vadd.s32 $0x7, v1  }
0x118: {  	v11 =	vmin.f32 v11, $3.000000000e+00;
	[tilespmem:s16+$0x3E00] =	vst v7;
	v7 =	vadd.s32 $0x23, v6  }
0x119: {  	v11 =	vadd.f32 $3.000000000e+00, v11;
	v8 =	vld.idx.msk [tilespmem:v8+s9+$0x0], $0xffff  }
0x11a: {  	[tilespmem:s14+$0x2180] =	vst v10;
	v10 =	vadd.s32 $0x1A, v2  }
0x11b: {  	v9 =	vld.idx.msk [tilespmem:v9+s9+$0x0], $0xffff;
	[tilespmem:s15+$0x1100] =	vst v4;
	v4 =	vmul.f32 $2.333333250e+00, v11  }
0x11c: {  	v11 =	vadd.s32 $0x11, v0;
	v5 =	vld.idx.msk [tilespmem:v5+s9+$0x0], $0xffff;
	[tilespmem:s20+$0x4F00] =	vst v3  }
0x11d: {  	v3 =	vld.idx.msk [tilespmem:v7+s9+$0x0], $0xffff;
	v7 =	vadd.s32 $0x8, v1;
	v4 =	vadd.f32 $8.388608000e+06, v4  }
0x11e: {  	[tilespmem:s16+$0x3E80] =	vst v8;
	v8 =	vadd.s32 $0x24, v6  }
0x11f: {  	s17 =	sor.u32 s19, s22;
	v10 =	vld.idx.msk [tilespmem:v10+s9+$0x0], $0xffff;
	v4 =	vadd.f32 $-8.388608000e+06, v4  }
0x120: {  	s17 =	sor.u32 $0x380, s17;
	[tilespmem:s14+$0x2E00] =	vst v9;
	v9 =	vadd.s32 $0x1B, v2  }
0x121: {  	v11 =	vld.idx.msk [tilespmem:v11+s9+$0x0], $0xffff;
	[tilespmem:s17+$0xE00] =	vst v5;
	v4 =	vtrunc.f32 v4  }
0x122: {  	v5 =	vld.idx.msk [tilespmem:v7+s9+$0x0], $0xffff;
	v7 =	vadd.s32 $0x12, v0;
	[tilespmem:s20+$0x4F80] =	vst v3;
	v3 =	vcvt.f32.s32 v4  }
0x123: {  	v4 =	vld.idx.msk [tilespmem:v8+s9+$0x0], $0xffff;
	v8 =	vadd.s32 $0x9, v1  }
0x124: {  	[tilespmem:s16+$0x3F00] =	vst v10;
	v3 =	vmul.u32 $0x41, v3;
	v10 =	vadd.s32 $0x25, v6  }
0x125: {  	v9 =	vld.idx.msk [tilespmem:v9+s9+$0x0], $0xffff  }
0x126: {  	[tilespmem:s14+$0x2E80] =	vst v11;
	v11 =	vadd.s32 $0x1C, v2  }
0x127: {  	v7 =	vld.idx.msk [tilespmem:v7+s9+$0x0], $0xffff;
	[tilespmem:s15+$0x1E00] =	vst v5  }
0x128: {  	v5 =	vld.idx.msk [tilespmem:v8+s9+$0x0], $0xffff;
	v8 =	vadd.s32 $0x13, v0;
	[tilespmem:s20+$0x5000] =	vst v4  }
0x129: {  	v4 =	vld.idx.msk [tilespmem:v10+s9+$0x0], $0xffff;
	v10 =	vadd.s32 $0xA, v1  }
0x12a: {  	v12 =	vld.idx.msk [tilespmem:v3+s9+$0x0], $0xffff;
	[tilespmem:s16+$0x3F80] =	vst v9;
	v9 =	vadd.s32 $0x26, v6  }
0x12b: {  	v13 =	vadd.s32 $0x1, v3;
	v11 =	vld.idx.msk [tilespmem:v11+s9+$0x0], $0xffff  }
0x12c: {  	s21 =	simm.s32 $0x200;
	[tilespmem:s14+$0x2F00] =	vst v7;
	v7 =	vadd.s32 $0x1D, v2  }
0x12d: {  	s26 =	sand.u32 $0x70, s25;
	s28 =	sand.u32 $0xC00, s21;
	v8 =	vld.idx.msk [tilespmem:v8+s9+$0x0], $0xffff;
	[tilespmem:s15+$0x1E80] =	vst v5  }
0x12e: {  	s17 =	sor.u32 s26, s28;
	v5 =	vld.idx.msk [tilespmem:v10+s9+$0x0], $0xffff;
	v10 =	vadd.s32 $0x14, v0;
	[tilespmem:s20+$0x5080] =	vst v4  }
0x12f: {  	[tilespmem:s17+$0xE00] =	vst v12;
	v4 =	vld.idx.msk [tilespmem:v9+s9+$0x0], $0xffff;
	v9 =	vadd.s32 $0xB, v1  }
0x130: {  	v12 =	vld.idx.msk [tilespmem:v13+s9+$0x0], $0xffff;
	[tilespmem:s16+$0x4000] =	vst v11;
	v11 =	vadd.s32 $0x27, v6  }
0x131: {  	v13 =	vadd.s32 $0x2, v3;
	v7 =	vld.idx.msk [tilespmem:v7+s9+$0x0], $0xffff  }
0x132: {  	[tilespmem:s14+$0x2F80] =	vst v8;
	v8 =	vadd.s32 $0x1E, v2  }
0x133: {  	v10 =	vld.idx.msk [tilespmem:v10+s9+$0x0], $0xffff;
	[tilespmem:s15+$0x1F00] =	vst v5  }
0x134: {  	v5 =	vld.idx.msk [tilespmem:v9+s9+$0x0], $0xffff;
	v9 =	vadd.s32 $0x15, v0;
	[tilespmem:s20+$0x5100] =	vst v4  }
0x135: {  	[tilespmem:s17+$0xE80] =	vst v12;
	v4 =	vld.idx.msk [tilespmem:v11+s9+$0x0], $0xffff;
	v11 =	vadd.s32 $0xC, v1  }
0x136: {  	v12 =	vld.idx.msk [tilespmem:v13+s9+$0x0], $0xffff;
	[tilespmem:s16+$0x4080] =	vst v7;
	v7 =	vadd.s32 $0x28, v6  }
0x137: {  	v13 =	vadd.s32 $0x3, v3;
	v8 =	vld.idx.msk [tilespmem:v8+s9+$0x0], $0xffff  }
0x138: {  	[tilespmem:s14+$0x3000] =	vst v10;
	v10 =	vadd.s32 $0x1F, v2  }
0x139: {  	v9 =	vld.idx.msk [tilespmem:v9+s9+$0x0], $0xffff;
	[tilespmem:s15+$0x1F80] =	vst v5  }
0x13a: {  	v5 =	vld.idx.msk [tilespmem:v11+s9+$0x0], $0xffff;
	v11 =	vadd.s32 $0x16, v0;
	[tilespmem:s20+$0x5180] =	vst v4  }
0x13b: {  	[tilespmem:s17+$0xF00] =	vst v12;
	v4 =	vld.idx.msk [tilespmem:v7+s9+$0x0], $0xffff;
	v7 =	vadd.s32 $0xD, v1  }
0x13c: {  	v12 =	vld.idx.msk [tilespmem:v13+s9+$0x0], $0xffff;
	[tilespmem:s16+$0x4100] =	vst v8;
	v8 =	vadd.s32 $0x29, v6  }
0x13d: {  	v13 =	vadd.s32 $0x4, v3;
	v10 =	vld.idx.msk [tilespmem:v10+s9+$0x0], $0xffff  }
0x13e: {  	[tilespmem:s14+$0x3080] =	vst v9;
	v9 =	vadd.s32 $0x20, v2  }
0x13f: {  	v11 =	vld.idx.msk [tilespmem:v11+s9+$0x0], $0xffff;
	[tilespmem:s15+$0x2000] =	vst v5  }
0x140: {  	v5 =	vld.idx.msk [tilespmem:v7+s9+$0x0], $0xffff;
	v7 =	vadd.s32 $0x17, v0;
	[tilespmem:s20+$0x5E00] =	vst v4  }
0x141: {  	[tilespmem:s17+$0xF80] =	vst v12;
	v4 =	vld.idx.msk [tilespmem:v8+s9+$0x0], $0xffff;
	v8 =	vadd.s32 $0xE, v1  }
0x142: {  	v12 =	vld.idx.msk [tilespmem:v13+s9+$0x0], $0xffff;
	[tilespmem:s16+$0x4180] =	vst v10;
	v10 =	vadd.s32 $0x2A, v6  }
0x143: {  	v13 =	vadd.s32 $0x5, v3;
	v9 =	vld.idx.msk [tilespmem:v9+s9+$0x0], $0xffff  }
0x144: {  	[tilespmem:s14+$0x3100] =	vst v11;
	v11 =	vadd.s32 $0x21, v2  }
0x145: {  	v7 =	vld.idx.msk [tilespmem:v7+s9+$0x0], $0xffff;
	[tilespmem:s15+$0x2080] =	vst v5  }
0x146: {  	v5 =	vld.idx.msk [tilespmem:v8+s9+$0x0], $0xffff;
	v8 =	vadd.s32 $0x18, v0;
	[tilespmem:s20+$0x5E80] =	vst v4  }
0x147: {  	[tilespmem:s17+$0x1000] =	vst v12;
	v4 =	vld.idx.msk [tilespmem:v10+s9+$0x0], $0xffff;
	v10 =	vadd.s32 $0xF, v1  }
0x148: {  	v12 =	vld.idx.msk [tilespmem:v13+s9+$0x0], $0xffff;
	[tilespmem:s16+$0x4E00] =	vst v9;
	v9 =	vadd.s32 $0x2B, v6  }
0x149: {  	s29 =	simm.s32 $0x50;
	v13 =	vadd.s32 $0x6, v3;
	v11 =	vld.idx.msk [tilespmem:v11+s9+$0x0], $0xffff  }
0x14a: {  	v14 =	vld [tilespmem:s29+$0x0];
	[tilespmem:s14+$0x3180] =	vst v7;
	v7 =	vadd.s32 $0x22, v2  }
0x14b: {  	v8 =	vld.idx.msk [tilespmem:v8+s9+$0x0], $0xffff;
	[tilespmem:s15+$0x2100] =	vst v5  }
0x14c: {  	v5 =	vld.idx.msk [tilespmem:v10+s9+$0x0], $0xffff;
	v10 =	vadd.s32 $0x19, v0;
	[tilespmem:s20+$0x5F00] =	vst v4  }
0x14d: {  	[tilespmem:s17+$0x1080] =	vst v12;
	v4 =	vld.idx.msk [tilespmem:v9+s9+$0x0], $0xffff;
	v9 =	vadd.s32 $0x10, v1  }
0x14e: {  	v12 =	vld.idx.msk [tilespmem:v13+s9+$0x0], $0xffff;
	[tilespmem:s16+$0x4E80] =	vst v11;
	v11 =	vadd.s32 $0x2C, v6  }
0x14f: {  	v14 =	vmax.f32 v14, $-3.000000000e+00;
	v13 =	vadd.s32 $0x7, v3;
	v7 =	vld.idx.msk [tilespmem:v7+s9+$0x0], $0xffff  }
0x150: {  	v14 =	vmin.f32 v14, $3.000000000e+00;
	[tilespmem:s14+$0x3E00] =	vst v8;
	v8 =	vadd.s32 $0x23, v2  }
0x151: {  	v10 =	vld.idx.msk [tilespmem:v10+s9+$0x0], $0xffff;
	[tilespmem:s15+$0x2180] =	vst v5;
	v5 =	vadd.f32 $3.000000000e+00, v14  }
0x152: {  	v14 =	vadd.s32 $0x1A, v0;
	v9 =	vld.idx.msk [tilespmem:v9+s9+$0x0], $0xffff;
	[tilespmem:s20+$0x5F80] =	vst v4  }
0x153: {  	[tilespmem:s17+$0x1100] =	vst v12;
	v4 =	vld.idx.msk [tilespmem:v11+s9+$0x0], $0xffff;
	v11 =	vadd.s32 $0x11, v1;
	v5 =	vmul.f32 $2.333333250e+00, v5  }
0x154: {  	v12 =	vld.idx.msk [tilespmem:v13+s9+$0x0], $0xffff;
	[tilespmem:s16+$0x4F00] =	vst v7;
	v7 =	vadd.s32 $0x2D, v6  }
0x155: {  	v13 =	vadd.s32 $0x8, v3;
	v8 =	vld.idx.msk [tilespmem:v8+s9+$0x0], $0xffff;
	v5 =	vadd.f32 $8.388608000e+06, v5  }
0x156: {  	[tilespmem:s14+$0x3E80] =	vst v10;
	v10 =	vadd.s32 $0x24, v2  }
0x157: {  	s18 =	sor.u32 s21, s25;
	v14 =	vld.idx.msk [tilespmem:v14+s9+$0x0], $0xffff;
	[tilespmem:s15+$0x2E00] =	vst v9;
	v5 =	vadd.f32 $-8.388608000e+06, v5  }
0x158: {  	s18 =	sor.u32 $0x380, s18;
	v9 =	vld.idx.msk [tilespmem:v11+s9+$0x0], $0xffff;
	v11 =	vadd.s32 $0x1B, v0;
	[tilespmem:s20+$0x6000] =	vst v4  }
0x159: {  	[tilespmem:s18+$0xE00] =	vst v12;
	v7 =	vld.idx.msk [tilespmem:v7+s9+$0x0], $0xffff;
	v4 =	vtrunc.f32 v5;
	v12 =	vadd.s32 $0x12, v1  }
0x15a: {  	v13 =	vld.idx.msk [tilespmem:v13+s9+$0x0], $0xffff;
	[tilespmem:s16+$0x4F80] =	vst v8;
	v4 =	vcvt.f32.s32 v4;
	v8 =	vadd.s32 $0x2E, v6  }
0x15b: {  	s21 =	simm.s32 $0x60;
	v15 =	vadd.s32 $0x9, v3;
	v10 =	vld.idx.msk [tilespmem:v10+s9+$0x0], $0xffff  }
0x15c: {  	v5 =	vld [tilespmem:s21+$0x0];
	[tilespmem:s14+$0x3F00] =	vst v14;
	v4 =	vmul.u32 $0x41, v4;
	v14 =	vadd.s32 $0x25, v2  }
0x15d: {  	v11 =	vld.idx.msk [tilespmem:v11+s9+$0x0], $0xffff;
	[tilespmem:s15+$0x2E80] =	vst v9  }
0x15e: {  	v9 =	vld.idx.msk [tilespmem:v12+s9+$0x0], $0xffff;
	v12 =	vadd.s32 $0x1C, v0;
	[tilespmem:s20+$0x6080] =	vst v7  }
0x15f: {  	[tilespmem:s17+$0x1E00] =	vst v13;
	v7 =	vld.idx.msk [tilespmem:v8+s9+$0x0], $0xffff;
	v8 =	vadd.s32 $0x13, v1  }
0x160: {  	v13 =	vld.idx.msk [tilespmem:v15+s9+$0x0], $0xffff;
	[tilespmem:s16+$0x5000] =	vst v10;
	v10 =	vadd.s32 $0x2F, v6  }
0x161: {  	v15 =	vadd.s32 $0xA, v3;
	v14 =	vld.idx.msk [tilespmem:v14+s9+$0x0], $0xffff  }
0x162: {  	v16 =	vld.idx.msk [tilespmem:v4+s9+$0x0], $0xffff;
	[tilespmem:s14+$0x3F80] =	vst v11;
	v11 =	vadd.s32 $0x26, v2  }
0x163: {  	v17 =	vadd.s32 $0x1, v4;
	v12 =	vld.idx.msk [tilespmem:v12+s9+$0x0], $0xffff;
	[tilespmem:s15+$0x2F00] =	vst v9  }
0x164: {  	s22 =	simm.s32 $0x280;
	v9 =	vadd.s32 $0x1D, v0;
	v8 =	vld.idx.msk [tilespmem:v8+s9+$0x0], $0xffff;
	[tilespmem:s20+$0x6100] =	vst v7  }
0x165: {  	s30 =	sand.u32 $0x70, s29;
	s23 =	sand.u32 $0xC00, s22;
	[tilespmem:s17+$0x1E80] =	vst v13;
	v7 =	vld.idx.msk [tilespmem:v10+s9+$0x0], $0xffff;
	v10 =	vadd.s32 $0x14, v1  }
0x166: {  	s18 =	sor.u32 s30, s23;
	v13 =	vld.idx.msk [tilespmem:v15+s9+$0x0], $0xffff;
	[tilespmem:s16+$0x5080] =	vst v14;
	v14 =	vadd.s32 $0x30, v6  }
0x167: {  	v15 =	vadd.s32 $0xB, v3;
	[tilespmem:s18+$0xE00] =	vst v16;
	v11 =	vld.idx.msk [tilespmem:v11+s9+$0x0], $0xffff  }
0x168: {  	v16 =	vld.idx.msk [tilespmem:v17+s9+$0x0], $0xffff;
	[tilespmem:s14+$0x4000] =	vst v12;
	v12 =	vadd.s32 $0x27, v2  }
0x169: {  	v17 =	vadd.s32 $0x2, v4;
	v9 =	vld.idx.msk [tilespmem:v9+s9+$0x0], $0xffff;
	[tilespmem:s15+$0x2F80] =	vst v8  }
0x16a: {  	v8 =	vld.idx.msk [tilespmem:v10+s9+$0x0], $0xffff;
	v10 =	vadd.s32 $0x1E, v0;
	[tilespmem:s20+$0x6180] =	vst v7  }
0x16b: {  	[tilespmem:s17+$0x1F00] =	vst v13;
	v7 =	vld.idx.msk [tilespmem:v14+s9+$0x0], $0xffff;
	v13 =	vadd.s32 $0x15, v1  }
0x16c: {  	v14 =	vld.idx.msk [tilespmem:v15+s9+$0x0], $0xffff;
	[tilespmem:s16+$0x5100] =	vst v11;
	v11 =	vadd.s32 $0x31, v6  }
0x16d: {  	v15 =	vadd.s32 $0xC, v3;
	[tilespmem:s18+$0xE80] =	vst v16;
	v12 =	vld.idx.msk [tilespmem:v12+s9+$0x0], $0xffff  }
0x16e: {  	v16 =	vld.idx.msk [tilespmem:v17+s9+$0x0], $0xffff;
	[tilespmem:s14+$0x4080] =	vst v9;
	v9 =	vadd.s32 $0x28, v2  }
0x16f: {  	v17 =	vadd.s32 $0x3, v4;
	v10 =	vld.idx.msk [tilespmem:v10+s9+$0x0], $0xffff;
	[tilespmem:s15+$0x3000] =	vst v8  }
0x170: {  	v8 =	vld.idx.msk [tilespmem:v13+s9+$0x0], $0xffff;
	v13 =	vadd.s32 $0x1F, v0;
	[tilespmem:s20+$0x6E00] =	vst v7  }
0x171: {  	[tilespmem:s17+$0x1F80] =	vst v14;
	v7 =	vld.idx.msk [tilespmem:v11+s9+$0x0], $0xffff;
	v11 =	vadd.s32 $0x16, v1  }
0x172: {  	v14 =	vld.idx.msk [tilespmem:v15+s9+$0x0], $0xffff;
	[tilespmem:s16+$0x5180] =	vst v12;
	v12 =	vadd.s32 $0x32, v6  }
0x173: {  	v15 =	vadd.s32 $0xD, v3;
	[tilespmem:s18+$0xF00] =	vst v16;
	v9 =	vld.idx.msk [tilespmem:v9+s9+$0x0], $0xffff  }
0x174: {  	v16 =	vld.idx.msk [tilespmem:v17+s9+$0x0], $0xffff;
	[tilespmem:s14+$0x4100] =	vst v10;
	v10 =	vadd.s32 $0x29, v2  }
0x175: {  	v17 =	vadd.s32 $0x4, v4;
	v13 =	vld.idx.msk [tilespmem:v13+s9+$0x0], $0xffff;
	[tilespmem:s15+$0x3080] =	vst v8  }
0x176: {  	v8 =	vld.idx.msk [tilespmem:v11+s9+$0x0], $0xffff;
	v11 =	vadd.s32 $0x20, v0;
	[tilespmem:s20+$0x6E80] =	vst v7  }
0x177: {  	[tilespmem:s17+$0x2000] =	vst v14;
	v7 =	vld.idx.msk [tilespmem:v12+s9+$0x0], $0xffff;
	v12 =	vadd.s32 $0x17, v1  }
0x178: {  	v14 =	vld.idx.msk [tilespmem:v15+s9+$0x0], $0xffff;
	[tilespmem:s16+$0x5E00] =	vst v9;
	v9 =	vadd.s32 $0x33, v6  }
0x179: {  	v15 =	vadd.s32 $0xE, v3;
	[tilespmem:s18+$0xF80] =	vst v16;
	v10 =	vld.idx.msk [tilespmem:v10+s9+$0x0], $0xffff  }
0x17a: {  	v16 =	vld.idx.msk [tilespmem:v17+s9+$0x0], $0xffff;
	[tilespmem:s14+$0x4180] =	vst v13;
	v13 =	vadd.s32 $0x2A, v2  }
0x17b: {  	v17 =	vadd.s32 $0x5, v4;
	v11 =	vld.idx.msk [tilespmem:v11+s9+$0x0], $0xffff;
	[tilespmem:s15+$0x3100] =	vst v8  }
0x17c: {  	v8 =	vld.idx.msk [tilespmem:v12+s9+$0x0], $0xffff;
	v12 =	vadd.s32 $0x21, v0;
	[tilespmem:s20+$0x6F00] =	vst v7  }
0x17d: {  	[tilespmem:s17+$0x2080] =	vst v14;
	v7 =	vld.idx.msk [tilespmem:v9+s9+$0x0], $0xffff;
	v9 =	vadd.s32 $0x18, v1  }
0x17e: {  	v14 =	vld.idx.msk [tilespmem:v15+s9+$0x0], $0xffff;
	[tilespmem:s16+$0x5E80] =	vst v10;
	v10 =	vadd.s32 $0x34, v6  }
0x17f: {  	v15 =	vadd.s32 $0xF, v3;
	[tilespmem:s18+$0x1000] =	vst v16;
	v13 =	vld.idx.msk [tilespmem:v13+s9+$0x0], $0xffff  }
0x180: {  	v16 =	vld.idx.msk [tilespmem:v17+s9+$0x0], $0xffff;
	[tilespmem:s14+$0x4E00] =	vst v11;
	v11 =	vadd.s32 $0x2B, v2  }
0x181: {  	v17 =	vadd.s32 $0x6, v4;
	v12 =	vld.idx.msk [tilespmem:v12+s9+$0x0], $0xffff;
	[tilespmem:s15+$0x3180] =	vst v8  }
0x182: {  	v8 =	vld.idx.msk [tilespmem:v9+s9+$0x0], $0xffff;
	v9 =	vadd.s32 $0x22, v0;
	[tilespmem:s20+$0x6F80] =	vst v7  }
0x183: {  	[tilespmem:s17+$0x2100] =	vst v14;
	v7 =	vld.idx.msk [tilespmem:v10+s9+$0x0], $0xffff;
	v10 =	vadd.s32 $0x19, v1  }
0x184: {  	v14 =	vld.idx.msk [tilespmem:v15+s9+$0x0], $0xffff;
	[tilespmem:s16+$0x5F00] =	vst v13;
	v13 =	vadd.s32 $0x35, v6  }
0x185: {  	v15 =	vadd.s32 $0x10, v3;
	[tilespmem:s18+$0x1080] =	vst v16;
	v11 =	vld.idx.msk [tilespmem:v11+s9+$0x0], $0xffff  }
0x186: {  	v16 =	vld.idx.msk [tilespmem:v17+s9+$0x0], $0xffff;
	[tilespmem:s14+$0x4E80] =	vst v12;
	v12 =	vadd.s32 $0x2C, v2  }
0x187: {  	v17 =	vadd.s32 $0x7, v4;
	v9 =	vld.idx.msk [tilespmem:v9+s9+$0x0], $0xffff;
	[tilespmem:s15+$0x3E00] =	vst v8  }
0x188: {  	v5 =	vmax.f32 v5, $-3.000000000e+00;
	v8 =	vld.idx.msk [tilespmem:v10+s9+$0x0], $0xffff;
	v10 =	vadd.s32 $0x23, v0;
	[tilespmem:s20+$0x7000] =	vst v7  }
0x189: {  	v5 =	vmin.f32 v5, $3.000000000e+00;
	[tilespmem:s17+$0x2180] =	vst v14;
	v7 =	vld.idx.msk [tilespmem:v13+s9+$0x0], $0xffff;
	v13 =	vadd.s32 $0x1A, v1  }
0x18a: {  	v5 =	vadd.f32 $3.000000000e+00, v5;
	v14 =	vld.idx.msk [tilespmem:v15+s9+$0x0], $0xffff;
	[tilespmem:s16+$0x5F80] =	vst v11;
	v11 =	vadd.s32 $0x36, v6  }
0x18b: {  	v15 =	vadd.s32 $0x11, v3;
	[tilespmem:s18+$0x1100] =	vst v16;
	v12 =	vld.idx.msk [tilespmem:v12+s9+$0x0], $0xffff  }
0x18c: {  	v5 =	vmul.f32 $2.333333250e+00, v5;
	v16 =	vld.idx.msk [tilespmem:v17+s9+$0x0], $0xffff;
	[tilespmem:s14+$0x4F00] =	vst v9;
	v9 =	vadd.s32 $0x2D, v2  }
0x18d: {  	v17 =	vadd.s32 $0x8, v4;
	v10 =	vld.idx.msk [tilespmem:v10+s9+$0x0], $0xffff;
	[tilespmem:s15+$0x3E80] =	vst v8  }
0x18e: {  	v5 =	vadd.f32 $8.388608000e+06, v5;
	v8 =	vld.idx.msk [tilespmem:v13+s9+$0x0], $0xffff;
	v13 =	vadd.s32 $0x24, v0;
	[tilespmem:s20+$0x7080] =	vst v7  }
0x18f: {  	s19 =	sor.u32 s22, s29;
	[tilespmem:s17+$0x2E00] =	vst v14;
	v11 =	vld.idx.msk [tilespmem:v11+s9+$0x0], $0xffff  }
0x190: {  	s19 =	sor.u32 $0x380, s19;
	v5 =	vadd.f32 $-8.388608000e+06, v5;
	v14 =	vld.idx.msk [tilespmem:v15+s9+$0x0], $0xffff;
	v15 =	vadd.s32 $0x1B, v1;
	[tilespmem:s16+$0x6000] =	vst v12  }
0x191: {  	v12 =	vadd.s32 $0x37, v6;
	[tilespmem:s19+$0xE00] =	vst v16;
	v9 =	vld.idx.msk [tilespmem:v9+s9+$0x0], $0xffff  }
0x192: {  	v5 =	vtrunc.f32 v5;
	v16 =	vld.idx.msk [tilespmem:v17+s9+$0x0], $0xffff;
	v17 =	vadd.s32 $0x12, v3;
	[tilespmem:s14+$0x4F80] =	vst v10  }
0x193: {  	v5 =	vcvt.f32.s32 v5;
	v10 =	vld.idx.msk [tilespmem:v13+s9+$0x0], $0xffff;
	v13 =	vadd.s32 $0x2E, v2  }
0x194: {  	v18 =	vadd.s32 $0x9, v4;
	[tilespmem:s15+$0x3F00] =	vst v8  }
0x195: {  	v5 =	vmul.u32 $0x41, v5;
	[tilespmem:s20+$0x7100] =	vst v11;
	v8 =	vld.idx.msk [tilespmem:v15+s9+$0x0], $0xffff;
	v15 =	vadd.s32 $0x25, v0  }
0x196: {  	[tilespmem:s17+$0x2E80] =	vst v14;
	v11 =	vld.idx.msk [tilespmem:v12+s9+$0x0], $0xffff  }
0x197: {  	v14 =	vadd.s32 $0x1C, v1;
	[tilespmem:s16+$0x6080] =	vst v9;
	v12 =	vld.idx.msk [tilespmem:v17+s9+$0x0], $0xffff  }
0x198: {  	[tilespmem:s18+$0x1E00] =	vst v16;
	v9 =	vld.idx.msk [tilespmem:v13+s9+$0x0], $0xffff;
	v13 =	vadd.s32 $0x38, v6  }
0x199: {  	v17 =	vadd.s32 $0x13, v3;
	v16 =	vld.idx.msk [tilespmem:v18+s9+$0x0], $0xffff;
	[tilespmem:s14+$0x5000] =	vst v10  }
0x19a: {  	v10 =	vld.idx.msk [tilespmem:v15+s9+$0x0], $0xffff;
	v15 =	vadd.s32 $0x2F, v2  }
0x19b: {  	v19 =	vadd.s32 $0xA, v4;
	v18 =	vld.idx.msk [tilespmem:v5+s9+$0x0], $0xffff;
	[tilespmem:s15+$0x3F80] =	vst v8  }
0x19c: {  	[tilespmem:s20+$0x7180] =	vst v11;
	v8 =	vld.idx.msk [tilespmem:v14+s9+$0x0], $0xffff;
	v14 =	vadd.s32 $0x26, v0  }
0x19d: {  	v11 =	vadd.s32 $0x1, v5;
	[tilespmem:s17+$0x2F00] =	vst v12;
	v12 =	vld.idx.msk [tilespmem:v13+s9+$0x0], $0xffff  }
0x19e: {  	s23 =	simm.s32 $0x300;
	v13 =	vld.idx.msk [tilespmem:v17+s9+$0x0], $0xffff;
	v17 =	vadd.s32 $0x1D, v1;
	[tilespmem:s16+$0x6100] =	vst v9  }
0x19f: {  	s31 =	sand.u32 $0x70, s21;
	s24 =	sand.u32 $0xC00, s23;
	[tilespmem:s18+$0x1E80] =	vst v16;
	v9 =	vld.idx.msk [tilespmem:v15+s9+$0x0], $0xffff;
	v15 =	vadd.s32 $0x39, v6  }
0x1a0: {  	s19 =	sor.u32 s31, s24;
	v16 =	vld.idx.msk [tilespmem:v19+s9+$0x0], $0xffff;
	v19 =	vadd.s32 $0x14, v3;
	[tilespmem:s14+$0x5080] =	vst v10  }
0x1a1: {  	[tilespmem:s19+$0xE00] =	vst v18;
	v10 =	vld.idx.msk [tilespmem:v14+s9+$0x0], $0xffff;
	v14 =	vadd.s32 $0x30, v2  }
0x1a2: {  	v18 =	vadd.s32 $0xB, v4;
	v11 =	vld.idx.msk [tilespmem:v11+s9+$0x0], $0xffff;
	[tilespmem:s15+$0x4000] =	vst v8  }
0x1a3: {  	v8 =	vld.idx.msk [tilespmem:v17+s9+$0x0], $0xffff;
	v17 =	vadd.s32 $0x27, v0;
	[tilespmem:s20+$0x7E00] =	vst v12  }
0x1a4: {  	v12 =	vadd.s32 $0x2, v5;
	[tilespmem:s17+$0x2F80] =	vst v13;
	v13 =	vld.idx.msk [tilespmem:v15+s9+$0x0], $0xffff  }
0x1a5: {  	v15 =	vld.idx.msk [tilespmem:v19+s9+$0x0], $0xffff;
	v19 =	vadd.s32 $0x1E, v1;
	[tilespmem:s16+$0x6180] =	vst v9  }
0x1a6: {  	[tilespmem:s18+$0x1F00] =	vst v16;
	v9 =	vld.idx.msk [tilespmem:v14+s9+$0x0], $0xffff;
	v14 =	vadd.s32 $0x3A, v6  }
0x1a7: {  	v16 =	vld.idx.msk [tilespmem:v18+s9+$0x0], $0xffff;
	v18 =	vadd.s32 $0x15, v3;
	[tilespmem:s14+$0x5100] =	vst v10  }
0x1a8: {  	[tilespmem:s19+$0xE80] =	vst v11;
	v11 =	vadd.s32 $0x31, v2;
	v10 =	vld.idx.msk [tilespmem:v17+s9+$0x0], $0xffff  }
0x1a9: {  	v12 =	vld.idx.msk [tilespmem:v12+s9+$0x0], $0xffff;
	v17 =	vadd.s32 $0xC, v4;
	[tilespmem:s15+$0x4080] =	vst v8  }
0x1aa: {  	v8 =	vld.idx.msk [tilespmem:v19+s9+$0x0], $0xffff;
	v19 =	vadd.s32 $0x28, v0;
	[tilespmem:s20+$0x7E80] =	vst v13  }
0x1ab: {  	v13 =	vadd.s32 $0x3, v5;
	[tilespmem:s17+$0x3000] =	vst v15;
	v14 =	vld.idx.msk [tilespmem:v14+s9+$0x0], $0xffff  }
0x1ac: {  	v15 =	vld.idx.msk [tilespmem:v18+s9+$0x0], $0xffff;
	v18 =	vadd.s32 $0x1F, v1;
	[tilespmem:s16+$0x6E00] =	vst v9  }
0x1ad: {  	[tilespmem:s18+$0x1F80] =	vst v16;
	v9 =	vld.idx.msk [tilespmem:v11+s9+$0x0], $0xffff;
	v11 =	vadd.s32 $0x3B, v6  }
0x1ae: {  	v16 =	vld.idx.msk [tilespmem:v17+s9+$0x0], $0xffff;
	v17 =	vadd.s32 $0x16, v3;
	[tilespmem:s14+$0x5180] =	vst v10  }
0x1af: {  	[tilespmem:s19+$0xF00] =	vst v12;
	v12 =	vadd.s32 $0x32, v2;
	v10 =	vld.idx.msk [tilespmem:v19+s9+$0x0], $0xffff  }
0x1b0: {  	v13 =	vld.idx.msk [tilespmem:v13+s9+$0x0], $0xffff;
	v19 =	vadd.s32 $0xD, v4;
	[tilespmem:s15+$0x4100] =	vst v8  }
0x1b1: {  	v8 =	vld.idx.msk [tilespmem:v18+s9+$0x0], $0xffff;
	v18 =	vadd.s32 $0x29, v0;
	[tilespmem:s20+$0x7F00] =	vst v14  }
0x1b2: {  	v14 =	vadd.s32 $0x4, v5;
	[tilespmem:s17+$0x3080] =	vst v15;
	v11 =	vld.idx.msk [tilespmem:v11+s9+$0x0], $0xffff  }
0x1b3: {  	[tilespmem:s16+$0x6E80] =	vst v9;
	v15 =	vld.idx.msk [tilespmem:v17+s9+$0x0], $0xffff;
	v17 =	vadd.s32 $0x20, v1  }
0x1b4: {  	[tilespmem:s18+$0x2000] =	vst v16;
	v9 =	vld.idx.msk [tilespmem:v12+s9+$0x0], $0xffff;
	v12 =	vadd.s32 $0x3C, v6  }
0x1b5: {  	v16 =	vld.idx.msk [tilespmem:v19+s9+$0x0], $0xffff;
	v19 =	vadd.s32 $0x17, v3;
	[tilespmem:s14+$0x5E00] =	vst v10  }
0x1b6: {  	[tilespmem:s19+$0xF80] =	vst v13;
	v13 =	vadd.s32 $0x33, v2;
	v10 =	vld.idx.msk [tilespmem:v18+s9+$0x0], $0xffff  }
0x1b7: {  	v14 =	vld.idx.msk [tilespmem:v14+s9+$0x0], $0xffff;
	v18 =	vadd.s32 $0xE, v4;
	[tilespmem:s15+$0x4180] =	vst v8  }
0x1b8: {  	[tilespmem:s20+$0x7F80] =	vst v11;
	v8 =	vld.idx.msk [tilespmem:v17+s9+$0x0], $0xffff;
	v17 =	vadd.s32 $0x2A, v0  }
0x1b9: {  	v11 =	vadd.s32 $0x5, v5;
	[tilespmem:s17+$0x3100] =	vst v15;
	v12 =	vld.idx.msk [tilespmem:v12+s9+$0x0], $0xffff  }
0x1ba: {  	[tilespmem:s16+$0x6F00] =	vst v9;
	v15 =	vld.idx.msk [tilespmem:v19+s9+$0x0], $0xffff;
	v19 =	vadd.s32 $0x21, v1  }
0x1bb: {  	[tilespmem:s18+$0x2080] =	vst v16;
	v9 =	vld.idx.msk [tilespmem:v13+s9+$0x0], $0xffff;
	v13 =	vadd.s32 $0x3D, v6  }
0x1bc: {  	v16 =	vld.idx.msk [tilespmem:v18+s9+$0x0], $0xffff;
	v18 =	vadd.s32 $0x18, v3;
	[tilespmem:s14+$0x5E80] =	vst v10  }
0x1bd: {  	[tilespmem:s19+$0x1000] =	vst v14;
	v14 =	vld.idx.msk [tilespmem:v17+s9+$0x0], $0xffff;
	v17 =	vadd.s32 $0x34, v2  }
0x1be: {  	v20 =	vld.idx.msk [tilespmem:v11+s9+$0x0], $0xffff;
	[tilespmem:s15+$0x4E00] =	vst v8  }
0x1bf: {  	v21 =	vadd.s32 $0xF, v4;
	[tilespmem:s20+$0x8000] =	vst v12;
	v10 =	vld.idx.msk [tilespmem:v19+s9+$0x0], $0xffff  }
0x1c0: {  	v8 =	vadd.s32 $0x2B, v0;
	[tilespmem:s17+$0x3180] =	vst v15;
	v13 =	vld.idx.msk [tilespmem:v13+s9+$0x0], $0xffff  }
0x1c1: {  	[tilespmem:s16+$0x6F80] =	vst v9;
	v11 =	vld.idx.msk [tilespmem:v18+s9+$0x0], $0xffff;
	v18 =	vadd.s32 $0x6, v5  }
0x1c2: {  	s22 =	simm.s32 $0x70;
	[tilespmem:s18+$0x2100] =	vst v16;
	v12 =	vld.idx.msk [tilespmem:v17+s9+$0x0], $0xffff;
	v17 =	vadd.s32 $0x22, v1  }
0x1c3: {  	v7 =	vld [tilespmem:s22+$0x0];
	[tilespmem:s14+$0x5F00] =	vst v14;
	v14 =	vadd.s32 $0x3E, v6  }
0x1c4: {  	v15 =	vadd.s32 $0x19, v3;
	v9 =	vld.idx.msk [tilespmem:v21+s9+$0x0], $0xffff  }
0x1c5: {  	s25 =	simm.s32 $0x70;
	s24 =	simm.s32 $0x80;
	v16 =	vadd.s32 $0x35, v2;
	[tilespmem:s19+$0x1080] =	vst v20;
	v8 =	vld.idx.msk [tilespmem:v8+s9+$0x0], $0xffff  }
.LBB2_2:
0x1c6: {  	p0 =	sne.s32 s24, $0x1F0;
	v18 =	vld.idx.msk [tilespmem:v18+s9+$0x0], $0xffff;
	v19 =	vadd.s32 $0x10, v4;
	[tilespmem:s15+$0x4E80] =	vst v10  }
0x1c7: {  	v10 =	vld.idx.msk [tilespmem:v17+s9+$0x0], $0xffff;
	v17 =	vadd.s32 $0x2C, v0;
	[tilespmem:s20+$0x8080] =	vst v13  }
0x1c8: {  	v13 =	vadd.s32 $0x7, v5;
	[tilespmem:s17+$0x3E00] =	vst v11;
	v11 =	vld.idx.msk [tilespmem:v14+s9+$0x0], $0xffff  }
0x1c9: {  	v14 =	vld.idx.msk [tilespmem:v15+s9+$0x0], $0xffff;
	v15 =	vadd.s32 $0x23, v1;
	[tilespmem:s16+$0x7000] =	vst v12  }
0x1ca: {  	v7 =	vmax.f32 v7, $-3.000000000e+00;
	v12 =	vadd.s32 $0x3F, v6;
	v6 =	vmovc v2;
	v2 =	vmovc v0;
	v0 =	vmov v1;
	[tilespmem:s18+$0x2180] =	vst v9;
	v9 =	vld.idx.msk [tilespmem:v16+s9+$0x0], $0xffff  }
0x1cb: {  	v7 =	vmin.f32 v7, $3.000000000e+00;
	v1 =	vmovc v3;
	v16 =	vld.idx.msk [tilespmem:v19+s9+$0x0], $0xffff;
	v19 =	vadd.s32 $0x1A, v3;
	[tilespmem:s14+$0x5F80] =	vst v8;
	v3 =	vmovc v4;
	v4 =	vmov v5  }
0x1cc: {  	v5 =	vadd.f32 $3.000000000e+00, v7;
	v8 =	vadd.s32 $0x36, v6;
	[tilespmem:s19+$0x1100] =	vst v18;
	v7 =	vld.idx.msk [tilespmem:v17+s9+$0x0], $0xffff  }
0x1cd: {  	v17 =	vadd.s32 $0x11, v3;
	v13 =	vld.idx.msk [tilespmem:v13+s9+$0x0], $0xffff;
	[tilespmem:s15+$0x4F00] =	vst v10  }
0x1ce: {  	v5 =	vmul.f32 $2.333333250e+00, v5;
	v10 =	vld.idx.msk [tilespmem:v15+s9+$0x0], $0xffff;
	v15 =	vadd.s32 $0x2D, v2;
	[tilespmem:s20+$0x8100] =	vst v11  }
0x1cf: {  	v11 =	vadd.s32 $0x8, v4;
	[tilespmem:s17+$0x3E80] =	vst v14;
	v12 =	vld.idx.msk [tilespmem:v12+s9+$0x0], $0xffff  }
0x1d0: {  	v18 =	vadd.s32 $0x24, v0;
	v5 =	vadd.f32 $8.388608000e+06, v5;
	v14 =	vld.idx.msk [tilespmem:v19+s9+$0x0], $0xffff;
	[tilespmem:s16+$0x7080] =	vst v9  }
0x1d1: {  	s26 =	sor.u32 s23, s21;
	s21 =	smov.u32 s22;
	s22 =	smov.u32 s24;
	[tilespmem:s18+$0x2E00] =	vst v16;
	v8 =	vld.idx.msk [tilespmem:v8+s9+$0x0], $0xffff  }
0x1d2: {  	s26 =	sor.u32 $0x380, s26;
	v5 =	vadd.f32 $-8.388608000e+06, v5;
	v16 =	vadd.s32 $0x1B, v1;
	v9 =	vld.idx.msk [tilespmem:v17+s9+$0x0], $0xffff;
	[tilespmem:s14+$0x6000] =	vst v7  }
0x1d3: {  	[tilespmem:s26+$0xE00] =	vst v13;
	v13 =	vld.idx.msk [tilespmem:v15+s9+$0x0], $0xffff;
	v15 =	vadd.s32 $0x37, v6  }
0x1d4: {  	v17 =	vadd.s32 $0x12, v3;
	v5 =	vtrunc.f32 v5;
	v11 =	vld.idx.msk [tilespmem:v11+s9+$0x0], $0xffff;
	[tilespmem:s15+$0x4F80] =	vst v10  }
0x1d5: {  	s25 =	sadd.s32 $0x10, s25;
	v5 =	vcvt.f32.s32 v5;
	v10 =	vld.idx.msk [tilespmem:v18+s9+$0x0], $0xffff;
	v18 =	vadd.s32 $0x2E, v2;
	[tilespmem:s20+$0x8180] =	vst v12;
	s20 =	smov.u32 s16;
	s16 =	smov.u32 s14  }
0x1d6: {  	v12 =	vadd.s32 $0x9, v4;
	s14 =	smov.u32 s15;
	s15 =	smov.u32 s17;
	v7 =	vld [tilespmem:s25+$0x0];
	[tilespmem:s17+$0x3F00] =	vst v14;
	s17 =	smov.u32 s18  }
0x1d7: {  	v5 =	vmul.u32 $0x41, v5;
	s18 =	smov.u32 s19;
	v14 =	vld.idx.msk [tilespmem:v16+s9+$0x0], $0xffff;
	v16 =	vadd.s32 $0x25, v0;
	[tilespmem:s20+$0x7100] =	vst v8  }
0x1d8: {  	[tilespmem:s17+$0x2E80] =	vst v9;
	v8 =	vld.idx.msk [tilespmem:v15+s9+$0x0], $0xffff  }
0x1d9: {  	v15 =	vadd.s32 $0x1C, v1;
	v9 =	vld.idx.msk [tilespmem:v17+s9+$0x0], $0xffff;
	[tilespmem:s16+$0x6080] =	vst v13  }
0x1da: {  	v13 =	vadd.s32 $0x38, v6;
	[tilespmem:s18+$0x1E00] =	vst v11;
	v11 =	vld.idx.msk [tilespmem:v18+s9+$0x0], $0xffff  }
0x1db: {  	v17 =	vadd.s32 $0x13, v3;
	v12 =	vld.idx.msk [tilespmem:v12+s9+$0x0], $0xffff;
	[tilespmem:s14+$0x5000] =	vst v10  }
0x1dc: {  	v10 =	vld.idx.msk [tilespmem:v16+s9+$0x0], $0xffff;
	v16 =	vadd.s32 $0x2F, v2  }
0x1dd: {  	v19 =	vadd.s32 $0xA, v4;
	v18 =	vld.idx.msk [tilespmem:v5+s9+$0x0], $0xffff;
	[tilespmem:s15+$0x3F80] =	vst v14  }
0x1de: {  	v14 =	vld.idx.msk [tilespmem:v15+s9+$0x0], $0xffff;
	v15 =	vadd.s32 $0x26, v0;
	[tilespmem:s20+$0x7180] =	vst v8  }
0x1df: {  	v8 =	vadd.s32 $0x1, v5;
	[tilespmem:s17+$0x2F00] =	vst v9;
	v9 =	vld.idx.msk [tilespmem:v13+s9+$0x0], $0xffff  }
0x1e0: {  	s23 =	sadd.s32 $0x80, s23;
	v13 =	vld.idx.msk [tilespmem:v17+s9+$0x0], $0xffff;
	v17 =	vadd.s32 $0x1D, v1;
	[tilespmem:s16+$0x6100] =	vst v11  }
0x1e1: {  	s26 =	sand.u32 $0xC00, s23;
	s19 =	sand.u32 $0x70, s21;
	[tilespmem:s18+$0x1E80] =	vst v12;
	v11 =	vld.idx.msk [tilespmem:v16+s9+$0x0], $0xffff;
	v12 =	vadd.s32 $0x39, v6  }
0x1e2: {  	s19 =	sor.u32 s19, s26;
	v16 =	vld.idx.msk [tilespmem:v19+s9+$0x0], $0xffff;
	v19 =	vadd.s32 $0x14, v3;
	[tilespmem:s14+$0x5080] =	vst v10  }
0x1e3: {  	[tilespmem:s19+$0xE00] =	vst v18;
	v10 =	vld.idx.msk [tilespmem:v15+s9+$0x0], $0xffff;
	v15 =	vadd.s32 $0x30, v2  }
0x1e4: {  	v18 =	vadd.s32 $0xB, v4;
	v8 =	vld.idx.msk [tilespmem:v8+s9+$0x0], $0xffff;
	[tilespmem:s15+$0x4000] =	vst v14  }
0x1e5: {  	v14 =	vld.idx.msk [tilespmem:v17+s9+$0x0], $0xffff;
	v17 =	vadd.s32 $0x27, v0;
	[tilespmem:s20+$0x7E00] =	vst v9  }
0x1e6: {  	v9 =	vadd.s32 $0x2, v5;
	[tilespmem:s17+$0x2F80] =	vst v13;
	v12 =	vld.idx.msk [tilespmem:v12+s9+$0x0], $0xffff  }
0x1e7: {  	v13 =	vld.idx.msk [tilespmem:v19+s9+$0x0], $0xffff;
	v19 =	vadd.s32 $0x1E, v1;
	[tilespmem:s16+$0x6180] =	vst v11  }
0x1e8: {  	[tilespmem:s18+$0x1F00] =	vst v16;
	v11 =	vld.idx.msk [tilespmem:v15+s9+$0x0], $0xffff;
	v15 =	vadd.s32 $0x3A, v6  }
0x1e9: {  	v16 =	vld.idx.msk [tilespmem:v18+s9+$0x0], $0xffff;
	v18 =	vadd.s32 $0x15, v3;
	[tilespmem:s14+$0x5100] =	vst v10  }
0x1ea: {  	v10 =	vadd.s32 $0x31, v2;
	[tilespmem:s19+$0xE80] =	vst v8;
	v8 =	vld.idx.msk [tilespmem:v17+s9+$0x0], $0xffff  }
0x1eb: {  	v17 =	vadd.s32 $0xC, v4;
	v9 =	vld.idx.msk [tilespmem:v9+s9+$0x0], $0xffff;
	[tilespmem:s15+$0x4080] =	vst v14  }
0x1ec: {  	v14 =	vld.idx.msk [tilespmem:v19+s9+$0x0], $0xffff;
	v19 =	vadd.s32 $0x28, v0;
	[tilespmem:s20+$0x7E80] =	vst v12  }
0x1ed: {  	v12 =	vadd.s32 $0x3, v5;
	[tilespmem:s17+$0x3000] =	vst v13;
	v13 =	vld.idx.msk [tilespmem:v15+s9+$0x0], $0xffff  }
0x1ee: {  	v15 =	vld.idx.msk [tilespmem:v18+s9+$0x0], $0xffff;
	v18 =	vadd.s32 $0x1F, v1;
	[tilespmem:s16+$0x6E00] =	vst v11  }
0x1ef: {  	v11 =	vadd.s32 $0x3B, v6;
	[tilespmem:s18+$0x1F80] =	vst v16;
	v10 =	vld.idx.msk [tilespmem:v10+s9+$0x0], $0xffff  }
0x1f0: {  	v16 =	vld.idx.msk [tilespmem:v17+s9+$0x0], $0xffff;
	v17 =	vadd.s32 $0x16, v3;
	[tilespmem:s14+$0x5180] =	vst v8  }
0x1f1: {  	[tilespmem:s19+$0xF00] =	vst v9;
	v8 =	vld.idx.msk [tilespmem:v19+s9+$0x0], $0xffff;
	v9 =	vadd.s32 $0x32, v2  }
0x1f2: {  	v19 =	vadd.s32 $0xD, v4;
	v12 =	vld.idx.msk [tilespmem:v12+s9+$0x0], $0xffff;
	[tilespmem:s15+$0x4100] =	vst v14  }
0x1f3: {  	v14 =	vld.idx.msk [tilespmem:v18+s9+$0x0], $0xffff;
	v18 =	vadd.s32 $0x29, v0;
	[tilespmem:s20+$0x7F00] =	vst v13  }
0x1f4: {  	v13 =	vadd.s32 $0x4, v5;
	[tilespmem:s17+$0x3080] =	vst v15;
	v11 =	vld.idx.msk [tilespmem:v11+s9+$0x0], $0xffff  }
0x1f5: {  	v15 =	vld.idx.msk [tilespmem:v17+s9+$0x0], $0xffff;
	v17 =	vadd.s32 $0x20, v1;
	[tilespmem:s16+$0x6E80] =	vst v10  }
0x1f6: {  	v10 =	vadd.s32 $0x3C, v6;
	[tilespmem:s18+$0x2000] =	vst v16;
	v9 =	vld.idx.msk [tilespmem:v9+s9+$0x0], $0xffff  }
0x1f7: {  	v16 =	vld.idx.msk [tilespmem:v19+s9+$0x0], $0xffff;
	v19 =	vadd.s32 $0x17, v3;
	[tilespmem:s14+$0x5E00] =	vst v8  }
0x1f8: {  	[tilespmem:s19+$0xF80] =	vst v12;
	v8 =	vld.idx.msk [tilespmem:v18+s9+$0x0], $0xffff;
	v12 =	vadd.s32 $0x33, v2  }
0x1f9: {  	v18 =	vadd.s32 $0xE, v4;
	v13 =	vld.idx.msk [tilespmem:v13+s9+$0x0], $0xffff;
	[tilespmem:s15+$0x4180] =	vst v14  }
0x1fa: {  	v14 =	vld.idx.msk [tilespmem:v17+s9+$0x0], $0xffff;
	v17 =	vadd.s32 $0x2A, v0;
	[tilespmem:s20+$0x7F80] =	vst v11  }
0x1fb: {  	v11 =	vadd.s32 $0x5, v5;
	[tilespmem:s17+$0x3100] =	vst v15;
	v15 =	vld.idx.msk [tilespmem:v10+s9+$0x0], $0xffff  }
0x1fc: {  	v10 =	vadd.s32 $0x21, v1;
	v19 =	vld.idx.msk [tilespmem:v19+s9+$0x0], $0xffff;
	[tilespmem:s16+$0x6F00] =	vst v9  }
0x1fd: {  	[tilespmem:s18+$0x2080] =	vst v16;
	v9 =	vld.idx.msk [tilespmem:v12+s9+$0x0], $0xffff;
	v12 =	vadd.s32 $0x3D, v6  }
0x1fe: {  	v20 =	vadd.s32 $0x18, v3;
	v16 =	vld.idx.msk [tilespmem:v18+s9+$0x0], $0xffff;
	[tilespmem:s14+$0x5E80] =	vst v8  }
0x1ff: {  	v21 =	vadd.s32 $0x34, v2;
	[tilespmem:s19+$0x1000] =	vst v13;
	v8 =	vld.idx.msk [tilespmem:v17+s9+$0x0], $0xffff  }
0x200: {  	v23 =	vadd.s32 $0xF, v4;
	v22 =	vld.idx.msk [tilespmem:v11+s9+$0x0], $0xffff;
	[tilespmem:s15+$0x4E00] =	vst v14  }
0x201: {  	v24 =	vadd.s32 $0x2B, v0;
	v10 =	vld.idx.msk [tilespmem:v10+s9+$0x0], $0xffff;
	[tilespmem:s20+$0x8000] =	vst v15  }
.Ltmp0:
0x202: {  	v18 =	vadd.s32 $0x6, v5;
	[tilespmem:s17+$0x3180] =	vst v19;
	v13 =	vld.idx.msk [tilespmem:v12+s9+$0x0], $0xffff;
	(pc) =	sbr.rel @p0 .LBB2_2-.Ltmp0, $4  }
0x203: {  	v17 =	vadd.s32 $0x22, v1;
	v11 =	vld.idx.msk [tilespmem:v20+s9+$0x0], $0xffff;
	[tilespmem:s16+$0x6F80] =	vst v9  }
0x204: {  	v14 =	vadd.s32 $0x3E, v6;
	[tilespmem:s18+$0x2100] =	vst v16;
	v12 =	vld.idx.msk [tilespmem:v21+s9+$0x0], $0xffff  }
0x205: {  	v15 =	vadd.s32 $0x19, v3;
	v9 =	vld.idx.msk [tilespmem:v23+s9+$0x0], $0xffff;
	[tilespmem:s14+$0x5F00] =	vst v8  }
0x206: {  	s24 =	sadd.s32 $0x10, s24;
	v16 =	vadd.s32 $0x35, v2;
	[tilespmem:s19+$0x1080] =	vst v22;
	v8 =	vld.idx.msk [tilespmem:v24+s9+$0x0], $0xffff  }
0x207: {  	_ =	sdelay $0x2  }
0x208: {  	[tilespmem:s15+$0x4E80] =	vst v10  }
0x209: {  	v25 =	vld.idx.msk [tilespmem:v18+s9+$0x0], $0xffff;
	v26 =	vadd.s32 $0x10, v4;
	[tilespmem:s20+$0x8080] =	vst v13  }
0x20a: {  	v28 =	vadd.s32 $0x2C, v0;
	v27 =	vld.idx.msk [tilespmem:v17+s9+$0x0], $0xffff;
	[tilespmem:s17+$0x3E00] =	vst v11  }
0x20b: {  	v29 =	vadd.s32 $0x7, v5;
	v7 =	vmax.f32 v7, $-3.000000000e+00;
	v14 =	vld.idx.msk [tilespmem:v14+s9+$0x0], $0xffff;
	[tilespmem:s16+$0x7000] =	vst v12  }
0x20c: {  	v31 =	vadd.s32 $0x23, v1;
	v7 =	vmin.f32 v7, $3.000000000e+00;
	v30 =	vld.idx.msk [tilespmem:v15+s9+$0x0], $0xffff;
	[tilespmem:s18+$0x2180] =	vst v9  }
0x20d: {  	v6 =	vadd.s32 $0x3F, v6;
	v7 =	vadd.f32 $3.000000000e+00, v7;
	v32 =	vld.idx.msk [tilespmem:v16+s9+$0x0], $0xffff;
	[tilespmem:s14+$0x5F80] =	vst v8  }
0x20e: {  	v34 =	vadd.s32 $0x1A, v3;
	v33 =	vld.idx.msk [tilespmem:v26+s9+$0x0], $0xffff;
	[tilespmem:s19+$0x1100] =	vst v25  }
0x20f: {  	v36 =	vadd.s32 $0x36, v2;
	v7 =	vmul.f32 $2.333333250e+00, v7;
	v35 =	vld.idx.msk [tilespmem:v28+s9+$0x0], $0xffff;
	[tilespmem:s15+$0x4F00] =	vst v27  }
0x210: {  	v37 =	vadd.s32 $0x11, v4;
	v11 =	vld.idx.msk [tilespmem:v29+s9+$0x0], $0xffff;
	[tilespmem:s20+$0x8100] =	vst v14  }
0x211: {  	v39 =	vadd.s32 $0x2D, v0;
	v7 =	vadd.f32 $8.388608000e+06, v7;
	v38 =	vld.idx.msk [tilespmem:v31+s9+$0x0], $0xffff;
	[tilespmem:s17+$0x3E80] =	vst v30  }
0x212: {  	v40 =	vadd.s32 $0x8, v5;
	v6 =	vld.idx.msk [tilespmem:v6+s9+$0x0], $0xffff;
	[tilespmem:s16+$0x7080] =	vst v32  }
0x213: {  	v42 =	vadd.s32 $0x24, v1;
	s21 =	sor.u32 s23, s21;
	v41 =	vld.idx.msk [tilespmem:v34+s9+$0x0], $0xffff;
	v7 =	vadd.f32 $-8.388608000e+06, v7;
	[tilespmem:s18+$0x2E00] =	vst v33  }
0x214: {  	v44 =	vadd.s32 $0x1B, v3;
	s21 =	sor.u32 $0x380, s21;
	v43 =	vld.idx.msk [tilespmem:v36+s9+$0x0], $0xffff;
	[tilespmem:s14+$0x6000] =	vst v35  }
0x215: {  	v46 =	vadd.s32 $0x37, v2;
	v7 =	vtrunc.f32 v7;
	v45 =	vld.idx.msk [tilespmem:v37+s9+$0x0], $0xffff;
	[tilespmem:s21+$0xE00] =	vst v11  }
0x216: {  	v48 =	vadd.s32 $0x12, v4;
	v47 =	vld.idx.msk [tilespmem:v39+s9+$0x0], $0xffff;
	v7 =	vcvt.f32.s32 v7;
	[tilespmem:s15+$0x4F80] =	vst v38  }
0x217: {  	v49 =	vadd.s32 $0x2E, v0;
	v12 =	vld.idx.msk [tilespmem:v40+s9+$0x0], $0xffff;
	[tilespmem:s20+$0x8180] =	vst v6  }
0x218: {  	v50 =	vadd.s32 $0x9, v5;
	v16 =	vld.idx.msk [tilespmem:v42+s9+$0x0], $0xffff;
	[tilespmem:s17+$0x3F00] =	vst v41;
	v6 =	vmul.u32 $0x41, v7  }
0x219: {  	v51 =	vld.idx.msk [tilespmem:v44+s9+$0x0], $0xffff;
	[tilespmem:s16+$0x7100] =	vst v43  }
0x21a: {  	v52 =	vadd.s32 $0x25, v1;
	v8 =	vld.idx.msk [tilespmem:v46+s9+$0x0], $0xffff;
	[tilespmem:s18+$0x2E80] =	vst v45  }
0x21b: {  	v54 =	vadd.s32 $0x1C, v3;
	[tilespmem:s14+$0x6080] =	vst v47;
	v53 =	vld.idx.msk [tilespmem:v48+s9+$0x0], $0xffff  }
0x21c: {  	v56 =	vadd.s32 $0x38, v2;
	[tilespmem:s19+$0x1E00] =	vst v12;
	v55 =	vld.idx.msk [tilespmem:v49+s9+$0x0], $0xffff  }
0x21d: {  	v58 =	vadd.s32 $0x13, v4;
	v57 =	vld.idx.msk [tilespmem:v50+s9+$0x0], $0xffff;
	[tilespmem:s15+$0x5000] =	vst v16  }
0x21e: {  	v59 =	vadd.s32 $0x2F, v0;
	[tilespmem:s17+$0x3F80] =	vst v51;
	v60 =	vld.idx.msk [tilespmem:v6+s9+$0x0], $0xffff  }
0x21f: {  	v61 =	vadd.s32 $0x1, v6;
	v9 =	vld.idx.msk [tilespmem:v52+s9+$0x0], $0xffff;
	[tilespmem:s16+$0x7180] =	vst v8  }
0x220: {  	s30 =	sadd.s32 $0x80, s23;
	v10 =	vld.idx.msk [tilespmem:v54+s9+$0x0], $0xffff;
	[tilespmem:s18+$0x2F00] =	vst v53  }
0x221: {  	s31 =	sand.u32 $0x70, s22;
	s23 =	sand.u32 $0xC00, s30;
	v8 =	vld.idx.msk [tilespmem:v56+s9+$0x0], $0xffff;
	[tilespmem:s14+$0x6100] =	vst v55  }
0x222: {  	s20 =	sor.u32 s31, s23;
	v11 =	vld.idx.msk [tilespmem:v58+s9+$0x0], $0xffff;
	[tilespmem:s19+$0x1E80] =	vst v57  }
0x223: {  	v7 =	vld.idx.msk [tilespmem:v59+s9+$0x0], $0xffff;
	[tilespmem:s20+$0xE00] =	vst v60  }
0x224: {  	v62 =	vld.idx.msk [tilespmem:v61+s9+$0x0], $0xffff  }
0x225: {  	v63 =	vadd.s32 $0x2, v6;
	_ =	sdelay $0x3  }
0x226: {  	[tilespmem:s20+$0xE80] =	vst v62  }
0x227: {  	v12 =	vld.idx.msk [tilespmem:v63+s9+$0x0], $0xffff  }
0x228: {  	v16 =	vadd.s32 $0x3, v6;
	_ =	sdelay $0x3  }
0x229: {  	[tilespmem:s20+$0xF00] =	vst v12  }
0x22a: {  	v12 =	vld.idx.msk [tilespmem:v16+s9+$0x0], $0xffff  }
0x22b: {  	v17 =	vadd.s32 $0x4, v6;
	_ =	sdelay $0x3  }
0x22c: {  	[tilespmem:s20+$0xF80] =	vst v12  }
0x22d: {  	v12 =	vld.idx.msk [tilespmem:v17+s9+$0x0], $0xffff  }
0x22e: {  	v18 =	vadd.s32 $0x5, v6;
	_ =	sdelay $0x3  }
0x22f: {  	[tilespmem:s20+$0x1000] =	vst v12  }
0x230: {  	v12 =	vld.idx.msk [tilespmem:v18+s9+$0x0], $0xffff  }
0x231: {  	v19 =	vadd.s32 $0x6, v6;
	_ =	sdelay $0x3  }
0x232: {  	[tilespmem:s20+$0x1080] =	vst v12  }
0x233: {  	v12 =	vld.idx.msk [tilespmem:v19+s9+$0x0], $0xffff  }
0x234: {  	v20 =	vadd.s32 $0x7, v6;
	_ =	sdelay $0x3  }
0x235: {  	[tilespmem:s20+$0x1100] =	vst v12  }
0x236: {  	v12 =	vld.idx.msk [tilespmem:v20+s9+$0x0], $0xffff  }
0x237: {  	v21 =	vadd.s32 $0x8, v6;
	_ =	sdelay $0x1  }
0x238: {  	s21 =	sor.u32 s30, s22  }
0x239: {  	s21 =	sor.u32 $0x380, s21  }
0x23a: {  	[tilespmem:s21+$0xE00] =	vst v12  }
0x23b: {  	v12 =	vld.idx.msk [tilespmem:v21+s9+$0x0], $0xffff  }
0x23c: {  	v22 =	vadd.s32 $0x9, v6;
	_ =	sdelay $0x3  }
0x23d: {  	[tilespmem:s20+$0x1E00] =	vst v12  }
0x23e: {  	v23 =	vadd.s32 $0xA, v5;
	v13 =	vld.idx.msk [tilespmem:v22+s9+$0x0], $0xffff  }
0x23f: {  	v24 =	vadd.s32 $0xA, v6;
	_ =	sdelay $0x3  }
0x240: {  	v12 =	vld.idx.msk [tilespmem:v23+s9+$0x0], $0xffff;
	[tilespmem:s20+$0x1E80] =	vst v13  }
0x241: {  	v25 =	vadd.s32 $0xB, v5;
	v14 =	vld.idx.msk [tilespmem:v24+s9+$0x0], $0xffff  }
0x242: {  	v26 =	vadd.s32 $0xB, v6;
	_ =	sdelay $0x2  }
0x243: {  	[tilespmem:s19+$0x1F00] =	vst v12  }
0x244: {  	v12 =	vld.idx.msk [tilespmem:v25+s9+$0x0], $0xffff;
	[tilespmem:s20+$0x1F00] =	vst v14  }
0x245: {  	v27 =	vadd.s32 $0xC, v5;
	v14 =	vld.idx.msk [tilespmem:v26+s9+$0x0], $0xffff  }
0x246: {  	v28 =	vadd.s32 $0xC, v6;
	_ =	sdelay $0x2  }
0x247: {  	[tilespmem:s19+$0x1F80] =	vst v12  }
0x248: {  	v12 =	vld.idx.msk [tilespmem:v27+s9+$0x0], $0xffff;
	[tilespmem:s20+$0x1F80] =	vst v14  }
0x249: {  	v29 =	vadd.s32 $0xD, v5;
	v14 =	vld.idx.msk [tilespmem:v28+s9+$0x0], $0xffff  }
0x24a: {  	v30 =	vadd.s32 $0xD, v6;
	_ =	sdelay $0x2  }
0x24b: {  	[tilespmem:s19+$0x2000] =	vst v12  }
0x24c: {  	v12 =	vld.idx.msk [tilespmem:v29+s9+$0x0], $0xffff;
	[tilespmem:s20+$0x2000] =	vst v14  }
0x24d: {  	v31 =	vadd.s32 $0xE, v5;
	v14 =	vld.idx.msk [tilespmem:v30+s9+$0x0], $0xffff  }
0x24e: {  	v32 =	vadd.s32 $0xE, v6;
	_ =	sdelay $0x2  }
0x24f: {  	[tilespmem:s19+$0x2080] =	vst v12  }
0x250: {  	v12 =	vld.idx.msk [tilespmem:v31+s9+$0x0], $0xffff;
	[tilespmem:s20+$0x2080] =	vst v14  }
0x251: {  	v33 =	vadd.s32 $0xF, v5;
	v14 =	vld.idx.msk [tilespmem:v32+s9+$0x0], $0xffff  }
0x252: {  	v34 =	vadd.s32 $0xF, v6;
	_ =	sdelay $0x2  }
0x253: {  	[tilespmem:s19+$0x2100] =	vst v12  }
0x254: {  	v12 =	vld.idx.msk [tilespmem:v33+s9+$0x0], $0xffff;
	[tilespmem:s20+$0x2100] =	vst v14  }
0x255: {  	v35 =	vadd.s32 $0x10, v5;
	v14 =	vld.idx.msk [tilespmem:v34+s9+$0x0], $0xffff  }
0x256: {  	v36 =	vadd.s32 $0x10, v6;
	_ =	sdelay $0x2  }
0x257: {  	[tilespmem:s19+$0x2180] =	vst v12  }
0x258: {  	v12 =	vld.idx.msk [tilespmem:v35+s9+$0x0], $0xffff;
	[tilespmem:s20+$0x2180] =	vst v14  }
0x259: {  	v37 =	vadd.s32 $0x11, v5;
	v14 =	vld.idx.msk [tilespmem:v36+s9+$0x0], $0xffff  }
0x25a: {  	v38 =	vadd.s32 $0x11, v6;
	_ =	sdelay $0x2  }
0x25b: {  	[tilespmem:s19+$0x2E00] =	vst v12  }
0x25c: {  	v12 =	vld.idx.msk [tilespmem:v37+s9+$0x0], $0xffff;
	[tilespmem:s20+$0x2E00] =	vst v14  }
0x25d: {  	v39 =	vadd.s32 $0x12, v5;
	v14 =	vld.idx.msk [tilespmem:v38+s9+$0x0], $0xffff  }
0x25e: {  	v40 =	vadd.s32 $0x12, v6;
	_ =	sdelay $0x2  }
0x25f: {  	[tilespmem:s19+$0x2E80] =	vst v12  }
0x260: {  	v12 =	vld.idx.msk [tilespmem:v39+s9+$0x0], $0xffff;
	[tilespmem:s20+$0x2E80] =	vst v14  }
0x261: {  	v41 =	vadd.s32 $0x13, v5;
	v14 =	vld.idx.msk [tilespmem:v40+s9+$0x0], $0xffff  }
0x262: {  	v42 =	vadd.s32 $0x13, v6;
	_ =	sdelay $0x2  }
0x263: {  	[tilespmem:s19+$0x2F00] =	vst v12  }
0x264: {  	v43 =	vadd.s32 $0x14, v4;
	v13 =	vld.idx.msk [tilespmem:v41+s9+$0x0], $0xffff;
	[tilespmem:s20+$0x2F00] =	vst v14  }
0x265: {  	v44 =	vadd.s32 $0x14, v5;
	v15 =	vld.idx.msk [tilespmem:v42+s9+$0x0], $0xffff  }
0x266: {  	v45 =	vadd.s32 $0x14, v6;
	_ =	sdelay $0x1  }
0x267: {  	[tilespmem:s18+$0x2F80] =	vst v11  }
0x268: {  	v11 =	vld.idx.msk [tilespmem:v43+s9+$0x0], $0xffff;
	[tilespmem:s19+$0x2F80] =	vst v13  }
0x269: {  	v46 =	vadd.s32 $0x15, v4;
	v13 =	vld.idx.msk [tilespmem:v44+s9+$0x0], $0xffff;
	[tilespmem:s20+$0x2F80] =	vst v15  }
0x26a: {  	v47 =	vadd.s32 $0x15, v5;
	v15 =	vld.idx.msk [tilespmem:v45+s9+$0x0], $0xffff  }
0x26b: {  	v48 =	vadd.s32 $0x15, v6;
	_ =	sdelay $0x1  }
0x26c: {  	[tilespmem:s18+$0x3000] =	vst v11  }
0x26d: {  	v11 =	vld.idx.msk [tilespmem:v46+s9+$0x0], $0xffff;
	[tilespmem:s19+$0x3000] =	vst v13  }
0x26e: {  	v49 =	vadd.s32 $0x16, v4;
	v13 =	vld.idx.msk [tilespmem:v47+s9+$0x0], $0xffff;
	[tilespmem:s20+$0x3000] =	vst v15  }
0x26f: {  	v50 =	vadd.s32 $0x16, v5;
	v15 =	vld.idx.msk [tilespmem:v48+s9+$0x0], $0xffff  }
0x270: {  	v51 =	vadd.s32 $0x16, v6;
	_ =	sdelay $0x1  }
0x271: {  	[tilespmem:s18+$0x3080] =	vst v11  }
0x272: {  	v11 =	vld.idx.msk [tilespmem:v49+s9+$0x0], $0xffff;
	[tilespmem:s19+$0x3080] =	vst v13  }
0x273: {  	v52 =	vadd.s32 $0x17, v4;
	v13 =	vld.idx.msk [tilespmem:v50+s9+$0x0], $0xffff;
	[tilespmem:s20+$0x3080] =	vst v15  }
0x274: {  	v53 =	vadd.s32 $0x17, v5;
	v15 =	vld.idx.msk [tilespmem:v51+s9+$0x0], $0xffff  }
0x275: {  	v54 =	vadd.s32 $0x17, v6;
	_ =	sdelay $0x1  }
0x276: {  	[tilespmem:s18+$0x3100] =	vst v11  }
0x277: {  	v11 =	vld.idx.msk [tilespmem:v52+s9+$0x0], $0xffff;
	[tilespmem:s19+$0x3100] =	vst v13  }
0x278: {  	v55 =	vadd.s32 $0x18, v4;
	v13 =	vld.idx.msk [tilespmem:v53+s9+$0x0], $0xffff;
	[tilespmem:s20+$0x3100] =	vst v15  }
0x279: {  	v56 =	vadd.s32 $0x18, v5;
	v15 =	vld.idx.msk [tilespmem:v54+s9+$0x0], $0xffff  }
0x27a: {  	v57 =	vadd.s32 $0x18, v6;
	_ =	sdelay $0x1  }
0x27b: {  	[tilespmem:s18+$0x3180] =	vst v11  }
0x27c: {  	v11 =	vld.idx.msk [tilespmem:v55+s9+$0x0], $0xffff;
	[tilespmem:s19+$0x3180] =	vst v13  }
0x27d: {  	v58 =	vadd.s32 $0x19, v4;
	v13 =	vld.idx.msk [tilespmem:v56+s9+$0x0], $0xffff;
	[tilespmem:s20+$0x3180] =	vst v15  }
0x27e: {  	v59 =	vadd.s32 $0x19, v5;
	v15 =	vld.idx.msk [tilespmem:v57+s9+$0x0], $0xffff  }
0x27f: {  	v60 =	vadd.s32 $0x19, v6;
	_ =	sdelay $0x1  }
0x280: {  	[tilespmem:s18+$0x3E00] =	vst v11  }
0x281: {  	v11 =	vld.idx.msk [tilespmem:v58+s9+$0x0], $0xffff;
	[tilespmem:s19+$0x3E00] =	vst v13  }
0x282: {  	v61 =	vadd.s32 $0x1A, v4;
	v13 =	vld.idx.msk [tilespmem:v59+s9+$0x0], $0xffff;
	[tilespmem:s20+$0x3E00] =	vst v15  }
0x283: {  	v62 =	vadd.s32 $0x1A, v5;
	v15 =	vld.idx.msk [tilespmem:v60+s9+$0x0], $0xffff  }
0x284: {  	v63 =	vadd.s32 $0x1A, v6;
	_ =	sdelay $0x1  }
0x285: {  	[tilespmem:s18+$0x3E80] =	vst v11  }
0x286: {  	v11 =	vld.idx.msk [tilespmem:v61+s9+$0x0], $0xffff;
	[tilespmem:s19+$0x3E80] =	vst v13  }
0x287: {  	v20 =	vadd.s32 $0x1B, v4;
	v13 =	vld.idx.msk [tilespmem:v62+s9+$0x0], $0xffff;
	[tilespmem:s20+$0x3E80] =	vst v15  }
0x288: {  	v21 =	vadd.s32 $0x1B, v5;
	v15 =	vld.idx.msk [tilespmem:v63+s9+$0x0], $0xffff  }
0x289: {  	v22 =	vadd.s32 $0x1B, v6;
	_ =	sdelay $0x1  }
0x28a: {  	[tilespmem:s18+$0x3F00] =	vst v11  }
0x28b: {  	v11 =	vld.idx.msk [tilespmem:v20+s9+$0x0], $0xffff;
	[tilespmem:s19+$0x3F00] =	vst v13  }
0x28c: {  	v23 =	vadd.s32 $0x1C, v4;
	v13 =	vld.idx.msk [tilespmem:v21+s9+$0x0], $0xffff;
	[tilespmem:s20+$0x3F00] =	vst v15  }
0x28d: {  	v24 =	vadd.s32 $0x1C, v5;
	v15 =	vld.idx.msk [tilespmem:v22+s9+$0x0], $0xffff  }
0x28e: {  	v25 =	vadd.s32 $0x1C, v6;
	_ =	sdelay $0x1  }
0x28f: {  	[tilespmem:s18+$0x3F80] =	vst v11  }
0x290: {  	v26 =	vadd.s32 $0x1D, v3;
	v12 =	vld.idx.msk [tilespmem:v23+s9+$0x0], $0xffff;
	[tilespmem:s19+$0x3F80] =	vst v13  }
0x291: {  	v27 =	vadd.s32 $0x1D, v4;
	v14 =	vld.idx.msk [tilespmem:v24+s9+$0x0], $0xffff;
	[tilespmem:s20+$0x3F80] =	vst v15  }
0x292: {  	v28 =	vadd.s32 $0x1D, v5;
	v16 =	vld.idx.msk [tilespmem:v25+s9+$0x0], $0xffff  }
0x293: {  	v29 =	vadd.s32 $0x1D, v6  }
0x294: {  	[tilespmem:s17+$0x4000] =	vst v10  }
0x295: {  	v10 =	vld.idx.msk [tilespmem:v26+s9+$0x0], $0xffff;
	[tilespmem:s18+$0x4000] =	vst v12  }
0x296: {  	v30 =	vadd.s32 $0x1E, v3;
	v12 =	vld.idx.msk [tilespmem:v27+s9+$0x0], $0xffff;
	[tilespmem:s19+$0x4000] =	vst v14  }
0x297: {  	v31 =	vadd.s32 $0x1E, v4;
	v14 =	vld.idx.msk [tilespmem:v28+s9+$0x0], $0xffff;
	[tilespmem:s20+$0x4000] =	vst v16  }
0x298: {  	v32 =	vadd.s32 $0x1E, v5;
	v16 =	vld.idx.msk [tilespmem:v29+s9+$0x0], $0xffff  }
0x299: {  	v33 =	vadd.s32 $0x1E, v6  }
0x29a: {  	[tilespmem:s17+$0x4080] =	vst v10  }
0x29b: {  	v10 =	vld.idx.msk [tilespmem:v30+s9+$0x0], $0xffff;
	[tilespmem:s18+$0x4080] =	vst v12  }
0x29c: {  	v34 =	vadd.s32 $0x1F, v3;
	v12 =	vld.idx.msk [tilespmem:v31+s9+$0x0], $0xffff;
	[tilespmem:s19+$0x4080] =	vst v14  }
0x29d: {  	v35 =	vadd.s32 $0x1F, v4;
	v14 =	vld.idx.msk [tilespmem:v32+s9+$0x0], $0xffff;
	[tilespmem:s20+$0x4080] =	vst v16  }
0x29e: {  	v36 =	vadd.s32 $0x1F, v5;
	v16 =	vld.idx.msk [tilespmem:v33+s9+$0x0], $0xffff  }
0x29f: {  	v37 =	vadd.s32 $0x1F, v6  }
0x2a0: {  	[tilespmem:s17+$0x4100] =	vst v10  }
0x2a1: {  	v10 =	vld.idx.msk [tilespmem:v34+s9+$0x0], $0xffff;
	[tilespmem:s18+$0x4100] =	vst v12  }
0x2a2: {  	v38 =	vadd.s32 $0x20, v3;
	v12 =	vld.idx.msk [tilespmem:v35+s9+$0x0], $0xffff;
	[tilespmem:s19+$0x4100] =	vst v14  }
0x2a3: {  	v39 =	vadd.s32 $0x20, v4;
	v14 =	vld.idx.msk [tilespmem:v36+s9+$0x0], $0xffff;
	[tilespmem:s20+$0x4100] =	vst v16  }
0x2a4: {  	v40 =	vadd.s32 $0x20, v5;
	v16 =	vld.idx.msk [tilespmem:v37+s9+$0x0], $0xffff  }
0x2a5: {  	v41 =	vadd.s32 $0x20, v6  }
0x2a6: {  	[tilespmem:s17+$0x4180] =	vst v10  }
0x2a7: {  	v10 =	vld.idx.msk [tilespmem:v38+s9+$0x0], $0xffff;
	[tilespmem:s18+$0x4180] =	vst v12  }
0x2a8: {  	v42 =	vadd.s32 $0x21, v3;
	v12 =	vld.idx.msk [tilespmem:v39+s9+$0x0], $0xffff;
	[tilespmem:s19+$0x4180] =	vst v14  }
0x2a9: {  	v43 =	vadd.s32 $0x21, v4;
	v14 =	vld.idx.msk [tilespmem:v40+s9+$0x0], $0xffff;
	[tilespmem:s20+$0x4180] =	vst v16  }
0x2aa: {  	v44 =	vadd.s32 $0x21, v5;
	v16 =	vld.idx.msk [tilespmem:v41+s9+$0x0], $0xffff  }
0x2ab: {  	v45 =	vadd.s32 $0x21, v6  }
0x2ac: {  	[tilespmem:s17+$0x4E00] =	vst v10  }
0x2ad: {  	v10 =	vld.idx.msk [tilespmem:v42+s9+$0x0], $0xffff;
	[tilespmem:s18+$0x4E00] =	vst v12  }
0x2ae: {  	v46 =	vadd.s32 $0x22, v3;
	v12 =	vld.idx.msk [tilespmem:v43+s9+$0x0], $0xffff;
	[tilespmem:s19+$0x4E00] =	vst v14  }
0x2af: {  	v47 =	vadd.s32 $0x22, v4;
	v14 =	vld.idx.msk [tilespmem:v44+s9+$0x0], $0xffff;
	[tilespmem:s20+$0x4E00] =	vst v16  }
0x2b0: {  	v48 =	vadd.s32 $0x22, v5;
	v16 =	vld.idx.msk [tilespmem:v45+s9+$0x0], $0xffff  }
0x2b1: {  	v49 =	vadd.s32 $0x22, v6  }
0x2b2: {  	[tilespmem:s17+$0x4E80] =	vst v10  }
0x2b3: {  	v10 =	vld.idx.msk [tilespmem:v46+s9+$0x0], $0xffff;
	[tilespmem:s18+$0x4E80] =	vst v12  }
0x2b4: {  	v50 =	vadd.s32 $0x23, v3;
	v12 =	vld.idx.msk [tilespmem:v47+s9+$0x0], $0xffff;
	[tilespmem:s19+$0x4E80] =	vst v14  }
0x2b5: {  	v51 =	vadd.s32 $0x23, v4;
	v14 =	vld.idx.msk [tilespmem:v48+s9+$0x0], $0xffff;
	[tilespmem:s20+$0x4E80] =	vst v16  }
0x2b6: {  	v52 =	vadd.s32 $0x23, v5;
	v16 =	vld.idx.msk [tilespmem:v49+s9+$0x0], $0xffff  }
0x2b7: {  	v53 =	vadd.s32 $0x23, v6  }
0x2b8: {  	[tilespmem:s17+$0x4F00] =	vst v10  }
0x2b9: {  	v10 =	vld.idx.msk [tilespmem:v50+s9+$0x0], $0xffff;
	[tilespmem:s18+$0x4F00] =	vst v12  }
0x2ba: {  	v54 =	vadd.s32 $0x24, v3;
	v12 =	vld.idx.msk [tilespmem:v51+s9+$0x0], $0xffff;
	[tilespmem:s19+$0x4F00] =	vst v14  }
0x2bb: {  	v55 =	vadd.s32 $0x24, v4;
	v14 =	vld.idx.msk [tilespmem:v52+s9+$0x0], $0xffff;
	[tilespmem:s20+$0x4F00] =	vst v16  }
0x2bc: {  	v56 =	vadd.s32 $0x24, v5;
	v16 =	vld.idx.msk [tilespmem:v53+s9+$0x0], $0xffff  }
0x2bd: {  	v57 =	vadd.s32 $0x24, v6  }
0x2be: {  	[tilespmem:s17+$0x4F80] =	vst v10  }
0x2bf: {  	v10 =	vld.idx.msk [tilespmem:v54+s9+$0x0], $0xffff;
	[tilespmem:s18+$0x4F80] =	vst v12  }
0x2c0: {  	v58 =	vadd.s32 $0x25, v3;
	v12 =	vld.idx.msk [tilespmem:v55+s9+$0x0], $0xffff;
	[tilespmem:s19+$0x4F80] =	vst v14  }
0x2c1: {  	v59 =	vadd.s32 $0x25, v4;
	v14 =	vld.idx.msk [tilespmem:v56+s9+$0x0], $0xffff;
	[tilespmem:s20+$0x4F80] =	vst v16  }
0x2c2: {  	v60 =	vadd.s32 $0x25, v5;
	v16 =	vld.idx.msk [tilespmem:v57+s9+$0x0], $0xffff  }
0x2c3: {  	v61 =	vadd.s32 $0x25, v6  }
0x2c4: {  	[tilespmem:s17+$0x5000] =	vst v10;
	v62 =	vadd.s32 $0x26, v1  }
0x2c5: {  	v11 =	vld.idx.msk [tilespmem:v58+s9+$0x0], $0xffff;
	[tilespmem:s18+$0x5000] =	vst v12  }
0x2c6: {  	v63 =	vadd.s32 $0x26, v3;
	v13 =	vld.idx.msk [tilespmem:v59+s9+$0x0], $0xffff;
	[tilespmem:s19+$0x5000] =	vst v14  }
0x2c7: {  	v20 =	vadd.s32 $0x26, v4;
	v15 =	vld.idx.msk [tilespmem:v60+s9+$0x0], $0xffff;
	[tilespmem:s20+$0x5000] =	vst v16  }
0x2c8: {  	[tilespmem:s15+$0x5080] =	vst v9;
	v21 =	vadd.s32 $0x26, v5;
	v17 =	vld.idx.msk [tilespmem:v61+s9+$0x0], $0xffff  }
0x2c9: {  	v10 =	vld.idx.msk [tilespmem:v62+s9+$0x0], $0xffff;
	v22 =	vadd.s32 $0x26, v6  }
0x2ca: {  	v23 =	vadd.s32 $0x27, v1;
	[tilespmem:s17+$0x5080] =	vst v11  }
0x2cb: {  	v12 =	vld.idx.msk [tilespmem:v63+s9+$0x0], $0xffff;
	[tilespmem:s18+$0x5080] =	vst v13  }
0x2cc: {  	v24 =	vadd.s32 $0x27, v3;
	v14 =	vld.idx.msk [tilespmem:v20+s9+$0x0], $0xffff;
	[tilespmem:s19+$0x5080] =	vst v15  }
0x2cd: {  	v25 =	vadd.s32 $0x27, v4;
	v16 =	vld.idx.msk [tilespmem:v21+s9+$0x0], $0xffff;
	[tilespmem:s20+$0x5080] =	vst v17  }
0x2ce: {  	v26 =	vadd.s32 $0x27, v5;
	[tilespmem:s15+$0x5100] =	vst v10;
	v9 =	vld.idx.msk [tilespmem:v22+s9+$0x0], $0xffff  }
0x2cf: {  	v27 =	vadd.s32 $0x27, v6;
	v11 =	vld.idx.msk [tilespmem:v23+s9+$0x0], $0xffff  }
0x2d0: {  	[tilespmem:s17+$0x5100] =	vst v12;
	v28 =	vadd.s32 $0x28, v1  }
0x2d1: {  	v13 =	vld.idx.msk [tilespmem:v24+s9+$0x0], $0xffff;
	[tilespmem:s18+$0x5100] =	vst v14  }
0x2d2: {  	v29 =	vadd.s32 $0x28, v3;
	v15 =	vld.idx.msk [tilespmem:v25+s9+$0x0], $0xffff;
	[tilespmem:s19+$0x5100] =	vst v16  }
0x2d3: {  	v30 =	vadd.s32 $0x28, v4;
	v17 =	vld.idx.msk [tilespmem:v26+s9+$0x0], $0xffff;
	[tilespmem:s20+$0x5100] =	vst v9  }
0x2d4: {  	v31 =	vadd.s32 $0x28, v5;
	[tilespmem:s15+$0x5180] =	vst v11;
	v9 =	vld.idx.msk [tilespmem:v27+s9+$0x0], $0xffff  }
0x2d5: {  	[tilespmem:s16+$0x7E00] =	vst v8;
	v12 =	vld.idx.msk [tilespmem:v28+s9+$0x0], $0xffff;
	v32 =	vadd.s32 $0x28, v6  }
0x2d6: {  	v34 =	vadd.s32 $0x29, v1;
	[tilespmem:s17+$0x5180] =	vst v13  }
0x2d7: {  	v33 =	vadd.s32 $0x39, v2;
	v14 =	vld.idx.msk [tilespmem:v29+s9+$0x0], $0xffff;
	[tilespmem:s18+$0x5180] =	vst v15  }
0x2d8: {  	v35 =	vadd.s32 $0x29, v3;
	v16 =	vld.idx.msk [tilespmem:v30+s9+$0x0], $0xffff;
	[tilespmem:s19+$0x5180] =	vst v17  }
0x2d9: {  	v36 =	vadd.s32 $0x29, v4;
	v8 =	vld.idx.msk [tilespmem:v31+s9+$0x0], $0xffff;
	[tilespmem:s20+$0x5180] =	vst v9  }
0x2da: {  	[tilespmem:s15+$0x5E00] =	vst v12;
	v37 =	vadd.s32 $0x29, v5;
	v9 =	vld.idx.msk [tilespmem:v32+s9+$0x0], $0xffff  }
0x2db: {  	[tilespmem:s14+$0x6180] =	vst v7;
	v39 =	vadd.s32 $0x29, v6;
	v13 =	vld.idx.msk [tilespmem:v34+s9+$0x0], $0xffff  }
0x2dc: {  	v38 =	vld.idx.msk [tilespmem:v33+s9+$0x0], $0xffff;
	v40 =	vadd.s32 $0x30, v0;
	[tilespmem:s17+$0x5E00] =	vst v14  }
0x2dd: {  	v41 =	vadd.s32 $0x2A, v1;
	v15 =	vld.idx.msk [tilespmem:v35+s9+$0x0], $0xffff;
	[tilespmem:s18+$0x5E00] =	vst v16  }
0x2de: {  	v42 =	vadd.s32 $0x2A, v3;
	v17 =	vld.idx.msk [tilespmem:v36+s9+$0x0], $0xffff;
	[tilespmem:s19+$0x5E00] =	vst v8  }
0x2df: {  	v43 =	vadd.s32 $0x2A, v4;
	v7 =	vld.idx.msk [tilespmem:v37+s9+$0x0], $0xffff;
	[tilespmem:s20+$0x5E00] =	vst v9  }
0x2e0: {  	[tilespmem:s15+$0x5E80] =	vst v13;
	v44 =	vadd.s32 $0x2A, v5;
	v45 =	vld.idx.msk [tilespmem:v39+s9+$0x0], $0xffff  }
0x2e1: {  	v47 =	vadd.s32 $0x2A, v6;
	[tilespmem:s16+$0x7E80] =	vst v38;
	v46 =	vld.idx.msk [tilespmem:v40+s9+$0x0], $0xffff  }
0x2e2: {  	v48 =	vadd.s32 $0x3A, v2;
	v14 =	vld.idx.msk [tilespmem:v41+s9+$0x0], $0xffff;
	[tilespmem:s17+$0x5E80] =	vst v15  }
0x2e3: {  	v49 =	vadd.s32 $0x2B, v1;
	v16 =	vld.idx.msk [tilespmem:v42+s9+$0x0], $0xffff;
	[tilespmem:s18+$0x5E80] =	vst v17  }
0x2e4: {  	v50 =	vadd.s32 $0x2B, v3;
	v8 =	vld.idx.msk [tilespmem:v43+s9+$0x0], $0xffff;
	[tilespmem:s19+$0x5E80] =	vst v7  }
0x2e5: {  	v51 =	vadd.s32 $0x2B, v4;
	v9 =	vld.idx.msk [tilespmem:v44+s9+$0x0], $0xffff;
	[tilespmem:s20+$0x5E80] =	vst v45  }
0x2e6: {  	[tilespmem:s14+$0x6E00] =	vst v46;
	v52 =	vadd.s32 $0x2B, v5;
	v53 =	vld.idx.msk [tilespmem:v47+s9+$0x0], $0xffff  }
0x2e7: {  	v55 =	vadd.s32 $0x2B, v6;
	v54 =	vld.idx.msk [tilespmem:v48+s9+$0x0], $0xffff;
	[tilespmem:s15+$0x5F00] =	vst v14  }
0x2e8: {  	v56 =	vadd.s32 $0x31, v0;
	v15 =	vld.idx.msk [tilespmem:v49+s9+$0x0], $0xffff;
	[tilespmem:s17+$0x5F00] =	vst v16  }
0x2e9: {  	v57 =	vadd.s32 $0x2C, v1;
	v17 =	vld.idx.msk [tilespmem:v50+s9+$0x0], $0xffff;
	[tilespmem:s18+$0x5F00] =	vst v8  }
0x2ea: {  	v58 =	vadd.s32 $0x2C, v3;
	v7 =	vld.idx.msk [tilespmem:v51+s9+$0x0], $0xffff;
	[tilespmem:s19+$0x5F00] =	vst v9  }
0x2eb: {  	v59 =	vadd.s32 $0x2C, v4;
	v10 =	vld.idx.msk [tilespmem:v52+s9+$0x0], $0xffff;
	[tilespmem:s20+$0x5F00] =	vst v53  }
0x2ec: {  	[tilespmem:s16+$0x7F00] =	vst v54;
	v60 =	vadd.s32 $0x2C, v5;
	v61 =	vld.idx.msk [tilespmem:v55+s9+$0x0], $0xffff  }
0x2ed: {  	v63 =	vadd.s32 $0x2C, v6;
	v62 =	vld.idx.msk [tilespmem:v56+s9+$0x0], $0xffff;
	[tilespmem:s15+$0x5F80] =	vst v15  }
0x2ee: {  	v28 =	vadd.s32 $0x32, v0;
	v16 =	vld.idx.msk [tilespmem:v57+s9+$0x0], $0xffff;
	[tilespmem:s17+$0x5F80] =	vst v17  }
0x2ef: {  	v21 =	vadd.s32 $0x2D, v1;
	v8 =	vld.idx.msk [tilespmem:v58+s9+$0x0], $0xffff;
	[tilespmem:s18+$0x5F80] =	vst v7  }
0x2f0: {  	v22 =	vadd.s32 $0x2D, v3;
	v9 =	vld.idx.msk [tilespmem:v59+s9+$0x0], $0xffff;
	[tilespmem:s19+$0x5F80] =	vst v10  }
0x2f1: {  	v23 =	vadd.s32 $0x2D, v4;
	v11 =	vld.idx.msk [tilespmem:v60+s9+$0x0], $0xffff;
	[tilespmem:s20+$0x5F80] =	vst v61  }
0x2f2: {  	v24 =	vadd.s32 $0x2D, v5;
	[tilespmem:s14+$0x6E80] =	vst v62;
	v25 =	vld.idx.msk [tilespmem:v63+s9+$0x0], $0xffff  }
0x2f3: {  	v34 =	vld.idx.msk [tilespmem:v28+s9+$0x0], $0xffff;
	v27 =	vadd.s32 $0x2D, v6;
	[tilespmem:s15+$0x6000] =	vst v16  }
0x2f4: {  	v20 =	vadd.s32 $0x3B, v2;
	v17 =	vld.idx.msk [tilespmem:v21+s9+$0x0], $0xffff;
	[tilespmem:s17+$0x6000] =	vst v8  }
0x2f5: {  	v29 =	vadd.s32 $0x2E, v1;
	v7 =	vld.idx.msk [tilespmem:v22+s9+$0x0], $0xffff;
	[tilespmem:s18+$0x6000] =	vst v9  }
0x2f6: {  	v30 =	vadd.s32 $0x2E, v3;
	v10 =	vld.idx.msk [tilespmem:v23+s9+$0x0], $0xffff;
	[tilespmem:s19+$0x6000] =	vst v11  }
0x2f7: {  	v31 =	vadd.s32 $0x2E, v4;
	v12 =	vld.idx.msk [tilespmem:v24+s9+$0x0], $0xffff;
	[tilespmem:s20+$0x6000] =	vst v25  }
0x2f8: {  	[tilespmem:s14+$0x6F00] =	vst v34;
	v32 =	vadd.s32 $0x2E, v5;
	v33 =	vld.idx.msk [tilespmem:v27+s9+$0x0], $0xffff  }
0x2f9: {  	v35 =	vadd.s32 $0x2E, v6;
	v26 =	vld.idx.msk [tilespmem:v20+s9+$0x0], $0xffff;
	[tilespmem:s15+$0x6080] =	vst v17  }
0x2fa: {  	v36 =	vadd.s32 $0x3C, v2;
	v8 =	vld.idx.msk [tilespmem:v29+s9+$0x0], $0xffff;
	[tilespmem:s17+$0x6080] =	vst v7  }
0x2fb: {  	v37 =	vadd.s32 $0x2F, v1;
	v9 =	vld.idx.msk [tilespmem:v30+s9+$0x0], $0xffff;
	[tilespmem:s18+$0x6080] =	vst v10  }
0x2fc: {  	v38 =	vadd.s32 $0x2F, v3;
	v11 =	vld.idx.msk [tilespmem:v31+s9+$0x0], $0xffff;
	[tilespmem:s19+$0x6080] =	vst v12  }
0x2fd: {  	v39 =	vadd.s32 $0x2F, v4;
	v13 =	vld.idx.msk [tilespmem:v32+s9+$0x0], $0xffff;
	[tilespmem:s20+$0x6080] =	vst v33  }
0x2fe: {  	v40 =	vadd.s32 $0x2F, v5;
	[tilespmem:s16+$0x7F80] =	vst v26;
	v41 =	vld.idx.msk [tilespmem:v35+s9+$0x0], $0xffff  }
0x2ff: {  	v42 =	vld.idx.msk [tilespmem:v36+s9+$0x0], $0xffff;
	v43 =	vadd.s32 $0x2F, v6;
	[tilespmem:s15+$0x6100] =	vst v8  }
0x300: {  	v51 =	vadd.s32 $0x3D, v2;
	v7 =	vld.idx.msk [tilespmem:v37+s9+$0x0], $0xffff;
	[tilespmem:s17+$0x6100] =	vst v9  }
0x301: {  	v45 =	vadd.s32 $0x30, v1;
	v10 =	vld.idx.msk [tilespmem:v38+s9+$0x0], $0xffff;
	[tilespmem:s18+$0x6100] =	vst v11  }
0x302: {  	v46 =	vadd.s32 $0x30, v3;
	v12 =	vld.idx.msk [tilespmem:v39+s9+$0x0], $0xffff;
	[tilespmem:s19+$0x6100] =	vst v13  }
0x303: {  	v47 =	vadd.s32 $0x30, v4;
	v14 =	vld.idx.msk [tilespmem:v40+s9+$0x0], $0xffff;
	[tilespmem:s20+$0x6100] =	vst v41  }
0x304: {  	v48 =	vadd.s32 $0x30, v5;
	[tilespmem:s16+$0x8000] =	vst v42;
	v8 =	vld.idx.msk [tilespmem:v43+s9+$0x0], $0xffff  }
0x305: {  	v50 =	vadd.s32 $0x30, v6;
	v56 =	vld.idx.msk [tilespmem:v51+s9+$0x0], $0xffff;
	[tilespmem:s15+$0x6180] =	vst v7  }
0x306: {  	v44 =	vadd.s32 $0x33, v0;
	v9 =	vld.idx.msk [tilespmem:v45+s9+$0x0], $0xffff;
	[tilespmem:s17+$0x6180] =	vst v10  }
0x307: {  	v52 =	vadd.s32 $0x31, v1;
	v11 =	vld.idx.msk [tilespmem:v46+s9+$0x0], $0xffff;
	[tilespmem:s18+$0x6180] =	vst v12  }
0x308: {  	v53 =	vadd.s32 $0x31, v3;
	v13 =	vld.idx.msk [tilespmem:v47+s9+$0x0], $0xffff;
	[tilespmem:s19+$0x6180] =	vst v14  }
0x309: {  	v54 =	vadd.s32 $0x31, v4;
	v15 =	vld.idx.msk [tilespmem:v48+s9+$0x0], $0xffff;
	[tilespmem:s20+$0x6180] =	vst v8  }
0x30a: {  	[tilespmem:s16+$0x8080] =	vst v56;
	v55 =	vadd.s32 $0x31, v5;
	v7 =	vld.idx.msk [tilespmem:v50+s9+$0x0], $0xffff  }
0x30b: {  	v57 =	vadd.s32 $0x31, v6;
	v49 =	vld.idx.msk [tilespmem:v44+s9+$0x0], $0xffff;
	[tilespmem:s15+$0x6E00] =	vst v9  }
0x30c: {  	v21 =	vadd.s32 $0x3E, v2;
	v10 =	vld.idx.msk [tilespmem:v52+s9+$0x0], $0xffff;
	[tilespmem:s17+$0x6E00] =	vst v11  }
0x30d: {  	v59 =	vadd.s32 $0x32, v1;
	v12 =	vld.idx.msk [tilespmem:v53+s9+$0x0], $0xffff;
	[tilespmem:s18+$0x6E00] =	vst v13  }
0x30e: {  	v60 =	vadd.s32 $0x32, v3;
	v14 =	vld.idx.msk [tilespmem:v54+s9+$0x0], $0xffff;
	[tilespmem:s19+$0x6E00] =	vst v15  }
0x30f: {  	v61 =	vadd.s32 $0x32, v4;
	v8 =	vld.idx.msk [tilespmem:v55+s9+$0x0], $0xffff;
	[tilespmem:s20+$0x6E00] =	vst v7  }
0x310: {  	v62 =	vadd.s32 $0x32, v5;
	[tilespmem:s14+$0x6F80] =	vst v49;
	v9 =	vld.idx.msk [tilespmem:v57+s9+$0x0], $0xffff  }
0x311: {  	v20 =	vadd.s32 $0x32, v6;
	v26 =	vld.idx.msk [tilespmem:v21+s9+$0x0], $0xffff;
	[tilespmem:s15+$0x6E80] =	vst v10  }
0x312: {  	v58 =	vadd.s32 $0x34, v0;
	v11 =	vld.idx.msk [tilespmem:v59+s9+$0x0], $0xffff;
	[tilespmem:s17+$0x6E80] =	vst v12  }
0x313: {  	v22 =	vadd.s32 $0x33, v1;
	v13 =	vld.idx.msk [tilespmem:v60+s9+$0x0], $0xffff;
	[tilespmem:s18+$0x6E80] =	vst v14  }
0x314: {  	v23 =	vadd.s32 $0x33, v3;
	v15 =	vld.idx.msk [tilespmem:v61+s9+$0x0], $0xffff;
	[tilespmem:s19+$0x6E80] =	vst v8  }
0x315: {  	v24 =	vadd.s32 $0x33, v4;
	v7 =	vld.idx.msk [tilespmem:v62+s9+$0x0], $0xffff;
	[tilespmem:s20+$0x6E80] =	vst v9  }
0x316: {  	[tilespmem:s16+$0x8100] =	vst v26;
	v25 =	vadd.s32 $0x33, v5;
	v10 =	vld.idx.msk [tilespmem:v20+s9+$0x0], $0xffff  }
0x317: {  	v63 =	vld.idx.msk [tilespmem:v58+s9+$0x0], $0xffff;
	v27 =	vadd.s32 $0x33, v6;
	[tilespmem:s15+$0x6F00] =	vst v11  }
0x318: {  	v28 =	vadd.s32 $0x35, v0;
	v12 =	vld.idx.msk [tilespmem:v22+s9+$0x0], $0xffff;
	[tilespmem:s17+$0x6F00] =	vst v13  }
0x319: {  	v29 =	vadd.s32 $0x34, v1;
	v14 =	vld.idx.msk [tilespmem:v23+s9+$0x0], $0xffff;
	[tilespmem:s18+$0x6F00] =	vst v15  }
0x31a: {  	v30 =	vadd.s32 $0x34, v3;
	v8 =	vld.idx.msk [tilespmem:v24+s9+$0x0], $0xffff;
	[tilespmem:s19+$0x6F00] =	vst v7  }
0x31b: {  	v31 =	vadd.s32 $0x34, v4;
	v9 =	vld.idx.msk [tilespmem:v25+s9+$0x0], $0xffff;
	[tilespmem:s20+$0x6F00] =	vst v10  }
0x31c: {  	[tilespmem:s14+$0x7000] =	vst v63;
	v32 =	vadd.s32 $0x34, v5;
	v11 =	vld.idx.msk [tilespmem:v27+s9+$0x0], $0xffff  }
0x31d: {  	v34 =	vadd.s32 $0x34, v6;
	v33 =	vld.idx.msk [tilespmem:v28+s9+$0x0], $0xffff;
	[tilespmem:s15+$0x6F80] =	vst v12  }
0x31e: {  	v35 =	vadd.s32 $0x3F, v2;
	v13 =	vld.idx.msk [tilespmem:v29+s9+$0x0], $0xffff;
	[tilespmem:s17+$0x6F80] =	vst v14  }
0x31f: {  	v36 =	vadd.s32 $0x35, v1;
	v15 =	vld.idx.msk [tilespmem:v30+s9+$0x0], $0xffff;
	[tilespmem:s18+$0x6F80] =	vst v8  }
0x320: {  	v37 =	vadd.s32 $0x35, v3;
	v7 =	vld.idx.msk [tilespmem:v31+s9+$0x0], $0xffff;
	[tilespmem:s19+$0x6F80] =	vst v9  }
0x321: {  	v38 =	vadd.s32 $0x35, v4;
	v10 =	vld.idx.msk [tilespmem:v32+s9+$0x0], $0xffff;
	[tilespmem:s20+$0x6F80] =	vst v11  }
0x322: {  	v39 =	vadd.s32 $0x35, v5;
	[tilespmem:s14+$0x7080] =	vst v33;
	v12 =	vld.idx.msk [tilespmem:v34+s9+$0x0], $0xffff  }
0x323: {  	v40 =	vadd.s32 $0x35, v6;
	v2 =	vld.idx.msk [tilespmem:v35+s9+$0x0], $0xffff;
	[tilespmem:s15+$0x7000] =	vst v13  }
0x324: {  	v41 =	vadd.s32 $0x36, v0;
	v14 =	vld.idx.msk [tilespmem:v36+s9+$0x0], $0xffff;
	[tilespmem:s17+$0x7000] =	vst v15  }
0x325: {  	v42 =	vadd.s32 $0x36, v1;
	v8 =	vld.idx.msk [tilespmem:v37+s9+$0x0], $0xffff;
	[tilespmem:s18+$0x7000] =	vst v7  }
0x326: {  	v43 =	vadd.s32 $0x36, v3;
	v9 =	vld.idx.msk [tilespmem:v38+s9+$0x0], $0xffff;
	[tilespmem:s19+$0x7000] =	vst v10  }
0x327: {  	v44 =	vadd.s32 $0x36, v4;
	v11 =	vld.idx.msk [tilespmem:v39+s9+$0x0], $0xffff;
	[tilespmem:s20+$0x7000] =	vst v12  }
0x328: {  	v45 =	vadd.s32 $0x36, v5;
	[tilespmem:s16+$0x8180] =	vst v2;
	v12 =	vld.idx.msk [tilespmem:v40+s9+$0x0], $0xffff  }
0x329: {  	v47 =	vadd.s32 $0x36, v6;
	v46 =	vld.idx.msk [tilespmem:v41+s9+$0x0], $0xffff;
	[tilespmem:s15+$0x7080] =	vst v14  }
0x32a: {  	v48 =	vadd.s32 $0x37, v0;
	v15 =	vld.idx.msk [tilespmem:v42+s9+$0x0], $0xffff;
	[tilespmem:s17+$0x7080] =	vst v8  }
0x32b: {  	v49 =	vadd.s32 $0x37, v1;
	v7 =	vld.idx.msk [tilespmem:v43+s9+$0x0], $0xffff;
	[tilespmem:s18+$0x7080] =	vst v9  }
0x32c: {  	v50 =	vadd.s32 $0x37, v3;
	v10 =	vld.idx.msk [tilespmem:v44+s9+$0x0], $0xffff;
	[tilespmem:s19+$0x7080] =	vst v11  }
0x32d: {  	v51 =	vadd.s32 $0x37, v4;
	v2 =	vld.idx.msk [tilespmem:v45+s9+$0x0], $0xffff;
	[tilespmem:s20+$0x7080] =	vst v12  }
0x32e: {  	v52 =	vadd.s32 $0x37, v5;
	[tilespmem:s14+$0x7100] =	vst v46;
	v53 =	vld.idx.msk [tilespmem:v47+s9+$0x0], $0xffff  }
0x32f: {  	v55 =	vadd.s32 $0x37, v6;
	v54 =	vld.idx.msk [tilespmem:v48+s9+$0x0], $0xffff;
	[tilespmem:s15+$0x7100] =	vst v15  }
0x330: {  	v56 =	vadd.s32 $0x38, v0;
	v8 =	vld.idx.msk [tilespmem:v49+s9+$0x0], $0xffff;
	[tilespmem:s17+$0x7100] =	vst v7  }
0x331: {  	v57 =	vadd.s32 $0x38, v1;
	v9 =	vld.idx.msk [tilespmem:v50+s9+$0x0], $0xffff;
	[tilespmem:s18+$0x7100] =	vst v10  }
0x332: {  	v58 =	vadd.s32 $0x38, v3;
	v11 =	vld.idx.msk [tilespmem:v51+s9+$0x0], $0xffff;
	[tilespmem:s19+$0x7100] =	vst v2  }
0x333: {  	v59 =	vadd.s32 $0x38, v4;
	v12 =	vld.idx.msk [tilespmem:v52+s9+$0x0], $0xffff;
	[tilespmem:s20+$0x7100] =	vst v53  }
0x334: {  	v60 =	vadd.s32 $0x38, v5;
	[tilespmem:s14+$0x7180] =	vst v54;
	v61 =	vld.idx.msk [tilespmem:v55+s9+$0x0], $0xffff  }
0x335: {  	v63 =	vadd.s32 $0x38, v6;
	v62 =	vld.idx.msk [tilespmem:v56+s9+$0x0], $0xffff;
	[tilespmem:s15+$0x7180] =	vst v8  }
0x336: {  	v20 =	vadd.s32 $0x39, v0;
	v7 =	vld.idx.msk [tilespmem:v57+s9+$0x0], $0xffff;
	[tilespmem:s17+$0x7180] =	vst v9  }
0x337: {  	v21 =	vadd.s32 $0x39, v1;
	v10 =	vld.idx.msk [tilespmem:v58+s9+$0x0], $0xffff;
	[tilespmem:s18+$0x7180] =	vst v11  }
0x338: {  	v22 =	vadd.s32 $0x39, v3;
	v2 =	vld.idx.msk [tilespmem:v59+s9+$0x0], $0xffff;
	[tilespmem:s19+$0x7180] =	vst v12  }
0x339: {  	v23 =	vadd.s32 $0x39, v4;
	v13 =	vld.idx.msk [tilespmem:v60+s9+$0x0], $0xffff;
	[tilespmem:s20+$0x7180] =	vst v61  }
0x33a: {  	v24 =	vadd.s32 $0x39, v5;
	[tilespmem:s14+$0x7E00] =	vst v62;
	v8 =	vld.idx.msk [tilespmem:v63+s9+$0x0], $0xffff  }
0x33b: {  	v25 =	vadd.s32 $0x39, v6;
	v15 =	vld.idx.msk [tilespmem:v20+s9+$0x0], $0xffff;
	[tilespmem:s15+$0x7E00] =	vst v7  }
0x33c: {  	v26 =	vadd.s32 $0x3A, v0;
	v9 =	vld.idx.msk [tilespmem:v21+s9+$0x0], $0xffff;
	[tilespmem:s17+$0x7E00] =	vst v10  }
0x33d: {  	v27 =	vadd.s32 $0x3A, v1;
	v11 =	vld.idx.msk [tilespmem:v22+s9+$0x0], $0xffff;
	[tilespmem:s18+$0x7E00] =	vst v2  }
0x33e: {  	v28 =	vadd.s32 $0x3A, v3;
	v12 =	vld.idx.msk [tilespmem:v23+s9+$0x0], $0xffff;
	[tilespmem:s19+$0x7E00] =	vst v13  }
0x33f: {  	v29 =	vadd.s32 $0x3A, v4;
	v14 =	vld.idx.msk [tilespmem:v24+s9+$0x0], $0xffff;
	[tilespmem:s20+$0x7E00] =	vst v8  }
0x340: {  	v30 =	vadd.s32 $0x3A, v5;
	[tilespmem:s14+$0x7E80] =	vst v15;
	v7 =	vld.idx.msk [tilespmem:v25+s9+$0x0], $0xffff  }
0x341: {  	v31 =	vadd.s32 $0x3A, v6;
	v15 =	vld.idx.msk [tilespmem:v26+s9+$0x0], $0xffff;
	[tilespmem:s15+$0x7E80] =	vst v9  }
0x342: {  	v32 =	vadd.s32 $0x3B, v0;
	v10 =	vld.idx.msk [tilespmem:v27+s9+$0x0], $0xffff;
	[tilespmem:s17+$0x7E80] =	vst v11  }
0x343: {  	v33 =	vadd.s32 $0x3B, v1;
	v2 =	vld.idx.msk [tilespmem:v28+s9+$0x0], $0xffff;
	[tilespmem:s18+$0x7E80] =	vst v12  }
0x344: {  	v34 =	vadd.s32 $0x3B, v3;
	v13 =	vld.idx.msk [tilespmem:v29+s9+$0x0], $0xffff;
	[tilespmem:s19+$0x7E80] =	vst v14  }
0x345: {  	v35 =	vadd.s32 $0x3B, v4;
	v8 =	vld.idx.msk [tilespmem:v30+s9+$0x0], $0xffff;
	[tilespmem:s20+$0x7E80] =	vst v7  }
0x346: {  	v36 =	vadd.s32 $0x3B, v5;
	[tilespmem:s14+$0x7F00] =	vst v15;
	v9 =	vld.idx.msk [tilespmem:v31+s9+$0x0], $0xffff  }
0x347: {  	v37 =	vadd.s32 $0x3B, v6;
	v15 =	vld.idx.msk [tilespmem:v32+s9+$0x0], $0xffff;
	[tilespmem:s15+$0x7F00] =	vst v10  }
0x348: {  	v38 =	vadd.s32 $0x3C, v0;
	v11 =	vld.idx.msk [tilespmem:v33+s9+$0x0], $0xffff;
	[tilespmem:s17+$0x7F00] =	vst v2  }
0x349: {  	v39 =	vadd.s32 $0x3C, v1;
	v12 =	vld.idx.msk [tilespmem:v34+s9+$0x0], $0xffff;
	[tilespmem:s18+$0x7F00] =	vst v13  }
0x34a: {  	v40 =	vadd.s32 $0x3C, v3;
	v14 =	vld.idx.msk [tilespmem:v35+s9+$0x0], $0xffff;
	[tilespmem:s19+$0x7F00] =	vst v8  }
0x34b: {  	v41 =	vadd.s32 $0x3C, v4;
	v7 =	vld.idx.msk [tilespmem:v36+s9+$0x0], $0xffff;
	[tilespmem:s20+$0x7F00] =	vst v9  }
0x34c: {  	v42 =	vadd.s32 $0x3C, v5;
	[tilespmem:s14+$0x7F80] =	vst v15;
	v10 =	vld.idx.msk [tilespmem:v37+s9+$0x0], $0xffff  }
0x34d: {  	v43 =	vadd.s32 $0x3C, v6;
	v15 =	vld.idx.msk [tilespmem:v38+s9+$0x0], $0xffff;
	[tilespmem:s15+$0x7F80] =	vst v11  }
0x34e: {  	v44 =	vadd.s32 $0x3D, v0;
	v2 =	vld.idx.msk [tilespmem:v39+s9+$0x0], $0xffff;
	[tilespmem:s17+$0x7F80] =	vst v12  }
0x34f: {  	v45 =	vadd.s32 $0x3D, v1;
	v13 =	vld.idx.msk [tilespmem:v40+s9+$0x0], $0xffff;
	[tilespmem:s18+$0x7F80] =	vst v14  }
0x350: {  	v46 =	vadd.s32 $0x3D, v3;
	v8 =	vld.idx.msk [tilespmem:v41+s9+$0x0], $0xffff;
	[tilespmem:s19+$0x7F80] =	vst v7  }
0x351: {  	v47 =	vadd.s32 $0x3D, v4;
	v9 =	vld.idx.msk [tilespmem:v42+s9+$0x0], $0xffff;
	[tilespmem:s20+$0x7F80] =	vst v10  }
0x352: {  	v48 =	vadd.s32 $0x3D, v5;
	[tilespmem:s14+$0x8000] =	vst v15;
	v11 =	vld.idx.msk [tilespmem:v43+s9+$0x0], $0xffff  }
0x353: {  	v49 =	vadd.s32 $0x3D, v6;
	v15 =	vld.idx.msk [tilespmem:v44+s9+$0x0], $0xffff;
	[tilespmem:s15+$0x8000] =	vst v2  }
0x354: {  	v50 =	vadd.s32 $0x3E, v0;
	v12 =	vld.idx.msk [tilespmem:v45+s9+$0x0], $0xffff;
	[tilespmem:s17+$0x8000] =	vst v13  }
0x355: {  	v51 =	vadd.s32 $0x3E, v1;
	v14 =	vld.idx.msk [tilespmem:v46+s9+$0x0], $0xffff;
	[tilespmem:s18+$0x8000] =	vst v8  }
0x356: {  	v52 =	vadd.s32 $0x3E, v3;
	v7 =	vld.idx.msk [tilespmem:v47+s9+$0x0], $0xffff;
	[tilespmem:s19+$0x8000] =	vst v9  }
0x357: {  	v53 =	vadd.s32 $0x3E, v4;
	v10 =	vld.idx.msk [tilespmem:v48+s9+$0x0], $0xffff;
	[tilespmem:s20+$0x8000] =	vst v11  }
0x358: {  	v54 =	vadd.s32 $0x3E, v5;
	[tilespmem:s14+$0x8080] =	vst v15;
	v2 =	vld.idx.msk [tilespmem:v49+s9+$0x0], $0xffff  }
0x359: {  	v55 =	vadd.s32 $0x3E, v6;
	v15 =	vld.idx.msk [tilespmem:v50+s9+$0x0], $0xffff;
	[tilespmem:s15+$0x8080] =	vst v12  }
0x35a: {  	v56 =	vadd.s32 $0x3F, v0;
	v13 =	vld.idx.msk [tilespmem:v51+s9+$0x0], $0xffff;
	[tilespmem:s17+$0x8080] =	vst v14  }
0x35b: {  	v57 =	vadd.s32 $0x3F, v1;
	v8 =	vld.idx.msk [tilespmem:v52+s9+$0x0], $0xffff;
	[tilespmem:s18+$0x8080] =	vst v7  }
0x35c: {  	v58 =	vadd.s32 $0x3F, v3;
	v7 =	vld.idx.msk [tilespmem:v53+s9+$0x0], $0xffff;
	[tilespmem:s19+$0x8080] =	vst v10  }
0x35d: {  	v59 =	vadd.s32 $0x3F, v4;
	v60 =	vld.idx.msk [tilespmem:v54+s9+$0x0], $0xffff;
	[tilespmem:s20+$0x8080] =	vst v2  }
0x35e: {  	v61 =	vadd.s32 $0x3F, v5;
	[tilespmem:s14+$0x8100] =	vst v15;
	v62 =	vld.idx.msk [tilespmem:v55+s9+$0x0], $0xffff  }
0x35f: {  	v6 =	vadd.s32 $0x3F, v6;
	v0 =	vld.idx.msk [tilespmem:v56+s9+$0x0], $0xffff;
	[tilespmem:s15+$0x8100] =	vst v13  }
0x360: {  	v1 =	vld.idx.msk [tilespmem:v57+s9+$0x0], $0xffff;
	[tilespmem:s17+$0x8100] =	vst v8  }
0x361: {  	v3 =	vld.idx.msk [tilespmem:v58+s9+$0x0], $0xffff;
	[tilespmem:s18+$0x8100] =	vst v7  }
0x362: {  	v4 =	vld.idx.msk [tilespmem:v59+s9+$0x0], $0xffff;
	[tilespmem:s19+$0x8100] =	vst v60  }
0x363: {  	v2 =	vld.idx.msk [tilespmem:v61+s9+$0x0], $0xffff;
	[tilespmem:s20+$0x8100] =	vst v62  }
0x364: {  	[tilespmem:s14+$0x8180] =	vst v0;
	v63 =	vld.idx.msk [tilespmem:v6+s9+$0x0], $0xffff  }
0x365: {  	[tilespmem:s15+$0x8180] =	vst v1  }
0x366: {  	[tilespmem:s17+$0x8180] =	vst v3  }
0x367: {  	s13 =	sadd.s32 $0x1, s13;
	[tilespmem:s18+$0x8180] =	vst v4  }
0x368: {  	p0 =	sne.s32 s13, s6;
	[tilespmem:s19+$0x8180] =	vst v2  }
.Ltmp1:
0x369: {  	[tilespmem:s20+$0x8180] =	vst v63;
	(pc) =	sbr.rel @p0 .LBB2_1-.Ltmp1, $4  }
0x36a: {  	[hbm4b:s5+s10] =	stream.strided.scatter [tilespmem:s12], [sflag:$0x1], $0x8000, s11, s10, $0x38;
	[tilespmem:$0x8E00] =	vst v63  }
0x36b: {  	_ =	swait.ge [sflag:s8], $0x8000  }
0x36c: {  	[sflag:s8] =	ssyncset.done $0x0  }
0x36d: {  	[sflag:s8] =	ssyncadd.s32 $0xFFFF8000  }
0x36e: {  	_ =	sfence.sel $0x180000  }
0x36f: {  	[bflag:$0x0] =	sbarrier.arrive $0xFFFF  }
0x370: {  	p0 =	sne.s32 s1, $0x0;
	_ =	strace $0x90000047  }
0x371: {  	s0 =	sadd.s32 @!p0 $0x100000, s0;
	[bflag:$0x2] =	sbarrier.arrive $0xFFFF  }
0x372: {  	[sflag:s0] =	ssyncadd.tile.s32 @!p0 $0x1;
	_ =	shalt  }
.Lfunc_end2:
_tile_overlayer_lowered:
.L_overlay_start_2:
0x373: {  	(tag) =	ssettag $0x2  }
0x374: {  	s0 =	rddreg [dreg:$0x0];
	s2 =	stileid.u32  }
0x375: {  	s1 =	rddreg [dreg:$0x1];
	p0 =	sne.s32 s2, $0x0  }
0x376: {  	s3 =	rddreg [dreg:$0x2];
	[bflag:$0x3] =	sbarrier.arrive $0xFFFF;
	s2 =	simm.s32 @!p0 $0x1C01  }
0x377: {  	[timem:s3], [sflag:s2] =	dma.local @!p0 [hbm:s0], s1  }
0x378: {  	s0 =	simm.s32 @!p0 $0x1  }
0x379: {  	_ =	swait.ge @!p0 [sflag:s0], s1  }
0x37a: {  	s1 =	ssub.s32 @!p0 $0x0, s1;
	[sflag:s0] =	ssyncset.done @!p0 $0x0  }
0x37b: {  	[sflag:s0] =	ssyncadd.s32 @!p0 s1  }
0x37c: {  	[bflag:$0x3] =	sbarrier.arrive $0xFFFF  }
0x37d: {  	_ =	shalt  }

</sc_bundles>
